<compile_context>
chip_gen: v7x
topology: tpu7x:2x2x1
jax: 0.10.2.dev20260603
libtpu: 0.0.44.dev20260713+nightly
codegen_flags: <defaults>
</compile_context>

<pallas_src>
import functools

import jax
import jax.numpy as jnp
import numpy as np
from jax import lax
from jax.experimental import pallas as pl
from jax.experimental.pallas import tpu as pltpu
from jax.experimental.pallas import tpu_sc as plsc

D_MODEL = 256
N_HEADS = 8
N_LEVELS = 4
N_POINTS = 4
SPATIAL = ((64, 64), (32, 32), (16, 16), (8, 8))
STARTS = (0, 4096, 5120, 5376)
SEQ = 5440
DH = D_MODEL // N_HEADS
HLP = N_HEADS * N_LEVELS * N_POINTS
NC, NS = 2, 16
NW = NC * NS

QB = 680


def _mm_body(x_ref, w_ref, b_ref, o_ref):
    o_ref[0] = (
        jnp.dot(x_ref[0], w_ref[...], preferred_element_type=jnp.float32,
                precision=lax.Precision.HIGHEST)
        + b_ref[...]
    ).astype(o_ref.dtype)


def _matmul(x, w, b, out_dtype=jnp.float32):
    Bb, N, K = x.shape
    M = w.shape[1]
    qb = 544 if out_dtype == jnp.bfloat16 else QB
    nb = N // qb
    return pl.pallas_call(
        _mm_body,
        grid=(Bb, nb),
        in_specs=[
            pl.BlockSpec((1, qb, K), lambda i, j: (i, j, 0)),
            pl.BlockSpec((K, M), lambda i, j: (0, 0)),
            pl.BlockSpec((1, M), lambda i, j: (0, 0)),
        ],
        out_specs=pl.BlockSpec((1, qb, M), lambda i, j: (i, j, 0)),
        out_shape=jax.ShapeDtypeStruct((Bb, N, M), out_dtype),
    )(x, w, b.reshape(1, M))


def _samp_body(x_ref, refp_ref, wbig_ref, bbig_ref, g_ref, selx_ref, sely_ref,
               cols_ref, idx_ref, w_ref, attn_ref):
    x = x_ref[0]
    p = jnp.dot(x, wbig_ref[...], preferred_element_type=jnp.float32, precision=lax.Precision.HIGHEST) + bbig_ref[...]
    offx = p[:, :HLP]
    offy = p[:, HLP:2 * HLP]
    logits = p[:, 2 * HLP:]
    e = jnp.exp(logits)
    s = jnp.dot(e, g_ref[...], preferred_element_type=jnp.float32, precision=lax.Precision.HIGHEST)
    attn = e / s
    attn_ref[0] = attn

    refp = refp_ref[0]
    xs = jnp.dot(refp, selx_ref[...], preferred_element_type=jnp.float32, precision=lax.Precision.HIGHEST) + offx - 0.5
    ys = jnp.dot(refp, sely_ref[...], preferred_element_type=jnp.float32, precision=lax.Precision.HIGHEST) + offy - 0.5
    x0 = jnp.floor(xs)
    y0 = jnp.floor(ys)
    fx = xs - x0
    fy = ys - y0
    wl = cols_ref[0:1, :]
    hl = cols_ref[1:2, :]
    st = cols_ref[2:3, :]
    hh = cols_ref[3:4, :]
    bbase = (pl.program_id(0) * SEQ).astype(jnp.float32)
    for c, (cx, cy) in enumerate(((0, 0), (1, 0), (0, 1), (1, 1))):
        xi = x0 + cx
        yi = y0 + cy
        wx = fx if cx else 1.0 - fx
        wy = fy if cy else 1.0 - fy
        valid = ((xi >= 0) & (xi <= wl - 1) & (yi >= 0) & (yi <= hl - 1))
        wgt = wx * wy * attn * valid.astype(jnp.float32)
        xic = jnp.clip(xi, 0.0, wl - 1)
        yic = jnp.clip(yi, 0.0, hl - 1)
        row = (bbase + st + yic * wl + xic) * 8.0 + hh
        idx_ref[0, :, c * HLP:(c + 1) * HLP] = row.astype(jnp.int32)
        w_ref[0, :, c * HLP:(c + 1) * HLP] = wgt


def _sampling_params(hidden, refp_flat, w_big, b_big, g, selx, sely, cols):
    Bb, Qq, _ = hidden.shape
    nb = Qq // QB
    return pl.pallas_call(
        _samp_body,
        grid=(Bb, nb),
        in_specs=[
            pl.BlockSpec((1, QB, D_MODEL), lambda i, j: (i, j, 0)),
            pl.BlockSpec((1, QB, 8), lambda i, j: (i, j, 0)),
            pl.BlockSpec((D_MODEL, 3 * HLP), lambda i, j: (0, 0)),
            pl.BlockSpec((1, 3 * HLP), lambda i, j: (0, 0)),
            pl.BlockSpec((HLP, HLP), lambda i, j: (0, 0)),
            pl.BlockSpec((8, HLP), lambda i, j: (0, 0)),
            pl.BlockSpec((8, HLP), lambda i, j: (0, 0)),
            pl.BlockSpec((8, HLP), lambda i, j: (0, 0)),
        ],
        out_specs=[
            pl.BlockSpec((1, QB, 4 * HLP), lambda i, j: (i, j, 0)),
            pl.BlockSpec((1, QB, 4 * HLP), lambda i, j: (i, j, 0)),
            pl.BlockSpec((1, QB, HLP), lambda i, j: (i, j, 0)),
        ],
        out_shape=[
            jax.ShapeDtypeStruct((Bb, Qq, 4 * HLP), jnp.int32),
            jax.ShapeDtypeStruct((Bb, Qq, 4 * HLP), jnp.float32),
            jax.ShapeDtypeStruct((Bb, Qq, HLP), jnp.float32),
        ],
    )(hidden, refp_flat, w_big, b_big, g, selx, sely, cols)


def _sc_gather(table, idx, wgt):
    n = idx.shape[0]
    qpw = n // NW
    mesh = plsc.VectorSubcoreMesh(core_axis_name="c", subcore_axis_name="s")

    @functools.partial(
        pl.kernel,
        mesh=mesh,
        out_type=jax.ShapeDtypeStruct((n, 2 * HLP), jnp.float32),
        scratch_types=[
            pltpu.VMEM((4, 4, HLP), jnp.int32),
            pltpu.VMEM((4, 4 * HLP), jnp.float32),
            pltpu.VMEM((4, 4 * HLP, DH), jnp.bfloat16),
            pltpu.VMEM((2, 2 * HLP), jnp.float32),
            [pltpu.SemaphoreType.DMA] * 4,
            [pltpu.SemaphoreType.DMA] * 4,
            [pltpu.SemaphoreType.DMA] * 2,
        ],
        compiler_params=pltpu.CompilerParams(
            needs_layout_passes=False, use_tc_tiling_on_sc=False
        ),
    )
    def k(table_h, idx_h, w_h, out_h, idx_v, w_v, rows_v, out_v, sems, isems,
          osems):
        wid = lax.axis_index("s") * NC + lax.axis_index("c")
        base = wid * qpw

        def clamped(i):
            return jnp.minimum(base + i, n - 1)

        def start_io(i, s):
            row = clamped(i)
            pltpu.async_copy(idx_h.at[row], idx_v.at[s], isems[s])
            pltpu.async_copy(w_h.at[row], w_v.at[s], isems[s])

        def wait_io(i, s):
            row = clamped(i)
            pltpu.make_async_copy(idx_h.at[row], idx_v.at[s], isems[s]).wait()
            pltpu.make_async_copy(w_h.at[row], w_v.at[s], isems[s]).wait()

        def issue_gathers(s):
            for c in range(4):
                pltpu.async_copy(
                    table_h.at[idx_v.at[s, c]],
                    rows_v.at[s, pl.ds(c * HLP, HLP)],
                    sems[s],
                )

        def wait_in(s):
            for c in range(4):
                pltpu.make_async_copy(
                    table_h.at[idx_v.at[s, c]],
                    rows_v.at[s, pl.ds(c * HLP, HLP)],
                    sems[s],
                ).wait()

        def compute(i, s, p):
            row = base + i
            for h in range(N_HEADS):
                e, o = plsc.unpack(
                    rows_v[s, h, :], format=plsc.PackFormat.INTERLEAVED
                )
                out_v[p, pl.ds(h * DH, 16)] = e
                out_v[p, pl.ds(h * DH + 16, 16)] = o
            pltpu.async_copy(out_v.at[p], out_h.at[row], osems[p])

        def wait_out(i, p):
            row = base + i
            pltpu.make_async_copy(out_v.at[p], out_h.at[row], osems[p]).wait()

        for q0 in range(3):
            start_io(q0, q0)
        wait_io(0, 0)
        issue_gathers(0)

        @pl.loop(0, qpw, step=4)
        def _q(t):
            for jo in range(4):
                q = t + jo
                s, s1, s3, p = jo, (jo + 1) % 4, (jo + 3) % 4, jo % 2
                wait_io(q + 1, s1)
                issue_gathers(s1)
                wait_in(s)
                start_io(q + 3, s3)
                if jo >= 2:
                    wait_out(q - 2, p)
                else:
                    @pl.when(t > 0)
                    def _(q=q, p=p):
                        wait_out(q - 2, p)
                compute(q, s, p)

        wait_in(0)
        wait_io(qpw + 1, 1)
        wait_io(qpw + 2, 2)
        wait_out(qpw - 2, 0)
        wait_out(qpw - 1, 1)

    return k(table, idx, wgt)


def _np_consts():
    cols_h = np.arange(HLP) // (N_LEVELS * N_POINTS)
    cols_l = (np.arange(HLP) // N_POINTS) % N_LEVELS
    selx = np.zeros((8, HLP), np.float32)
    sely = np.zeros((8, HLP), np.float32)
    cols = np.zeros((8, HLP), np.float32)
    for col in range(HLP):
        h = cols_h[col]
        l = cols_l[col]
        Hl, Wl = SPATIAL[l]
        selx[2 * l, col] = Wl
        sely[2 * l + 1, col] = Hl
        cols[0, col] = Wl
        cols[1, col] = Hl
        cols[2, col] = STARTS[l]
        cols[3, col] = h
    g = np.kron(np.eye(N_HEADS, dtype=np.float32), np.ones((16, 16), np.float32))
    return selx, sely, cols, g


_SELX, _SELY, _COLS, _G = _np_consts()


def kernel(hidden_states, encoder_hidden_states, reference_points, spatial_shapes,
           level_start_index, W_value, b_value, W_off, b_off, W_attn, b_attn,
           W_out, b_out):
    B, Q, _ = hidden_states.shape

    perm = np.arange(D_MODEL).reshape(N_HEADS, 2, 16).transpose(0, 2, 1).reshape(-1)
    value = _matmul(encoder_hidden_states, W_value[:, perm], b_value[perm],
                    out_dtype=jnp.bfloat16)
    table = value.reshape(B * SEQ * N_HEADS, DH)

    w_big = jnp.concatenate([W_off[:, 0::2], W_off[:, 1::2], W_attn], axis=1)
    b_big = jnp.concatenate([b_off[0::2], b_off[1::2], b_attn]).reshape(1, 3 * HLP)
    refp_flat = reference_points.reshape(B, Q, 2 * N_LEVELS)

    idx, wgt, attn = _sampling_params(
        hidden_states, refp_flat, w_big, b_big, _G, _SELX, _SELY, _COLS)

    sampled = _sc_gather(table, idx.reshape(B * Q, 4, HLP), wgt.reshape(B * Q, 4 * HLP))
    out = _matmul(sampled.reshape(B, Q, D_MODEL), W_out, b_out)
    return (out, attn.reshape(B, Q, N_HEADS, N_LEVELS, N_POINTS))

# --- scband reference (transcript-rebuilt; emitter-appended) ---
"""Pipeline reference for scband-grounding-dino-multiscale-deformable-attention-53343493816658 (READ-ONLY COPY).

The authoritative reference and input builder live on the scoring server;
editing this copy changes nothing except your own understanding.
"""

import jax, jax.numpy as jnp
import numpy as np

D_MODEL = 256
N_HEADS = 8
N_LEVELS = 4
N_POINTS = 4
SPATIAL_SHAPES = [(64, 64), (32, 32), (16, 16), (8, 8)]
SEQ = sum(h * w for h, w in SPATIAL_SHAPES)  # 5440
B = 4
Q = SEQ
D_HEAD = D_MODEL // N_HEADS


def setup_inputs(seed: int = 0) -> dict:
    key = jax.random.key(seed)
    ks = jax.random.split(key, 10)
    scale = 0.02
    inp = {}
    inp["hidden_states"] = jax.random.normal(ks[0], (B, Q, D_MODEL), dtype=jnp.float32)
    inp["encoder_hidden_states"] = jax.random.normal(ks[1], (B, SEQ, D_MODEL), dtype=jnp.float32)
    inp["reference_points"] = jax.random.uniform(ks[2], (B, Q, N_LEVELS, 2), dtype=jnp.float32)
    inp["spatial_shapes"] = jnp.array(SPATIAL_SHAPES, dtype=jnp.int32)
    starts = np.cumsum([0] + [h * w for h, w in SPATIAL_SHAPES[:-1]])
    inp["level_start_index"] = jnp.array(starts, dtype=jnp.int32)
    inp["W_value"] = jax.random.normal(ks[3], (D_MODEL, D_MODEL), dtype=jnp.float32) * scale
    inp["b_value"] = jnp.zeros((D_MODEL,), dtype=jnp.float32)
    inp["W_off"] = jax.random.normal(ks[4], (D_MODEL, N_HEADS * N_LEVELS * N_POINTS * 2), dtype=jnp.float32) * scale
    inp["b_off"] = jax.random.normal(ks[5], (N_HEADS * N_LEVELS * N_POINTS * 2,), dtype=jnp.float32) * scale
    inp["W_attn"] = jax.random.normal(ks[6], (D_MODEL, N_HEADS * N_LEVELS * N_POINTS), dtype=jnp.float32) * scale
    inp["b_attn"] = jnp.zeros((N_HEADS * N_LEVELS * N_POINTS,), dtype=jnp.float32)
    inp["W_out"] = jax.random.normal(ks[7], (D_MODEL, D_MODEL), dtype=jnp.float32) * scale
    inp["b_out"] = jnp.zeros((D_MODEL,), dtype=jnp.float32)
    return inp


def _ms_deform_attn(value, sampling_locations, attention_weights):
    # value: (B, S, H, Dh); sampling_locations: (B, Q, H, L, P, 2) in [0,1]
    # attention_weights: (B, Q, H, L, P)
    B_, _, H_, Dh = value.shape
    Q_ = sampling_locations.shape[1]
    out = jnp.zeros((B_, H_, Q_, Dh), dtype=value.dtype)
    s0 = 0
    for lvl, (Hl, Wl) in enumerate(SPATIAL_SHAPES):
        vl = value[:, s0:s0 + Hl * Wl]  # (B, S_l, H, Dh)
        s0 += Hl * Wl
        vt = jnp.transpose(vl, (0, 2, 1, 3))  # (B, H, S_l, Dh)
        gl = sampling_locations[:, :, :, lvl]  # (B, Q, H, P, 2)
        x = gl[..., 0] * Wl - 0.5
        y = gl[..., 1] * Hl - 0.5
        x0 = jnp.floor(x)
        y0 = jnp.floor(y)
        samples = jnp.zeros((B_, H_, Q_, N_POINTS, Dh), dtype=value.dtype)
        corners = [
            (x0, y0, (x0 + 1.0 - x) * (y0 + 1.0 - y)),
            (x0 + 1.0, y0, (x - x0) * (y0 + 1.0 - y)),
            (x0, y0 + 1.0, (x0 + 1.0 - x) * (y - y0)),
            (x0 + 1.0, y0 + 1.0, (x - x0) * (y - y0)),
        ]
        for xi, yi, w in corners:
            valid = ((xi >= 0) & (xi <= Wl - 1) & (yi >= 0) & (yi <= Hl - 1)).astype(value.dtype)
            xi_c = jnp.clip(xi, 0, Wl - 1).astype(jnp.int32)
            yi_c = jnp.clip(yi, 0, Hl - 1).astype(jnp.int32)
            idx = yi_c * Wl + xi_c  # (B, Q, H, P)
            idx_t = jnp.transpose(idx, (0, 2, 1, 3)).reshape(B_, H_, Q_ * N_POINTS)
            g = jnp.take_along_axis(vt, idx_t[..., None], axis=2)  # (B, H, Q*P, Dh)
            g = g.reshape(B_, H_, Q_, N_POINTS, Dh)
            wv = jnp.transpose(w * valid, (0, 2, 1, 3))  # (B, H, Q, P)
            samples = samples + g * wv[..., None]
        aw_l = jnp.transpose(attention_weights[:, :, :, lvl], (0, 2, 1, 3))  # (B, H, Q, P)
        out = out + jnp.sum(samples * aw_l[..., None], axis=3)  # (B, H, Q, Dh)
    out = jnp.transpose(out, (0, 2, 1, 3)).reshape(B_, Q_, H_ * Dh)
    return out


def reference(hidden_states, encoder_hidden_states, reference_points, spatial_shapes,
              level_start_index, W_value, b_value, W_off, b_off, W_attn, b_attn, W_out, b_out):
    B_, Q_, _ = hidden_states.shape
    S_ = encoder_hidden_states.shape[1]
    value = encoder_hidden_states @ W_value + b_value
    value = value.reshape(B_, S_, N_HEADS, D_HEAD)
    sampling_offsets = (hidden_states @ W_off + b_off).reshape(B_, Q_, N_HEADS, N_LEVELS, N_POINTS, 2)
    attention_weights = (hidden_states @ W_attn + b_attn).reshape(B_, Q_, N_HEADS, N_LEVELS * N_POINTS)
    attention_weights = jax.nn.softmax(attention_weights, axis=-1).reshape(B_, Q_, N_HEADS, N_LEVELS, N_POINTS)
    ss = jnp.asarray(spatial_shapes)
    offset_normalizer = jnp.stack([ss[..., 1], ss[..., 0]], axis=-1).astype(hidden_states.dtype)
    sampling_locations = (reference_points[:, :, None, :, None, :]
                          + sampling_offsets / offset_normalizer[None, None, None, :, None, :])
    out = _ms_deform_attn(value, sampling_locations, attention_weights)
    output = out @ W_out + b_out
    return (output, attention_weights)

if __name__ == "__main__":
    import jax
    _d = setup_inputs()
    print(jax.jit(kernel)(*tuple(_d.values())))

</pallas_src>

<mosaic_0001>
#map = affine_map<(d0, d1) -> (0, 0)>
#map1 = affine_map<(d0, d1) -> (0, 0, 0)>
module attributes {stable_mosaic.version = 14 : i64} {
  func.func @k(%arg0: i32, %arg1: i32, %arg2: memref<174080x32xbf16, #tpu.memory_space<hbm>>, %arg3: memref<21760x4x128xi32, #tpu.memory_space<hbm>>, %arg4: memref<21760x512xf32, #tpu.memory_space<hbm>>, %arg5: memref<21760x256xf32, #tpu.memory_space<hbm>>, %arg6: memref<4x4x128xi32, #tpu.memory_space<vmem>>, %arg7: memref<4x512xf32, #tpu.memory_space<vmem>>, %arg8: memref<4x512x32xbf16, #tpu.memory_space<vmem>>, %arg9: memref<2x256xf32, #tpu.memory_space<vmem>>, %arg10: memref<!tpu.dma_semaphore, #tpu.memory_space<semaphore_mem>>, %arg11: memref<!tpu.dma_semaphore, #tpu.memory_space<semaphore_mem>>, %arg12: memref<!tpu.dma_semaphore, #tpu.memory_space<semaphore_mem>>, %arg13: memref<!tpu.dma_semaphore, #tpu.memory_space<semaphore_mem>>, %arg14: memref<!tpu.dma_semaphore, #tpu.memory_space<semaphore_mem>>, %arg15: memref<!tpu.dma_semaphore, #tpu.memory_space<semaphore_mem>>, %arg16: memref<!tpu.dma_semaphore, #tpu.memory_space<semaphore_mem>>, %arg17: memref<!tpu.dma_semaphore, #tpu.memory_space<semaphore_mem>>, %arg18: memref<!tpu.dma_semaphore, #tpu.memory_space<semaphore_mem>>, %arg19: memref<!tpu.dma_semaphore, #tpu.memory_space<semaphore_mem>>) attributes {dimension_semantics = [#tpu.dimension_semantics<core_parallel>, #tpu.dimension_semantics<subcore_parallel>], iteration_bounds = array<i64: 2, 16>, scalar_prefetch = 0 : i64, scratch_operands = 14 : i64, tpu.core_type = #tpu.core_type<sc_vector_subcore>, window_params = [{transform_indices = #map}, {transform_indices = #map1}, {transform_indices = #map}, {transform_indices = #map}]} {
    %mul3A = arith.constant 2 : i32
    %mul3A_0 = arith.muli %arg1, %mul3A : i32
    %add3A = arith.addi %mul3A_0, %arg0 : i32
    %mul3A_1 = arith.constant 680 : i32
    %mul3A_2 = arith.muli %add3A, %mul3A_1 : i32
    %add3A_3 = arith.constant 0 : i32
    %add3A_4 = arith.addi %mul3A_2, %add3A_3 : i32
    %min3A = arith.constant 21759 : i32
    %min3A_5 = arith.minsi %add3A_4, %min3A : i32
    %dma_start3A = arith.constant 0 : i32
    %dma_start3A_6 = arith.constant 0 : i32
    %dma_start3A_7 = arith.constant 0 : i32
    %dma_start3A_8 = tpu.memref_slice %arg6[%dma_start3A, %dma_start3A_6, %dma_start3A_7] : memref<4x4x128xi32, #tpu.memory_space<vmem>> -> memref<1x4x128xi32, #tpu.memory_space<vmem>>
    %dma_start3A_9 = tpu.memref_squeeze %dma_start3A_8 : memref<1x4x128xi32, #tpu.memory_space<vmem>> -> memref<4x128xi32, #tpu.memory_space<vmem>>
    %dma_start3A_10 = arith.constant 0 : i32
    %dma_start3A_11 = arith.constant 0 : i32
    %dma_start3A_12 = tpu.memref_slice %arg3[%min3A_5, %dma_start3A_10, %dma_start3A_11] : memref<21760x4x128xi32, #tpu.memory_space<hbm>> -> memref<1x4x128xi32, #tpu.memory_space<hbm>>
    %dma_start3A_13 = tpu.memref_squeeze %dma_start3A_12 : memref<1x4x128xi32, #tpu.memory_space<hbm>> -> memref<4x128xi32, #tpu.memory_space<hbm>>
    %dma_start3A_14 = arith.constant 0 : i32
    %dma_start3A_15 = arith.constant 0 : i32
    %dma_start3A_16 = tpu.memref_slice %arg6[%dma_start3A, %dma_start3A_14, %dma_start3A_15] : memref<4x4x128xi32, #tpu.memory_space<vmem>> -> memref<1x4x128xi32, #tpu.memory_space<vmem>>
    %dma_start3A_17 = tpu.memref_squeeze %dma_start3A_16 : memref<1x4x128xi32, #tpu.memory_space<vmem>> -> memref<4x128xi32, #tpu.memory_space<vmem>>
    %dma_start3A_18 = arith.constant 0 : i32
    %dma_start3A_19 = arith.constant 0 : i32
    %dma_start3A_20 = tpu.memref_slice %arg3[%min3A_5, %dma_start3A_18, %dma_start3A_19] : memref<21760x4x128xi32, #tpu.memory_space<hbm>> -> memref<1x4x128xi32, #tpu.memory_space<hbm>>
    %dma_start3A_21 = tpu.memref_squeeze %dma_start3A_20 : memref<1x4x128xi32, #tpu.memory_space<hbm>> -> memref<4x128xi32, #tpu.memory_space<hbm>>
    tpu.enqueue_dma source(%dma_start3A_21 : memref<4x128xi32, #tpu.memory_space<hbm>>) target(%dma_start3A_17 : memref<4x128xi32, #tpu.memory_space<vmem>>) target_semaphore(%arg14 : memref<!tpu.dma_semaphore, #tpu.memory_space<semaphore_mem>>)
    %dma_start3A_22 = arith.constant 0 : i32
    %dma_start3A_23 = arith.constant 0 : i32
    %dma_start3A_24 = tpu.memref_slice %arg7[%dma_start3A_22, %dma_start3A_23] : memref<4x512xf32, #tpu.memory_space<vmem>> -> memref<1x512xf32, #tpu.memory_space<vmem>>
    %dma_start3A_25 = tpu.memref_squeeze %dma_start3A_24 : memref<1x512xf32, #tpu.memory_space<vmem>> -> memref<512xf32, #tpu.memory_space<vmem>>
    %dma_start3A_26 = arith.constant 0 : i32
    %dma_start3A_27 = tpu.memref_slice %arg4[%min3A_5, %dma_start3A_26] : memref<21760x512xf32, #tpu.memory_space<hbm>> -> memref<1x512xf32, #tpu.memory_space<hbm>>
    %dma_start3A_28 = tpu.memref_squeeze %dma_start3A_27 : memref<1x512xf32, #tpu.memory_space<hbm>> -> memref<512xf32, #tpu.memory_space<hbm>>
    %dma_start3A_29 = arith.constant 0 : i32
    %dma_start3A_30 = tpu.memref_slice %arg7[%dma_start3A_22, %dma_start3A_29] : memref<4x512xf32, #tpu.memory_space<vmem>> -> memref<1x512xf32, #tpu.memory_space<vmem>>
    %dma_start3A_31 = tpu.memref_squeeze %dma_start3A_30 : memref<1x512xf32, #tpu.memory_space<vmem>> -> memref<512xf32, #tpu.memory_space<vmem>>
    %dma_start3A_32 = arith.constant 0 : i32
    %dma_start3A_33 = tpu.memref_slice %arg4[%min3A_5, %dma_start3A_32] : memref<21760x512xf32, #tpu.memory_space<hbm>> -> memref<1x512xf32, #tpu.memory_space<hbm>>
    %dma_start3A_34 = tpu.memref_squeeze %dma_start3A_33 : memref<1x512xf32, #tpu.memory_space<hbm>> -> memref<512xf32, #tpu.memory_space<hbm>>
    tpu.enqueue_dma source(%dma_start3A_34 : memref<512xf32, #tpu.memory_space<hbm>>) target(%dma_start3A_31 : memref<512xf32, #tpu.memory_space<vmem>>) target_semaphore(%arg14 : memref<!tpu.dma_semaphore, #tpu.memory_space<semaphore_mem>>)
    %add3A_35 = arith.constant 1 : i32
    %add3A_36 = arith.addi %mul3A_2, %add3A_35 : i32
    %min3A_37 = arith.constant 21759 : i32
    %min3A_38 = arith.minsi %add3A_36, %min3A_37 : i32
    %dma_start3A_39 = arith.constant 1 : i32
    %dma_start3A_40 = arith.constant 0 : i32
    %dma_start3A_41 = arith.constant 0 : i32
    %dma_start3A_42 = tpu.memref_slice %arg6[%dma_start3A_39, %dma_start3A_40, %dma_start3A_41] : memref<4x4x128xi32, #tpu.memory_space<vmem>> -> memref<1x4x128xi32, #tpu.memory_space<vmem>>
    %dma_start3A_43 = tpu.memref_squeeze %dma_start3A_42 : memref<1x4x128xi32, #tpu.memory_space<vmem>> -> memref<4x128xi32, #tpu.memory_space<vmem>>
    %dma_start3A_44 = arith.constant 0 : i32
    %dma_start3A_45 = arith.constant 0 : i32
    %dma_start3A_46 = tpu.memref_slice %arg3[%min3A_38, %dma_start3A_44, %dma_start3A_45] : memref<21760x4x128xi32, #tpu.memory_space<hbm>> -> memref<1x4x128xi32, #tpu.memory_space<hbm>>
    %dma_start3A_47 = tpu.memref_squeeze %dma_start3A_46 : memref<1x4x128xi32, #tpu.memory_space<hbm>> -> memref<4x128xi32, #tpu.memory_space<hbm>>
    %dma_start3A_48 = arith.constant 0 : i32
    %dma_start3A_49 = arith.constant 0 : i32
    %dma_start3A_50 = tpu.memref_slice %arg6[%dma_start3A_39, %dma_start3A_48, %dma_start3A_49] : memref<4x4x128xi32, #tpu.memory_space<vmem>> -> memref<1x4x128xi32, #tpu.memory_space<vmem>>
    %dma_start3A_51 = tpu.memref_squeeze %dma_start3A_50 : memref<1x4x128xi32, #tpu.memory_space<vmem>> -> memref<4x128xi32, #tpu.memory_space<vmem>>
    %dma_start3A_52 = arith.constant 0 : i32
    %dma_start3A_53 = arith.constant 0 : i32
    %dma_start3A_54 = tpu.memref_slice %arg3[%min3A_38, %dma_start3A_52, %dma_start3A_53] : memref<21760x4x128xi32, #tpu.memory_space<hbm>> -> memref<1x4x128xi32, #tpu.memory_space<hbm>>
    %dma_start3A_55 = tpu.memref_squeeze %dma_start3A_54 : memref<1x4x128xi32, #tpu.memory_space<hbm>> -> memref<4x128xi32, #tpu.memory_space<hbm>>
    tpu.enqueue_dma source(%dma_start3A_55 : memref<4x128xi32, #tpu.memory_space<hbm>>) target(%dma_start3A_51 : memref<4x128xi32, #tpu.memory_space<vmem>>) target_semaphore(%arg15 : memref<!tpu.dma_semaphore, #tpu.memory_space<semaphore_mem>>)
    %dma_start3A_56 = arith.constant 1 : i32
    %dma_start3A_57 = arith.constant 0 : i32
    %dma_start3A_58 = tpu.memref_slice %arg7[%dma_start3A_56, %dma_start3A_57] : memref<4x512xf32, #tpu.memory_space<vmem>> -> memref<1x512xf32, #tpu.memory_space<vmem>>
    %dma_start3A_59 = tpu.memref_squeeze %dma_start3A_58 : memref<1x512xf32, #tpu.memory_space<vmem>> -> memref<512xf32, #tpu.memory_space<vmem>>
    %dma_start3A_60 = arith.constant 0 : i32
    %dma_start3A_61 = tpu.memref_slice %arg4[%min3A_38, %dma_start3A_60] : memref<21760x512xf32, #tpu.memory_space<hbm>> -> memref<1x512xf32, #tpu.memory_space<hbm>>
    %dma_start3A_62 = tpu.memref_squeeze %dma_start3A_61 : memref<1x512xf32, #tpu.memory_space<hbm>> -> memref<512xf32, #tpu.memory_space<hbm>>
    %dma_start3A_63 = arith.constant 0 : i32
    %dma_start3A_64 = tpu.memref_slice %arg7[%dma_start3A_56, %dma_start3A_63] : memref<4x512xf32, #tpu.memory_space<vmem>> -> memref<1x512xf32, #tpu.memory_space<vmem>>
    %dma_start3A_65 = tpu.memref_squeeze %dma_start3A_64 : memref<1x512xf32, #tpu.memory_space<vmem>> -> memref<512xf32, #tpu.memory_space<vmem>>
    %dma_start3A_66 = arith.constant 0 : i32
    %dma_start3A_67 = tpu.memref_slice %arg4[%min3A_38, %dma_start3A_66] : memref<21760x512xf32, #tpu.memory_space<hbm>> -> memref<1x512xf32, #tpu.memory_space<hbm>>
    %dma_start3A_68 = tpu.memref_squeeze %dma_start3A_67 : memref<1x512xf32, #tpu.memory_space<hbm>> -> memref<512xf32, #tpu.memory_space<hbm>>
    tpu.enqueue_dma source(%dma_start3A_68 : memref<512xf32, #tpu.memory_space<hbm>>) target(%dma_start3A_65 : memref<512xf32, #tpu.memory_space<vmem>>) target_semaphore(%arg15 : memref<!tpu.dma_semaphore, #tpu.memory_space<semaphore_mem>>)
    %add3A_69 = arith.constant 2 : i32
    %add3A_70 = arith.addi %mul3A_2, %add3A_69 : i32
    %min3A_71 = arith.constant 21759 : i32
    %min3A_72 = arith.minsi %add3A_70, %min3A_71 : i32
    %dma_start3A_73 = arith.constant 2 : i32
    %dma_start3A_74 = arith.constant 0 : i32
    %dma_start3A_75 = arith.constant 0 : i32
    %dma_start3A_76 = tpu.memref_slice %arg6[%dma_start3A_73, %dma_start3A_74, %dma_start3A_75] : memref<4x4x128xi32, #tpu.memory_space<vmem>> -> memref<1x4x128xi32, #tpu.memory_space<vmem>>
    %dma_start3A_77 = tpu.memref_squeeze %dma_start3A_76 : memref<1x4x128xi32, #tpu.memory_space<vmem>> -> memref<4x128xi32, #tpu.memory_space<vmem>>
    %dma_start3A_78 = arith.constant 0 : i32
    %dma_start3A_79 = arith.constant 0 : i32
    %dma_start3A_80 = tpu.memref_slice %arg3[%min3A_72, %dma_start3A_78, %dma_start3A_79] : memref<21760x4x128xi32, #tpu.memory_space<hbm>> -> memref<1x4x128xi32, #tpu.memory_space<hbm>>
    %dma_start3A_81 = tpu.memref_squeeze %dma_start3A_80 : memref<1x4x128xi32, #tpu.memory_space<hbm>> -> memref<4x128xi32, #tpu.memory_space<hbm>>
    %dma_start3A_82 = arith.constant 0 : i32
    %dma_start3A_83 = arith.constant 0 : i32
    %dma_start3A_84 = tpu.memref_slice %arg6[%dma_start3A_73, %dma_start3A_82, %dma_start3A_83] : memref<4x4x128xi32, #tpu.memory_space<vmem>> -> memref<1x4x128xi32, #tpu.memory_space<vmem>>
    %dma_start3A_85 = tpu.memref_squeeze %dma_start3A_84 : memref<1x4x128xi32, #tpu.memory_space<vmem>> -> memref<4x128xi32, #tpu.memory_space<vmem>>
    %dma_start3A_86 = arith.constant 0 : i32
    %dma_start3A_87 = arith.constant 0 : i32
    %dma_start3A_88 = tpu.memref_slice %arg3[%min3A_72, %dma_start3A_86, %dma_start3A_87] : memref<21760x4x128xi32, #tpu.memory_space<hbm>> -> memref<1x4x128xi32, #tpu.memory_space<hbm>>
    %dma_start3A_89 = tpu.memref_squeeze %dma_start3A_88 : memref<1x4x128xi32, #tpu.memory_space<hbm>> -> memref<4x128xi32, #tpu.memory_space<hbm>>
    tpu.enqueue_dma source(%dma_start3A_89 : memref<4x128xi32, #tpu.memory_space<hbm>>) target(%dma_start3A_85 : memref<4x128xi32, #tpu.memory_space<vmem>>) target_semaphore(%arg16 : memref<!tpu.dma_semaphore, #tpu.memory_space<semaphore_mem>>)
    %dma_start3A_90 = arith.constant 2 : i32
    %dma_start3A_91 = arith.constant 0 : i32
    %dma_start3A_92 = tpu.memref_slice %arg7[%dma_start3A_90, %dma_start3A_91] : memref<4x512xf32, #tpu.memory_space<vmem>> -> memref<1x512xf32, #tpu.memory_space<vmem>>
    %dma_start3A_93 = tpu.memref_squeeze %dma_start3A_92 : memref<1x512xf32, #tpu.memory_space<vmem>> -> memref<512xf32, #tpu.memory_space<vmem>>
    %dma_start3A_94 = arith.constant 0 : i32
    %dma_start3A_95 = tpu.memref_slice %arg4[%min3A_72, %dma_start3A_94] : memref<21760x512xf32, #tpu.memory_space<hbm>> -> memref<1x512xf32, #tpu.memory_space<hbm>>
    %dma_start3A_96 = tpu.memref_squeeze %dma_start3A_95 : memref<1x512xf32, #tpu.memory_space<hbm>> -> memref<512xf32, #tpu.memory_space<hbm>>
    %dma_start3A_97 = arith.constant 0 : i32
    %dma_start3A_98 = tpu.memref_slice %arg7[%dma_start3A_90, %dma_start3A_97] : memref<4x512xf32, #tpu.memory_space<vmem>> -> memref<1x512xf32, #tpu.memory_space<vmem>>
    %dma_start3A_99 = tpu.memref_squeeze %dma_start3A_98 : memref<1x512xf32, #tpu.memory_space<vmem>> -> memref<512xf32, #tpu.memory_space<vmem>>
    %dma_start3A_100 = arith.constant 0 : i32
    %dma_start3A_101 = tpu.memref_slice %arg4[%min3A_72, %dma_start3A_100] : memref<21760x512xf32, #tpu.memory_space<hbm>> -> memref<1x512xf32, #tpu.memory_space<hbm>>
    %dma_start3A_102 = tpu.memref_squeeze %dma_start3A_101 : memref<1x512xf32, #tpu.memory_space<hbm>> -> memref<512xf32, #tpu.memory_space<hbm>>
    tpu.enqueue_dma source(%dma_start3A_102 : memref<512xf32, #tpu.memory_space<hbm>>) target(%dma_start3A_99 : memref<512xf32, #tpu.memory_space<vmem>>) target_semaphore(%arg16 : memref<!tpu.dma_semaphore, #tpu.memory_space<semaphore_mem>>)
    %add3A_103 = arith.constant 0 : i32
    %add3A_104 = arith.addi %mul3A_2, %add3A_103 : i32
    %min3A_105 = arith.constant 21759 : i32
    %min3A_106 = arith.minsi %add3A_104, %min3A_105 : i32
    %dma_wait3A = arith.constant 0 : i32
    %dma_wait3A_107 = arith.constant 0 : i32
    %dma_wait3A_108 = arith.constant 0 : i32
    %dma_wait3A_109 = tpu.memref_slice %arg6[%dma_wait3A, %dma_wait3A_107, %dma_wait3A_108] : memref<4x4x128xi32, #tpu.memory_space<vmem>> -> memref<1x4x128xi32, #tpu.memory_space<vmem>>
    %dma_wait3A_110 = tpu.memref_squeeze %dma_wait3A_109 : memref<1x4x128xi32, #tpu.memory_space<vmem>> -> memref<4x128xi32, #tpu.memory_space<vmem>>
    %dma_wait3A_111 = arith.constant 0 : i32
    %dma_wait3A_112 = arith.constant 0 : i32
    %dma_wait3A_113 = tpu.memref_slice %arg3[%min3A_106, %dma_wait3A_111, %dma_wait3A_112] : memref<21760x4x128xi32, #tpu.memory_space<hbm>> -> memref<1x4x128xi32, #tpu.memory_space<hbm>>
    %dma_wait3A_114 = tpu.memref_squeeze %dma_wait3A_113 : memref<1x4x128xi32, #tpu.memory_space<hbm>> -> memref<4x128xi32, #tpu.memory_space<hbm>>
    %dma_wait3A_115 = arith.constant 0 : i32
    %dma_wait3A_116 = arith.constant 0 : i32
    %dma_wait3A_117 = tpu.memref_slice %arg6[%dma_wait3A, %dma_wait3A_115, %dma_wait3A_116] : memref<4x4x128xi32, #tpu.memory_space<vmem>> -> memref<1x4x128xi32, #tpu.memory_space<vmem>>
    %dma_wait3A_118 = tpu.memref_squeeze %dma_wait3A_117 : memref<1x4x128xi32, #tpu.memory_space<vmem>> -> memref<4x128xi32, #tpu.memory_space<vmem>>
    %dma_wait3A_119 = arith.constant 0 : i32
    %dma_wait3A_120 = arith.constant 0 : i32
    %dma_wait3A_121 = tpu.memref_slice %arg3[%min3A_106, %dma_wait3A_119, %dma_wait3A_120] : memref<21760x4x128xi32, #tpu.memory_space<hbm>> -> memref<1x4x128xi32, #tpu.memory_space<hbm>>
    %dma_wait3A_122 = tpu.memref_squeeze %dma_wait3A_121 : memref<1x4x128xi32, #tpu.memory_space<hbm>> -> memref<4x128xi32, #tpu.memory_space<hbm>>
    tpu.wait_dma2 semaphore(%arg14 : memref<!tpu.dma_semaphore, #tpu.memory_space<semaphore_mem>>) src(%dma_wait3A_122 : memref<4x128xi32, #tpu.memory_space<hbm>>) dst(%dma_wait3A_118 : memref<4x128xi32, #tpu.memory_space<vmem>>)
    %dma_wait3A_123 = arith.constant 0 : i32
    %dma_wait3A_124 = arith.constant 0 : i32
    %dma_wait3A_125 = tpu.memref_slice %arg7[%dma_wait3A_123, %dma_wait3A_124] : memref<4x512xf32, #tpu.memory_space<vmem>> -> memref<1x512xf32, #tpu.memory_space<vmem>>
    %dma_wait3A_126 = tpu.memref_squeeze %dma_wait3A_125 : memref<1x512xf32, #tpu.memory_space<vmem>> -> memref<512xf32, #tpu.memory_space<vmem>>
    %dma_wait3A_127 = arith.constant 0 : i32
    %dma_wait3A_128 = tpu.memref_slice %arg4[%min3A_106, %dma_wait3A_127] : memref<21760x512xf32, #tpu.memory_space<hbm>> -> memref<1x512xf32, #tpu.memory_space<hbm>>
    %dma_wait3A_129 = tpu.memref_squeeze %dma_wait3A_128 : memref<1x512xf32, #tpu.memory_space<hbm>> -> memref<512xf32, #tpu.memory_space<hbm>>
    %dma_wait3A_130 = arith.constant 0 : i32
    %dma_wait3A_131 = tpu.memref_slice %arg7[%dma_wait3A_123, %dma_wait3A_130] : memref<4x512xf32, #tpu.memory_space<vmem>> -> memref<1x512xf32, #tpu.memory_space<vmem>>
    %dma_wait3A_132 = tpu.memref_squeeze %dma_wait3A_131 : memref<1x512xf32, #tpu.memory_space<vmem>> -> memref<512xf32, #tpu.memory_space<vmem>>
    %dma_wait3A_133 = arith.constant 0 : i32
    %dma_wait3A_134 = tpu.memref_slice %arg4[%min3A_106, %dma_wait3A_133] : memref<21760x512xf32, #tpu.memory_space<hbm>> -> memref<1x512xf32, #tpu.memory_space<hbm>>
    %dma_wait3A_135 = tpu.memref_squeeze %dma_wait3A_134 : memref<1x512xf32, #tpu.memory_space<hbm>> -> memref<512xf32, #tpu.memory_space<hbm>>
    tpu.wait_dma2 semaphore(%arg14 : memref<!tpu.dma_semaphore, #tpu.memory_space<semaphore_mem>>) src(%dma_wait3A_135 : memref<512xf32, #tpu.memory_space<hbm>>) dst(%dma_wait3A_132 : memref<512xf32, #tpu.memory_space<vmem>>)
    %dma_start3A_136 = arith.constant 0 : i32
    %dma_start3A_137 = arith.constant 0 : i32
    %dma_start3A_138 = arith.constant 0 : i32
    %dma_start3A_139 = arith.constant 0 : i32
    %dma_start3A_140 = arith.constant 0 : i32
    %dma_start3A_141 = tpu.memref_slice %arg8[%dma_start3A_138, %dma_start3A_139, %dma_start3A_140] : memref<4x512x32xbf16, #tpu.memory_space<vmem>> -> memref<1x128x32xbf16, #tpu.memory_space<vmem>>
    %dma_start3A_142 = tpu.memref_squeeze %dma_start3A_141 : memref<1x128x32xbf16, #tpu.memory_space<vmem>> -> memref<128x32xbf16, #tpu.memory_space<vmem>>
    %dma_start3A_143 = arith.constant 0 : i32
    %dma_start3A_144 = tpu.memref_slice %arg6[%dma_start3A_136, %dma_start3A_137, %dma_start3A_143] : memref<4x4x128xi32, #tpu.memory_space<vmem>> -> memref<1x1x128xi32, #tpu.memory_space<vmem>>
    %dma_start3A_145 = tpu.memref_squeeze %dma_start3A_144 : memref<1x1x128xi32, #tpu.memory_space<vmem>> -> memref<128xi32, #tpu.memory_space<vmem>>
    %dma_start3A_146 = arith.constant 0 : i32
    %dma_start3A_147 = arith.constant 0 : i32
    %dma_start3A_148 = tpu.memref_slice %arg2[%dma_start3A_146, %dma_start3A_147] : memref<174080x32xbf16, #tpu.memory_space<hbm>> -> memref<174080x32xbf16, #tpu.memory_space<hbm>>
    tpu.enqueue_indirect_dma source(%dma_start3A_148 : memref<174080x32xbf16, #tpu.memory_space<hbm>>) target(%dma_start3A_142 : memref<128x32xbf16, #tpu.memory_space<vmem>>) offsets(%dma_start3A_145 : memref<128xi32, #tpu.memory_space<vmem>>) semaphore(%arg10 : memref<!tpu.dma_semaphore, #tpu.memory_space<semaphore_mem>>)
    %dma_start3A_149 = arith.constant 0 : i32
    %dma_start3A_150 = arith.constant 1 : i32
    %dma_start3A_151 = arith.constant 0 : i32
    %dma_start3A_152 = arith.constant 128 : i32
    %dma_start3A_153 = arith.constant 0 : i32
    %dma_start3A_154 = tpu.memref_slice %arg8[%dma_start3A_151, %dma_start3A_152, %dma_start3A_153] : memref<4x512x32xbf16, #tpu.memory_space<vmem>> -> memref<1x128x32xbf16, #tpu.memory_space<vmem>>
    %dma_start3A_155 = tpu.memref_squeeze %dma_start3A_154 : memref<1x128x32xbf16, #tpu.memory_space<vmem>> -> memref<128x32xbf16, #tpu.memory_space<vmem>>
    %dma_start3A_156 = arith.constant 0 : i32
    %dma_start3A_157 = tpu.memref_slice %arg6[%dma_start3A_149, %dma_start3A_150, %dma_start3A_156] : memref<4x4x128xi32, #tpu.memory_space<vmem>> -> memref<1x1x128xi32, #tpu.memory_space<vmem>>
    %dma_start3A_158 = tpu.memref_squeeze %dma_start3A_157 : memref<1x1x128xi32, #tpu.memory_space<vmem>> -> memref<128xi32, #tpu.memory_space<vmem>>
    %dma_start3A_159 = arith.constant 0 : i32
    %dma_start3A_160 = arith.constant 0 : i32
    %dma_start3A_161 = tpu.memref_slice %arg2[%dma_start3A_159, %dma_start3A_160] : memref<174080x32xbf16, #tpu.memory_space<hbm>> -> memref<174080x32xbf16, #tpu.memory_space<hbm>>
    tpu.enqueue_indirect_dma source(%dma_start3A_161 : memref<174080x32xbf16, #tpu.memory_space<hbm>>) target(%dma_start3A_155 : memref<128x32xbf16, #tpu.memory_space<vmem>>) offsets(%dma_start3A_158 : memref<128xi32, #tpu.memory_space<vmem>>) semaphore(%arg10 : memref<!tpu.dma_semaphore, #tpu.memory_space<semaphore_mem>>)
    %dma_start3A_162 = arith.constant 0 : i32
    %dma_start3A_163 = arith.constant 2 : i32
    %dma_start3A_164 = arith.constant 0 : i32
    %dma_start3A_165 = arith.constant 256 : i32
    %dma_start3A_166 = arith.constant 0 : i32
    %dma_start3A_167 = tpu.memref_slice %arg8[%dma_start3A_164, %dma_start3A_165, %dma_start3A_166] : memref<4x512x32xbf16, #tpu.memory_space<vmem>> -> memref<1x128x32xbf16, #tpu.memory_space<vmem>>
    %dma_start3A_168 = tpu.memref_squeeze %dma_start3A_167 : memref<1x128x32xbf16, #tpu.memory_space<vmem>> -> memref<128x32xbf16, #tpu.memory_space<vmem>>
    %dma_start3A_169 = arith.constant 0 : i32
    %dma_start3A_170 = tpu.memref_slice %arg6[%dma_start3A_162, %dma_start3A_163, %dma_start3A_169] : memref<4x4x128xi32, #tpu.memory_space<vmem>> -> memref<1x1x128xi32, #tpu.memory_space<vmem>>
    %dma_start3A_171 = tpu.memref_squeeze %dma_start3A_170 : memref<1x1x128xi32, #tpu.memory_space<vmem>> -> memref<128xi32, #tpu.memory_space<vmem>>
    %dma_start3A_172 = arith.constant 0 : i32
    %dma_start3A_173 = arith.constant 0 : i32
    %dma_start3A_174 = tpu.memref_slice %arg2[%dma_start3A_172, %dma_start3A_173] : memref<174080x32xbf16, #tpu.memory_space<hbm>> -> memref<174080x32xbf16, #tpu.memory_space<hbm>>
    tpu.enqueue_indirect_dma source(%dma_start3A_174 : memref<174080x32xbf16, #tpu.memory_space<hbm>>) target(%dma_start3A_168 : memref<128x32xbf16, #tpu.memory_space<vmem>>) offsets(%dma_start3A_171 : memref<128xi32, #tpu.memory_space<vmem>>) semaphore(%arg10 : memref<!tpu.dma_semaphore, #tpu.memory_space<semaphore_mem>>)
    %dma_start3A_175 = arith.constant 0 : i32
    %dma_start3A_176 = arith.constant 3 : i32
    %dma_start3A_177 = arith.constant 0 : i32
    %dma_start3A_178 = arith.constant 384 : i32
    %dma_start3A_179 = arith.constant 0 : i32
    %dma_start3A_180 = tpu.memref_slice %arg8[%dma_start3A_177, %dma_start3A_178, %dma_start3A_179] : memref<4x512x32xbf16, #tpu.memory_space<vmem>> -> memref<1x128x32xbf16, #tpu.memory_space<vmem>>
    %dma_start3A_181 = tpu.memref_squeeze %dma_start3A_180 : memref<1x128x32xbf16, #tpu.memory_space<vmem>> -> memref<128x32xbf16, #tpu.memory_space<vmem>>
    %dma_start3A_182 = arith.constant 0 : i32
    %dma_start3A_183 = tpu.memref_slice %arg6[%dma_start3A_175, %dma_start3A_176, %dma_start3A_182] : memref<4x4x128xi32, #tpu.memory_space<vmem>> -> memref<1x1x128xi32, #tpu.memory_space<vmem>>
    %dma_start3A_184 = tpu.memref_squeeze %dma_start3A_183 : memref<1x1x128xi32, #tpu.memory_space<vmem>> -> memref<128xi32, #tpu.memory_space<vmem>>
    %dma_start3A_185 = arith.constant 0 : i32
    %dma_start3A_186 = arith.constant 0 : i32
    %dma_start3A_187 = tpu.memref_slice %arg2[%dma_start3A_185, %dma_start3A_186] : memref<174080x32xbf16, #tpu.memory_space<hbm>> -> memref<174080x32xbf16, #tpu.memory_space<hbm>>
    tpu.enqueue_indirect_dma source(%dma_start3A_187 : memref<174080x32xbf16, #tpu.memory_space<hbm>>) target(%dma_start3A_181 : memref<128x32xbf16, #tpu.memory_space<vmem>>) offsets(%dma_start3A_184 : memref<128xi32, #tpu.memory_space<vmem>>) semaphore(%arg10 : memref<!tpu.dma_semaphore, #tpu.memory_space<semaphore_mem>>)
    %scan3A = arith.constant 0 : i32
    %scan3A_188 = arith.constant 170 : i32
    %scan3A_189 = arith.addi %scan3A, %scan3A_188 : i32
    %scan3A_190 = arith.constant 1 : i32
    scf.for %scan3A_342 = %scan3A to %scan3A_189 step %scan3A_190  : i32 {
      %mul3A_343 = arith.constant 4 : i32
      %mul3A_344 = arith.muli %scan3A_342, %mul3A_343 : i32
      %add3A_345 = arith.constant 0 : i32
      %add3A_346 = arith.addi %add3A_345, %mul3A_344 : i32
      %add3A_347 = arith.constant 0 : i32
      %add3A_348 = arith.addi %add3A_346, %add3A_347 : i32
      %add3A_349 = arith.constant 1 : i32
      %add3A_350 = arith.addi %add3A_348, %add3A_349 : i32
      %add3A_351 = arith.addi %mul3A_2, %add3A_350 : i32
      %min3A_352 = arith.constant 21759 : i32
      %min3A_353 = arith.minsi %add3A_351, %min3A_352 : i32
      %dma_wait3A_354 = arith.constant 1 : i32
      %dma_wait3A_355 = arith.constant 0 : i32
      %dma_wait3A_356 = arith.constant 0 : i32
      %dma_wait3A_357 = tpu.memref_slice %arg6[%dma_wait3A_354, %dma_wait3A_355, %dma_wait3A_356] : memref<4x4x128xi32, #tpu.memory_space<vmem>> -> memref<1x4x128xi32, #tpu.memory_space<vmem>>
      %dma_wait3A_358 = tpu.memref_squeeze %dma_wait3A_357 : memref<1x4x128xi32, #tpu.memory_space<vmem>> -> memref<4x128xi32, #tpu.memory_space<vmem>>
      %dma_wait3A_359 = arith.constant 0 : i32
      %dma_wait3A_360 = arith.constant 0 : i32
      %dma_wait3A_361 = tpu.memref_slice %arg3[%min3A_353, %dma_wait3A_359, %dma_wait3A_360] : memref<21760x4x128xi32, #tpu.memory_space<hbm>> -> memref<1x4x128xi32, #tpu.memory_space<hbm>>
      %dma_wait3A_362 = tpu.memref_squeeze %dma_wait3A_361 : memref<1x4x128xi32, #tpu.memory_space<hbm>> -> memref<4x128xi32, #tpu.memory_space<hbm>>
      %dma_wait3A_363 = arith.constant 0 : i32
      %dma_wait3A_364 = arith.constant 0 : i32
      %dma_wait3A_365 = tpu.memref_slice %arg6[%dma_wait3A_354, %dma_wait3A_363, %dma_wait3A_364] : memref<4x4x128xi32, #tpu.memory_space<vmem>> -> memref<1x4x128xi32, #tpu.memory_space<vmem>>
      %dma_wait3A_366 = tpu.memref_squeeze %dma_wait3A_365 : memref<1x4x128xi32, #tpu.memory_space<vmem>> -> memref<4x128xi32, #tpu.memory_space<vmem>>
      %dma_wait3A_367 = arith.constant 0 : i32
      %dma_wait3A_368 = arith.constant 0 : i32
      %dma_wait3A_369 = tpu.memref_slice %arg3[%min3A_353, %dma_wait3A_367, %dma_wait3A_368] : memref<21760x4x128xi32, #tpu.memory_space<hbm>> -> memref<1x4x128xi32, #tpu.memory_space<hbm>>
      %dma_wait3A_370 = tpu.memref_squeeze %dma_wait3A_369 : memref<1x4x128xi32, #tpu.memory_space<hbm>> -> memref<4x128xi32, #tpu.memory_space<hbm>>
      tpu.wait_dma2 semaphore(%arg15 : memref<!tpu.dma_semaphore, #tpu.memory_space<semaphore_mem>>) src(%dma_wait3A_370 : memref<4x128xi32, #tpu.memory_space<hbm>>) dst(%dma_wait3A_366 : memref<4x128xi32, #tpu.memory_space<vmem>>)
      %dma_wait3A_371 = arith.constant 1 : i32
      %dma_wait3A_372 = arith.constant 0 : i32
      %dma_wait3A_373 = tpu.memref_slice %arg7[%dma_wait3A_371, %dma_wait3A_372] : memref<4x512xf32, #tpu.memory_space<vmem>> -> memref<1x512xf32, #tpu.memory_space<vmem>>
      %dma_wait3A_374 = tpu.memref_squeeze %dma_wait3A_373 : memref<1x512xf32, #tpu.memory_space<vmem>> -> memref<512xf32, #tpu.memory_space<vmem>>
      %dma_wait3A_375 = arith.constant 0 : i32
      %dma_wait3A_376 = tpu.memref_slice %arg4[%min3A_353, %dma_wait3A_375] : memref<21760x512xf32, #tpu.memory_space<hbm>> -> memref<1x512xf32, #tpu.memory_space<hbm>>
      %dma_wait3A_377 = tpu.memref_squeeze %dma_wait3A_376 : memref<1x512xf32, #tpu.memory_space<hbm>> -> memref<512xf32, #tpu.memory_space<hbm>>
      %dma_wait3A_378 = arith.constant 0 : i32
      %dma_wait3A_379 = tpu.memref_slice %arg7[%dma_wait3A_371, %dma_wait3A_378] : memref<4x512xf32, #tpu.memory_space<vmem>> -> memref<1x512xf32, #tpu.memory_space<vmem>>
      %dma_wait3A_380 = tpu.memref_squeeze %dma_wait3A_379 : memref<1x512xf32, #tpu.memory_space<vmem>> -> memref<512xf32, #tpu.memory_space<vmem>>
      %dma_wait3A_381 = arith.constant 0 : i32
      %dma_wait3A_382 = tpu.memref_slice %arg4[%min3A_353, %dma_wait3A_381] : memref<21760x512xf32, #tpu.memory_space<hbm>> -> memref<1x512xf32, #tpu.memory_space<hbm>>
      %dma_wait3A_383 = tpu.memref_squeeze %dma_wait3A_382 : memref<1x512xf32, #tpu.memory_space<hbm>> -> memref<512xf32, #tpu.memory_space<hbm>>
      tpu.wait_dma2 semaphore(%arg15 : memref<!tpu.dma_semaphore, #tpu.memory_space<semaphore_mem>>) src(%dma_wait3A_383 : memref<512xf32, #tpu.memory_space<hbm>>) dst(%dma_wait3A_380 : memref<512xf32, #tpu.memory_space<vmem>>)
      %dma_start3A_384 = arith.constant 1 : i32
      %dma_start3A_385 = arith.constant 0 : i32
      %dma_start3A_386 = arith.constant 1 : i32
      %dma_start3A_387 = arith.constant 0 : i32
      %dma_start3A_388 = arith.constant 0 : i32
      %dma_start3A_389 = tpu.memref_slice %arg8[%dma_start3A_386, %dma_start3A_387, %dma_start3A_388] : memref<4x512x32xbf16, #tpu.memory_space<vmem>> -> memref<1x128x32xbf16, #tpu.memory_space<vmem>>
      %dma_start3A_390 = tpu.memref_squeeze %dma_start3A_389 : memref<1x128x32xbf16, #tpu.memory_space<vmem>> -> memref<128x32xbf16, #tpu.memory_space<vmem>>
      %dma_start3A_391 = arith.constant 0 : i32
      %dma_start3A_392 = tpu.memref_slice %arg6[%dma_start3A_384, %dma_start3A_385, %dma_start3A_391] : memref<4x4x128xi32, #tpu.memory_space<vmem>> -> memref<1x1x128xi32, #tpu.memory_space<vmem>>
      %dma_start3A_393 = tpu.memref_squeeze %dma_start3A_392 : memref<1x1x128xi32, #tpu.memory_space<vmem>> -> memref<128xi32, #tpu.memory_space<vmem>>
      %dma_start3A_394 = arith.constant 0 : i32
      %dma_start3A_395 = arith.constant 0 : i32
      %dma_start3A_396 = tpu.memref_slice %arg2[%dma_start3A_394, %dma_start3A_395] : memref<174080x32xbf16, #tpu.memory_space<hbm>> -> memref<174080x32xbf16, #tpu.memory_space<hbm>>
      tpu.enqueue_indirect_dma source(%dma_start3A_396 : memref<174080x32xbf16, #tpu.memory_space<hbm>>) target(%dma_start3A_390 : memref<128x32xbf16, #tpu.memory_space<vmem>>) offsets(%dma_start3A_393 : memref<128xi32, #tpu.memory_space<vmem>>) semaphore(%arg11 : memref<!tpu.dma_semaphore, #tpu.memory_space<semaphore_mem>>)
      %dma_start3A_397 = arith.constant 1 : i32
      %dma_start3A_398 = arith.constant 1 : i32
      %dma_start3A_399 = arith.constant 1 : i32
      %dma_start3A_400 = arith.constant 128 : i32
      %dma_start3A_401 = arith.constant 0 : i32
      %dma_start3A_402 = tpu.memref_slice %arg8[%dma_start3A_399, %dma_start3A_400, %dma_start3A_401] : memref<4x512x32xbf16, #tpu.memory_space<vmem>> -> memref<1x128x32xbf16, #tpu.memory_space<vmem>>
      %dma_start3A_403 = tpu.memref_squeeze %dma_start3A_402 : memref<1x128x32xbf16, #tpu.memory_space<vmem>> -> memref<128x32xbf16, #tpu.memory_space<vmem>>
      %dma_start3A_404 = arith.constant 0 : i32
      %dma_start3A_405 = tpu.memref_slice %arg6[%dma_start3A_397, %dma_start3A_398, %dma_start3A_404] : memref<4x4x128xi32, #tpu.memory_space<vmem>> -> memref<1x1x128xi32, #tpu.memory_space<vmem>>
      %dma_start3A_406 = tpu.memref_squeeze %dma_start3A_405 : memref<1x1x128xi32, #tpu.memory_space<vmem>> -> memref<128xi32, #tpu.memory_space<vmem>>
      %dma_start3A_407 = arith.constant 0 : i32
      %dma_start3A_408 = arith.constant 0 : i32
      %dma_start3A_409 = tpu.memref_slice %arg2[%dma_start3A_407, %dma_start3A_408] : memref<174080x32xbf16, #tpu.memory_space<hbm>> -> memref<174080x32xbf16, #tpu.memory_space<hbm>>
      tpu.enqueue_indirect_dma source(%dma_start3A_409 : memref<174080x32xbf16, #tpu.memory_space<hbm>>) target(%dma_start3A_403 : memref<128x32xbf16, #tpu.memory_space<vmem>>) offsets(%dma_start3A_406 : memref<128xi32, #tpu.memory_space<vmem>>) semaphore(%arg11 : memref<!tpu.dma_semaphore, #tpu.memory_space<semaphore_mem>>)
      %dma_start3A_410 = arith.constant 1 : i32
      %dma_start3A_411 = arith.constant 2 : i32
      %dma_start3A_412 = arith.constant 1 : i32
      %dma_start3A_413 = arith.constant 256 : i32
      %dma_start3A_414 = arith.constant 0 : i32
      %dma_start3A_415 = tpu.memref_slice %arg8[%dma_start3A_412, %dma_start3A_413, %dma_start3A_414] : memref<4x512x32xbf16, #tpu.memory_space<vmem>> -> memref<1x128x32xbf16, #tpu.memory_space<vmem>>
      %dma_start3A_416 = tpu.memref_squeeze %dma_start3A_415 : memref<1x128x32xbf16, #tpu.memory_space<vmem>> -> memref<128x32xbf16, #tpu.memory_space<vmem>>
      %dma_start3A_417 = arith.constant 0 : i32
      %dma_start3A_418 = tpu.memref_slice %arg6[%dma_start3A_410, %dma_start3A_411, %dma_start3A_417] : memref<4x4x128xi32, #tpu.memory_space<vmem>> -> memref<1x1x128xi32, #tpu.memory_space<vmem>>
      %dma_start3A_419 = tpu.memref_squeeze %dma_start3A_418 : memref<1x1x128xi32, #tpu.memory_space<vmem>> -> memref<128xi32, #tpu.memory_space<vmem>>
      %dma_start3A_420 = arith.constant 0 : i32
      %dma_start3A_421 = arith.constant 0 : i32
      %dma_start3A_422 = tpu.memref_slice %arg2[%dma_start3A_420, %dma_start3A_421] : memref<174080x32xbf16, #tpu.memory_space<hbm>> -> memref<174080x32xbf16, #tpu.memory_space<hbm>>
      tpu.enqueue_indirect_dma source(%dma_start3A_422 : memref<174080x32xbf16, #tpu.memory_space<hbm>>) target(%dma_start3A_416 : memref<128x32xbf16, #tpu.memory_space<vmem>>) offsets(%dma_start3A_419 : memref<128xi32, #tpu.memory_space<vmem>>) semaphore(%arg11 : memref<!tpu.dma_semaphore, #tpu.memory_space<semaphore_mem>>)
      %dma_start3A_423 = arith.constant 1 : i32
      %dma_start3A_424 = arith.constant 3 : i32
      %dma_start3A_425 = arith.constant 1 : i32
      %dma_start3A_426 = arith.constant 384 : i32
      %dma_start3A_427 = arith.constant 0 : i32
      %dma_start3A_428 = tpu.memref_slice %arg8[%dma_start3A_425, %dma_start3A_426, %dma_start3A_427] : memref<4x512x32xbf16, #tpu.memory_space<vmem>> -> memref<1x128x32xbf16, #tpu.memory_space<vmem>>
      %dma_start3A_429 = tpu.memref_squeeze %dma_start3A_428 : memref<1x128x32xbf16, #tpu.memory_space<vmem>> -> memref<128x32xbf16, #tpu.memory_space<vmem>>
      %dma_start3A_430 = arith.constant 0 : i32
      %dma_start3A_431 = tpu.memref_slice %arg6[%dma_start3A_423, %dma_start3A_424, %dma_start3A_430] : memref<4x4x128xi32, #tpu.memory_space<vmem>> -> memref<1x1x128xi32, #tpu.memory_space<vmem>>
      %dma_start3A_432 = tpu.memref_squeeze %dma_start3A_431 : memref<1x1x128xi32, #tpu.memory_space<vmem>> -> memref<128xi32, #tpu.memory_space<vmem>>
      %dma_start3A_433 = arith.constant 0 : i32
      %dma_start3A_434 = arith.constant 0 : i32
      %dma_start3A_435 = tpu.memref_slice %arg2[%dma_start3A_433, %dma_start3A_434] : memref<174080x32xbf16, #tpu.memory_space<hbm>> -> memref<174080x32xbf16, #tpu.memory_space<hbm>>
      tpu.enqueue_indirect_dma source(%dma_start3A_435 : memref<174080x32xbf16, #tpu.memory_space<hbm>>) target(%dma_start3A_429 : memref<128x32xbf16, #tpu.memory_space<vmem>>) offsets(%dma_start3A_432 : memref<128xi32, #tpu.memory_space<vmem>>) semaphore(%arg11 : memref<!tpu.dma_semaphore, #tpu.memory_space<semaphore_mem>>)
      %dma_wait3A_436 = arith.constant 0 : i32
      %dma_wait3A_437 = arith.constant 0 : i32
      %dma_wait3A_438 = arith.constant 0 : i32
      %dma_wait3A_439 = arith.constant 0 : i32
      %dma_wait3A_440 = arith.constant 0 : i32
      %dma_wait3A_441 = tpu.memref_slice %arg8[%dma_wait3A_438, %dma_wait3A_439, %dma_wait3A_440] : memref<4x512x32xbf16, #tpu.memory_space<vmem>> -> memref<1x128x32xbf16, #tpu.memory_space<vmem>>
      %dma_wait3A_442 = tpu.memref_squeeze %dma_wait3A_441 : memref<1x128x32xbf16, #tpu.memory_space<vmem>> -> memref<128x32xbf16, #tpu.memory_space<vmem>>
      %dma_wait3A_443 = arith.constant 0 : i32
      %dma_wait3A_444 = tpu.memref_slice %arg6[%dma_wait3A_436, %dma_wait3A_437, %dma_wait3A_443] : memref<4x4x128xi32, #tpu.memory_space<vmem>> -> memref<1x1x128xi32, #tpu.memory_space<vmem>>
      %dma_wait3A_445 = tpu.memref_squeeze %dma_wait3A_444 : memref<1x1x128xi32, #tpu.memory_space<vmem>> -> memref<128xi32, #tpu.memory_space<vmem>>
      %dma_wait3A_446 = arith.constant 0 : i32
      %dma_wait3A_447 = arith.constant 0 : i32
      %dma_wait3A_448 = tpu.memref_slice %arg2[%dma_wait3A_446, %dma_wait3A_447] : memref<174080x32xbf16, #tpu.memory_space<hbm>> -> memref<174080x32xbf16, #tpu.memory_space<hbm>>
      tpu.wait_indirect_dma semaphore(%arg10 : memref<!tpu.dma_semaphore, #tpu.memory_space<semaphore_mem>>) src(%dma_wait3A_448 : memref<174080x32xbf16, #tpu.memory_space<hbm>>) dst(%dma_wait3A_442 : memref<128x32xbf16, #tpu.memory_space<vmem>>)
      %dma_wait3A_449 = arith.constant 0 : i32
      %dma_wait3A_450 = arith.constant 1 : i32
      %dma_wait3A_451 = arith.constant 0 : i32
      %dma_wait3A_452 = arith.constant 128 : i32
      %dma_wait3A_453 = arith.constant 0 : i32
      %dma_wait3A_454 = tpu.memref_slice %arg8[%dma_wait3A_451, %dma_wait3A_452, %dma_wait3A_453] : memref<4x512x32xbf16, #tpu.memory_space<vmem>> -> memref<1x128x32xbf16, #tpu.memory_space<vmem>>
      %dma_wait3A_455 = tpu.memref_squeeze %dma_wait3A_454 : memref<1x128x32xbf16, #tpu.memory_space<vmem>> -> memref<128x32xbf16, #tpu.memory_space<vmem>>
      %dma_wait3A_456 = arith.constant 0 : i32
      %dma_wait3A_457 = tpu.memref_slice %arg6[%dma_wait3A_449, %dma_wait3A_450, %dma_wait3A_456] : memref<4x4x128xi32, #tpu.memory_space<vmem>> -> memref<1x1x128xi32, #tpu.memory_space<vmem>>
      %dma_wait3A_458 = tpu.memref_squeeze %dma_wait3A_457 : memref<1x1x128xi32, #tpu.memory_space<vmem>> -> memref<128xi32, #tpu.memory_space<vmem>>
      %dma_wait3A_459 = arith.constant 0 : i32
      %dma_wait3A_460 = arith.constant 0 : i32
      %dma_wait3A_461 = tpu.memref_slice %arg2[%dma_wait3A_459, %dma_wait3A_460] : memref<174080x32xbf16, #tpu.memory_space<hbm>> -> memref<174080x32xbf16, #tpu.memory_space<hbm>>
      tpu.wait_indirect_dma semaphore(%arg10 : memref<!tpu.dma_semaphore, #tpu.memory_space<semaphore_mem>>) src(%dma_wait3A_461 : memref<174080x32xbf16, #tpu.memory_space<hbm>>) dst(%dma_wait3A_455 : memref<128x32xbf16, #tpu.memory_space<vmem>>)
      %dma_wait3A_462 = arith.constant 0 : i32
      %dma_wait3A_463 = arith.constant 2 : i32
      %dma_wait3A_464 = arith.constant 0 : i32
      %dma_wait3A_465 = arith.constant 256 : i32
      %dma_wait3A_466 = arith.constant 0 : i32
      %dma_wait3A_467 = tpu.memref_slice %arg8[%dma_wait3A_464, %dma_wait3A_465, %dma_wait3A_466] : memref<4x512x32xbf16, #tpu.memory_space<vmem>> -> memref<1x128x32xbf16, #tpu.memory_space<vmem>>
      %dma_wait3A_468 = tpu.memref_squeeze %dma_wait3A_467 : memref<1x128x32xbf16, #tpu.memory_space<vmem>> -> memref<128x32xbf16, #tpu.memory_space<vmem>>
      %dma_wait3A_469 = arith.constant 0 : i32
      %dma_wait3A_470 = tpu.memref_slice %arg6[%dma_wait3A_462, %dma_wait3A_463, %dma_wait3A_469] : memref<4x4x128xi32, #tpu.memory_space<vmem>> -> memref<1x1x128xi32, #tpu.memory_space<vmem>>
      %dma_wait3A_471 = tpu.memref_squeeze %dma_wait3A_470 : memref<1x1x128xi32, #tpu.memory_space<vmem>> -> memref<128xi32, #tpu.memory_space<vmem>>
      %dma_wait3A_472 = arith.constant 0 : i32
      %dma_wait3A_473 = arith.constant 0 : i32
      %dma_wait3A_474 = tpu.memref_slice %arg2[%dma_wait3A_472, %dma_wait3A_473] : memref<174080x32xbf16, #tpu.memory_space<hbm>> -> memref<174080x32xbf16, #tpu.memory_space<hbm>>
      tpu.wait_indirect_dma semaphore(%arg10 : memref<!tpu.dma_semaphore, #tpu.memory_space<semaphore_mem>>) src(%dma_wait3A_474 : memref<174080x32xbf16, #tpu.memory_space<hbm>>) dst(%dma_wait3A_468 : memref<128x32xbf16, #tpu.memory_space<vmem>>)
      %dma_wait3A_475 = arith.constant 0 : i32
      %dma_wait3A_476 = arith.constant 3 : i32
      %dma_wait3A_477 = arith.constant 0 : i32
      %dma_wait3A_478 = arith.constant 384 : i32
      %dma_wait3A_479 = arith.constant 0 : i32
      %dma_wait3A_480 = tpu.memref_slice %arg8[%dma_wait3A_477, %dma_wait3A_478, %dma_wait3A_479] : memref<4x512x32xbf16, #tpu.memory_space<vmem>> -> memref<1x128x32xbf16, #tpu.memory_space<vmem>>
      %dma_wait3A_481 = tpu.memref_squeeze %dma_wait3A_480 : memref<1x128x32xbf16, #tpu.memory_space<vmem>> -> memref<128x32xbf16, #tpu.memory_space<vmem>>
      %dma_wait3A_482 = arith.constant 0 : i32
      %dma_wait3A_483 = tpu.memref_slice %arg6[%dma_wait3A_475, %dma_wait3A_476, %dma_wait3A_482] : memref<4x4x128xi32, #tpu.memory_space<vmem>> -> memref<1x1x128xi32, #tpu.memory_space<vmem>>
      %dma_wait3A_484 = tpu.memref_squeeze %dma_wait3A_483 : memref<1x1x128xi32, #tpu.memory_space<vmem>> -> memref<128xi32, #tpu.memory_space<vmem>>
      %dma_wait3A_485 = arith.constant 0 : i32
      %dma_wait3A_486 = arith.constant 0 : i32
      %dma_wait3A_487 = tpu.memref_slice %arg2[%dma_wait3A_485, %dma_wait3A_486] : memref<174080x32xbf16, #tpu.memory_space<hbm>> -> memref<174080x32xbf16, #tpu.memory_space<hbm>>
      tpu.wait_indirect_dma semaphore(%arg10 : memref<!tpu.dma_semaphore, #tpu.memory_space<semaphore_mem>>) src(%dma_wait3A_487 : memref<174080x32xbf16, #tpu.memory_space<hbm>>) dst(%dma_wait3A_481 : memref<128x32xbf16, #tpu.memory_space<vmem>>)
      %add3A_488 = arith.constant 3 : i32
      %add3A_489 = arith.addi %add3A_348, %add3A_488 : i32
      %add3A_490 = arith.addi %mul3A_2, %add3A_489 : i32
      %min3A_491 = arith.constant 21759 : i32
      %min3A_492 = arith.minsi %add3A_490, %min3A_491 : i32
      %dma_start3A_493 = arith.constant 3 : i32
      %dma_start3A_494 = arith.constant 0 : i32
      %dma_start3A_495 = arith.constant 0 : i32
      %dma_start3A_496 = tpu.memref_slice %arg6[%dma_start3A_493, %dma_start3A_494, %dma_start3A_495] : memref<4x4x128xi32, #tpu.memory_space<vmem>> -> memref<1x4x128xi32, #tpu.memory_space<vmem>>
      %dma_start3A_497 = tpu.memref_squeeze %dma_start3A_496 : memref<1x4x128xi32, #tpu.memory_space<vmem>> -> memref<4x128xi32, #tpu.memory_space<vmem>>
      %dma_start3A_498 = arith.constant 0 : i32
      %dma_start3A_499 = arith.constant 0 : i32
      %dma_start3A_500 = tpu.memref_slice %arg3[%min3A_492, %dma_start3A_498, %dma_start3A_499] : memref<21760x4x128xi32, #tpu.memory_space<hbm>> -> memref<1x4x128xi32, #tpu.memory_space<hbm>>
      %dma_start3A_501 = tpu.memref_squeeze %dma_start3A_500 : memref<1x4x128xi32, #tpu.memory_space<hbm>> -> memref<4x128xi32, #tpu.memory_space<hbm>>
      %dma_start3A_502 = arith.constant 0 : i32
      %dma_start3A_503 = arith.constant 0 : i32
      %dma_start3A_504 = tpu.memref_slice %arg6[%dma_start3A_493, %dma_start3A_502, %dma_start3A_503] : memref<4x4x128xi32, #tpu.memory_space<vmem>> -> memref<1x4x128xi32, #tpu.memory_space<vmem>>
      %dma_start3A_505 = tpu.memref_squeeze %dma_start3A_504 : memref<1x4x128xi32, #tpu.memory_space<vmem>> -> memref<4x128xi32, #tpu.memory_space<vmem>>
      %dma_start3A_506 = arith.constant 0 : i32
      %dma_start3A_507 = arith.constant 0 : i32
      %dma_start3A_508 = tpu.memref_slice %arg3[%min3A_492, %dma_start3A_506, %dma_start3A_507] : memref<21760x4x128xi32, #tpu.memory_space<hbm>> -> memref<1x4x128xi32, #tpu.memory_space<hbm>>
      %dma_start3A_509 = tpu.memref_squeeze %dma_start3A_508 : memref<1x4x128xi32, #tpu.memory_space<hbm>> -> memref<4x128xi32, #tpu.memory_space<hbm>>
      tpu.enqueue_dma source(%dma_start3A_509 : memref<4x128xi32, #tpu.memory_space<hbm>>) target(%dma_start3A_505 : memref<4x128xi32, #tpu.memory_space<vmem>>) target_semaphore(%arg17 : memref<!tpu.dma_semaphore, #tpu.memory_space<semaphore_mem>>)
      %dma_start3A_510 = arith.constant 3 : i32
      %dma_start3A_511 = arith.constant 0 : i32
      %dma_start3A_512 = tpu.memref_slice %arg7[%dma_start3A_510, %dma_start3A_511] : memref<4x512xf32, #tpu.memory_space<vmem>> -> memref<1x512xf32, #tpu.memory_space<vmem>>
      %dma_start3A_513 = tpu.memref_squeeze %dma_start3A_512 : memref<1x512xf32, #tpu.memory_space<vmem>> -> memref<512xf32, #tpu.memory_space<vmem>>
      %dma_start3A_514 = arith.constant 0 : i32
      %dma_start3A_515 = tpu.memref_slice %arg4[%min3A_492, %dma_start3A_514] : memref<21760x512xf32, #tpu.memory_space<hbm>> -> memref<1x512xf32, #tpu.memory_space<hbm>>
      %dma_start3A_516 = tpu.memref_squeeze %dma_start3A_515 : memref<1x512xf32, #tpu.memory_space<hbm>> -> memref<512xf32, #tpu.memory_space<hbm>>
      %dma_start3A_517 = arith.constant 0 : i32
      %dma_start3A_518 = tpu.memref_slice %arg7[%dma_start3A_510, %dma_start3A_517] : memref<4x512xf32, #tpu.memory_space<vmem>> -> memref<1x512xf32, #tpu.memory_space<vmem>>
      %dma_start3A_519 = tpu.memref_squeeze %dma_start3A_518 : memref<1x512xf32, #tpu.memory_space<vmem>> -> memref<512xf32, #tpu.memory_space<vmem>>
      %dma_start3A_520 = arith.constant 0 : i32
      %dma_start3A_521 = tpu.memref_slice %arg4[%min3A_492, %dma_start3A_520] : memref<21760x512xf32, #tpu.memory_space<hbm>> -> memref<1x512xf32, #tpu.memory_space<hbm>>
      %dma_start3A_522 = tpu.memref_squeeze %dma_start3A_521 : memref<1x512xf32, #tpu.memory_space<hbm>> -> memref<512xf32, #tpu.memory_space<hbm>>
      tpu.enqueue_dma source(%dma_start3A_522 : memref<512xf32, #tpu.memory_space<hbm>>) target(%dma_start3A_519 : memref<512xf32, #tpu.memory_space<vmem>>) target_semaphore(%arg17 : memref<!tpu.dma_semaphore, #tpu.memory_space<semaphore_mem>>)
      %gt3A = arith.constant 0 : i32
      %gt3A_523 = arith.cmpi sgt, %add3A_346, %gt3A : i32
      %convert_element_type3A = arith.extui %gt3A_523 : i1 to i32
      %cond3A = arith.constant 0 : i32
      %cond3A_524 = arith.cmpi ne, %convert_element_type3A, %cond3A : i32
      scf.if %cond3A_524 {
        %sub3A_1654 = arith.constant 2 : i32
        %sub3A_1655 = arith.subi %add3A_348, %sub3A_1654 : i32
        %add3A_1656 = arith.addi %mul3A_2, %sub3A_1655 : i32
        %dma_wait3A_1657 = arith.constant 0 : i32
        %dma_wait3A_1658 = arith.constant 0 : i32
        %dma_wait3A_1659 = tpu.memref_slice %arg9[%dma_wait3A_1657, %dma_wait3A_1658] : memref<2x256xf32, #tpu.memory_space<vmem>> -> memref<1x256xf32, #tpu.memory_space<vmem>>
        %dma_wait3A_1660 = tpu.memref_squeeze %dma_wait3A_1659 : memref<1x256xf32, #tpu.memory_space<vmem>> -> memref<256xf32, #tpu.memory_space<vmem>>
        %dma_wait3A_1661 = arith.constant 0 : i32
        %dma_wait3A_1662 = tpu.memref_slice %arg5[%add3A_1656, %dma_wait3A_1661] : memref<21760x256xf32, #tpu.memory_space<hbm>> -> memref<1x256xf32, #tpu.memory_space<hbm>>
        %dma_wait3A_1663 = tpu.memref_squeeze %dma_wait3A_1662 : memref<1x256xf32, #tpu.memory_space<hbm>> -> memref<256xf32, #tpu.memory_space<hbm>>
        %dma_wait3A_1664 = arith.constant 0 : i32
        %dma_wait3A_1665 = tpu.memref_slice %arg5[%add3A_1656, %dma_wait3A_1664] : memref<21760x256xf32, #tpu.memory_space<hbm>> -> memref<1x256xf32, #tpu.memory_space<hbm>>
        %dma_wait3A_1666 = tpu.memref_squeeze %dma_wait3A_1665 : memref<1x256xf32, #tpu.memory_space<hbm>> -> memref<256xf32, #tpu.memory_space<hbm>>
        %dma_wait3A_1667 = arith.constant 0 : i32
        %dma_wait3A_1668 = tpu.memref_slice %arg9[%dma_wait3A_1657, %dma_wait3A_1667] : memref<2x256xf32, #tpu.memory_space<vmem>> -> memref<1x256xf32, #tpu.memory_space<vmem>>
        %dma_wait3A_1669 = tpu.memref_squeeze %dma_wait3A_1668 : memref<1x256xf32, #tpu.memory_space<vmem>> -> memref<256xf32, #tpu.memory_space<vmem>>
        tpu.wait_dma2 semaphore(%arg18 : memref<!tpu.dma_semaphore, #tpu.memory_space<semaphore_mem>>) src(%dma_wait3A_1669 : memref<256xf32, #tpu.memory_space<vmem>>) dst(%dma_wait3A_1666 : memref<256xf32, #tpu.memory_space<hbm>>)
      } else {
      }
      %add3A_525 = arith.addi %mul3A_2, %add3A_348 : i32
      %get3A = arith.constant 0 : i32
      %get3A_526 = arith.constant 0 : i32
      %get3A_527 = arith.index_cast %get3A : i32 to index
      %get3A_528 = arith.index_cast %get3A_526 : i32 to index
      %get3A_529 = arith.constant 0 : index
      %get3A_530 = tpu.vector_load %arg8[%get3A_527, %get3A_528, %get3A_529] {strides = array<i32>} : memref<4x512x32xbf16, #tpu.memory_space<vmem>>, vector<32xbf16>,
      %unpack3A = tpu.unpack_subelements %get3A_530, 0 {pack_format = #tpu.pack_format<interleaved>} : vector<32xbf16> -> vector<16xf32>
      %unpack3A_531 = tpu.unpack_subelements %get3A_530, 1 {pack_format = #tpu.pack_format<interleaved>} : vector<32xbf16> -> vector<16xf32>
      %swap3A = arith.constant 0 : i32
      %swap3A_532 = arith.index_cast %swap3A : i32 to index
      %swap3A_533 = arith.constant 0 : index
      %swap3A_534 = tpu.vector_load %arg9[%swap3A_532, %swap3A_533] {strides = array<i32>} : memref<2x256xf32, #tpu.memory_space<vmem>>, vector<16xf32>,
      tpu.vector_store %arg9[%swap3A_532, %swap3A_533], %unpack3A {strides = array<i32>} : memref<2x256xf32, #tpu.memory_space<vmem>>, vector<16xf32>,
      %swap3A_535 = arith.constant 0 : i32
      %swap3A_536 = arith.index_cast %swap3A_535 : i32 to index
      %swap3A_537 = arith.constant 16 : index
      %swap3A_538 = tpu.vector_load %arg9[%swap3A_536, %swap3A_537] {strides = array<i32>} : memref<2x256xf32, #tpu.memory_space<vmem>>, vector<16xf32>,
      tpu.vector_store %arg9[%swap3A_536, %swap3A_537], %unpack3A_531 {strides = array<i32>} : memref<2x256xf32, #tpu.memory_space<vmem>>, vector<16xf32>,
      %get3A_539 = arith.constant 0 : i32
      %get3A_540 = arith.constant 1 : i32
      %get3A_541 = arith.index_cast %get3A_539 : i32 to index
      %get3A_542 = arith.index_cast %get3A_540 : i32 to index
      %get3A_543 = arith.constant 0 : index
      %get3A_544 = tpu.vector_load %arg8[%get3A_541, %get3A_542, %get3A_543] {strides = array<i32>} : memref<4x512x32xbf16, #tpu.memory_space<vmem>>, vector<32xbf16>,
      %unpack3A_545 = tpu.unpack_subelements %get3A_544, 0 {pack_format = #tpu.pack_format<interleaved>} : vector<32xbf16> -> vector<16xf32>
      %unpack3A_546 = tpu.unpack_subelements %get3A_544, 1 {pack_format = #tpu.pack_format<interleaved>} : vector<32xbf16> -> vector<16xf32>
      %swap3A_547 = arith.constant 0 : i32
      %swap3A_548 = arith.index_cast %swap3A_547 : i32 to index
      %swap3A_549 = arith.constant 32 : index
      %swap3A_550 = tpu.vector_load %arg9[%swap3A_548, %swap3A_549] {strides = array<i32>} : memref<2x256xf32, #tpu.memory_space<vmem>>, vector<16xf32>,
      tpu.vector_store %arg9[%swap3A_548, %swap3A_549], %unpack3A_545 {strides = array<i32>} : memref<2x256xf32, #tpu.memory_space<vmem>>, vector<16xf32>,
      %swap3A_551 = arith.constant 0 : i32
      %swap3A_552 = arith.index_cast %swap3A_551 : i32 to index
      %swap3A_553 = arith.constant 48 : index
      %swap3A_554 = tpu.vector_load %arg9[%swap3A_552, %swap3A_553] {strides = array<i32>} : memref<2x256xf32, #tpu.memory_space<vmem>>, vector<16xf32>,
      tpu.vector_store %arg9[%swap3A_552, %swap3A_553], %unpack3A_546 {strides = array<i32>} : memref<2x256xf32, #tpu.memory_space<vmem>>, vector<16xf32>,
      %get3A_555 = arith.constant 0 : i32
      %get3A_556 = arith.constant 2 : i32
      %get3A_557 = arith.index_cast %get3A_555 : i32 to index
      %get3A_558 = arith.index_cast %get3A_556 : i32 to index
      %get3A_559 = arith.constant 0 : index
      %get3A_560 = tpu.vector_load %arg8[%get3A_557, %get3A_558, %get3A_559] {strides = array<i32>} : memref<4x512x32xbf16, #tpu.memory_space<vmem>>, vector<32xbf16>,
      %unpack3A_561 = tpu.unpack_subelements %get3A_560, 0 {pack_format = #tpu.pack_format<interleaved>} : vector<32xbf16> -> vector<16xf32>
      %unpack3A_562 = tpu.unpack_subelements %get3A_560, 1 {pack_format = #tpu.pack_format<interleaved>} : vector<32xbf16> -> vector<16xf32>
      %swap3A_563 = arith.constant 0 : i32
      %swap3A_564 = arith.index_cast %swap3A_563 : i32 to index
      %swap3A_565 = arith.constant 64 : index
      %swap3A_566 = tpu.vector_load %arg9[%swap3A_564, %swap3A_565] {strides = array<i32>} : memref<2x256xf32, #tpu.memory_space<vmem>>, vector<16xf32>,
      tpu.vector_store %arg9[%swap3A_564, %swap3A_565], %unpack3A_561 {strides = array<i32>} : memref<2x256xf32, #tpu.memory_space<vmem>>, vector<16xf32>,
      %swap3A_567 = arith.constant 0 : i32
      %swap3A_568 = arith.index_cast %swap3A_567 : i32 to index
      %swap3A_569 = arith.constant 80 : index
      %swap3A_570 = tpu.vector_load %arg9[%swap3A_568, %swap3A_569] {strides = array<i32>} : memref<2x256xf32, #tpu.memory_space<vmem>>, vector<16xf32>,
      tpu.vector_store %arg9[%swap3A_568, %swap3A_569], %unpack3A_562 {strides = array<i32>} : memref<2x256xf32, #tpu.memory_space<vmem>>, vector<16xf32>,
      %get3A_571 = arith.constant 0 : i32
      %get3A_572 = arith.constant 3 : i32
      %get3A_573 = arith.index_cast %get3A_571 : i32 to index
      %get3A_574 = arith.index_cast %get3A_572 : i32 to index
      %get3A_575 = arith.constant 0 : index
      %get3A_576 = tpu.vector_load %arg8[%get3A_573, %get3A_574, %get3A_575] {strides = array<i32>} : memref<4x512x32xbf16, #tpu.memory_space<vmem>>, vector<32xbf16>,
      %unpack3A_577 = tpu.unpack_subelements %get3A_576, 0 {pack_format = #tpu.pack_format<interleaved>} : vector<32xbf16> -> vector<16xf32>
      %unpack3A_578 = tpu.unpack_subelements %get3A_576, 1 {pack_format = #tpu.pack_format<interleaved>} : vector<32xbf16> -> vector<16xf32>
      %swap3A_579 = arith.constant 0 : i32
      %swap3A_580 = arith.index_cast %swap3A_579 : i32 to index
      %swap3A_581 = arith.constant 96 : index
      %swap3A_582 = tpu.vector_load %arg9[%swap3A_580, %swap3A_581] {strides = array<i32>} : memref<2x256xf32, #tpu.memory_space<vmem>>, vector<16xf32>,
      tpu.vector_store %arg9[%swap3A_580, %swap3A_581], %unpack3A_577 {strides = array<i32>} : memref<2x256xf32, #tpu.memory_space<vmem>>, vector<16xf32>,
      %swap3A_583 = arith.constant 0 : i32
      %swap3A_584 = arith.index_cast %swap3A_583 : i32 to index
      %swap3A_585 = arith.constant 112 : index
      %swap3A_586 = tpu.vector_load %arg9[%swap3A_584, %swap3A_585] {strides = array<i32>} : memref<2x256xf32, #tpu.memory_space<vmem>>, vector<16xf32>,
      tpu.vector_store %arg9[%swap3A_584, %swap3A_585], %unpack3A_578 {strides = array<i32>} : memref<2x256xf32, #tpu.memory_space<vmem>>, vector<16xf32>,
      %get3A_587 = arith.constant 0 : i32
      %get3A_588 = arith.constant 4 : i32
      %get3A_589 = arith.index_cast %get3A_587 : i32 to index
      %get3A_590 = arith.index_cast %get3A_588 : i32 to index
      %get3A_591 = arith.constant 0 : index
      %get3A_592 = tpu.vector_load %arg8[%get3A_589, %get3A_590, %get3A_591] {strides = array<i32>} : memref<4x512x32xbf16, #tpu.memory_space<vmem>>, vector<32xbf16>,
      %unpack3A_593 = tpu.unpack_subelements %get3A_592, 0 {pack_format = #tpu.pack_format<interleaved>} : vector<32xbf16> -> vector<16xf32>
      %unpack3A_594 = tpu.unpack_subelements %get3A_592, 1 {pack_format = #tpu.pack_format<interleaved>} : vector<32xbf16> -> vector<16xf32>
      %swap3A_595 = arith.constant 0 : i32
      %swap3A_596 = arith.index_cast %swap3A_595 : i32 to index
      %swap3A_597 = arith.constant 128 : index
      %swap3A_598 = tpu.vector_load %arg9[%swap3A_596, %swap3A_597] {strides = array<i32>} : memref<2x256xf32, #tpu.memory_space<vmem>>, vector<16xf32>,
      tpu.vector_store %arg9[%swap3A_596, %swap3A_597], %unpack3A_593 {strides = array<i32>} : memref<2x256xf32, #tpu.memory_space<vmem>>, vector<16xf32>,
      %swap3A_599 = arith.constant 0 : i32
      %swap3A_600 = arith.index_cast %swap3A_599 : i32 to index
      %swap3A_601 = arith.constant 144 : index
      %swap3A_602 = tpu.vector_load %arg9[%swap3A_600, %swap3A_601] {strides = array<i32>} : memref<2x256xf32, #tpu.memory_space<vmem>>, vector<16xf32>,
      tpu.vector_store %arg9[%swap3A_600, %swap3A_601], %unpack3A_594 {strides = array<i32>} : memref<2x256xf32, #tpu.memory_space<vmem>>, vector<16xf32>,
      %get3A_603 = arith.constant 0 : i32
      %get3A_604 = arith.constant 5 : i32
      %get3A_605 = arith.index_cast %get3A_603 : i32 to index
      %get3A_606 = arith.index_cast %get3A_604 : i32 to index
      %get3A_607 = arith.constant 0 : index
      %get3A_608 = tpu.vector_load %arg8[%get3A_605, %get3A_606, %get3A_607] {strides = array<i32>} : memref<4x512x32xbf16, #tpu.memory_space<vmem>>, vector<32xbf16>,
      %unpack3A_609 = tpu.unpack_subelements %get3A_608, 0 {pack_format = #tpu.pack_format<interleaved>} : vector<32xbf16> -> vector<16xf32>
      %unpack3A_610 = tpu.unpack_subelements %get3A_608, 1 {pack_format = #tpu.pack_format<interleaved>} : vector<32xbf16> -> vector<16xf32>
      %swap3A_611 = arith.constant 0 : i32
      %swap3A_612 = arith.index_cast %swap3A_611 : i32 to index
      %swap3A_613 = arith.constant 160 : index
      %swap3A_614 = tpu.vector_load %arg9[%swap3A_612, %swap3A_613] {strides = array<i32>} : memref<2x256xf32, #tpu.memory_space<vmem>>, vector<16xf32>,
      tpu.vector_store %arg9[%swap3A_612, %swap3A_613], %unpack3A_609 {strides = array<i32>} : memref<2x256xf32, #tpu.memory_space<vmem>>, vector<16xf32>,
      %swap3A_615 = arith.constant 0 : i32
      %swap3A_616 = arith.index_cast %swap3A_615 : i32 to index
      %swap3A_617 = arith.constant 176 : index
      %swap3A_618 = tpu.vector_load %arg9[%swap3A_616, %swap3A_617] {strides = array<i32>} : memref<2x256xf32, #tpu.memory_space<vmem>>, vector<16xf32>,
      tpu.vector_store %arg9[%swap3A_616, %swap3A_617], %unpack3A_610 {strides = array<i32>} : memref<2x256xf32, #tpu.memory_space<vmem>>, vector<16xf32>,
      %get3A_619 = arith.constant 0 : i32
      %get3A_620 = arith.constant 6 : i32
      %get3A_621 = arith.index_cast %get3A_619 : i32 to index
      %get3A_622 = arith.index_cast %get3A_620 : i32 to index
      %get3A_623 = arith.constant 0 : index
      %get3A_624 = tpu.vector_load %arg8[%get3A_621, %get3A_622, %get3A_623] {strides = array<i32>} : memref<4x512x32xbf16, #tpu.memory_space<vmem>>, vector<32xbf16>,
      %unpack3A_625 = tpu.unpack_subelements %get3A_624, 0 {pack_format = #tpu.pack_format<interleaved>} : vector<32xbf16> -> vector<16xf32>
      %unpack3A_626 = tpu.unpack_subelements %get3A_624, 1 {pack_format = #tpu.pack_format<interleaved>} : vector<32xbf16> -> vector<16xf32>
      %swap3A_627 = arith.constant 0 : i32
      %swap3A_628 = arith.index_cast %swap3A_627 : i32 to index
      %swap3A_629 = arith.constant 192 : index
      %swap3A_630 = tpu.vector_load %arg9[%swap3A_628, %swap3A_629] {strides = array<i32>} : memref<2x256xf32, #tpu.memory_space<vmem>>, vector<16xf32>,
      tpu.vector_store %arg9[%swap3A_628, %swap3A_629], %unpack3A_625 {strides = array<i32>} : memref<2x256xf32, #tpu.memory_space<vmem>>, vector<16xf32>,
      %swap3A_631 = arith.constant 0 : i32
      %swap3A_632 = arith.index_cast %swap3A_631 : i32 to index
      %swap3A_633 = arith.constant 208 : index
      %swap3A_634 = tpu.vector_load %arg9[%swap3A_632, %swap3A_633] {strides = array<i32>} : memref<2x256xf32, #tpu.memory_space<vmem>>, vector<16xf32>,
      tpu.vector_store %arg9[%swap3A_632, %swap3A_633], %unpack3A_626 {strides = array<i32>} : memref<2x256xf32, #tpu.memory_space<vmem>>, vector<16xf32>,
      %get3A_635 = arith.constant 0 : i32
      %get3A_636 = arith.constant 7 : i32
      %get3A_637 = arith.index_cast %get3A_635 : i32 to index
      %get3A_638 = arith.index_cast %get3A_636 : i32 to index
      %get3A_639 = arith.constant 0 : index
      %get3A_640 = tpu.vector_load %arg8[%get3A_637, %get3A_638, %get3A_639] {strides = array<i32>} : memref<4x512x32xbf16, #tpu.memory_space<vmem>>, vector<32xbf16>,
      %unpack3A_641 = tpu.unpack_subelements %get3A_640, 0 {pack_format = #tpu.pack_format<interleaved>} : vector<32xbf16> -> vector<16xf32>
      %unpack3A_642 = tpu.unpack_subelements %get3A_640, 1 {pack_format = #tpu.pack_format<interleaved>} : vector<32xbf16> -> vector<16xf32>
      %swap3A_643 = arith.constant 0 : i32
      %swap3A_644 = arith.index_cast %swap3A_643 : i32 to index
      %swap3A_645 = arith.constant 224 : index
      %swap3A_646 = tpu.vector_load %arg9[%swap3A_644, %swap3A_645] {strides = array<i32>} : memref<2x256xf32, #tpu.memory_space<vmem>>, vector<16xf32>,
      tpu.vector_store %arg9[%swap3A_644, %swap3A_645], %unpack3A_641 {strides = array<i32>} : memref<2x256xf32, #tpu.memory_space<vmem>>, vector<16xf32>,
      %swap3A_647 = arith.constant 0 : i32
      %swap3A_648 = arith.index_cast %swap3A_647 : i32 to index
      %swap3A_649 = arith.constant 240 : index
      %swap3A_650 = tpu.vector_load %arg9[%swap3A_648, %swap3A_649] {strides = array<i32>} : memref<2x256xf32, #tpu.memory_space<vmem>>, vector<16xf32>,
      tpu.vector_store %arg9[%swap3A_648, %swap3A_649], %unpack3A_642 {strides = array<i32>} : memref<2x256xf32, #tpu.memory_space<vmem>>, vector<16xf32>,
      %dma_start3A_651 = arith.constant 0 : i32
      %dma_start3A_652 = arith.constant 0 : i32
      %dma_start3A_653 = tpu.memref_slice %arg9[%dma_start3A_651, %dma_start3A_652] : memref<2x256xf32, #tpu.memory_space<vmem>> -> memref<1x256xf32, #tpu.memory_space<vmem>>
      %dma_start3A_654 = tpu.memref_squeeze %dma_start3A_653 : memref<1x256xf32, #tpu.memory_space<vmem>> -> memref<256xf32, #tpu.memory_space<vmem>>
      %dma_start3A_655 = arith.constant 0 : i32
      %dma_start3A_656 = tpu.memref_slice %arg5[%add3A_525, %dma_start3A_655] : memref<21760x256xf32, #tpu.memory_space<hbm>> -> memref<1x256xf32, #tpu.memory_space<hbm>>
      %dma_start3A_657 = tpu.memref_squeeze %dma_start3A_656 : memref<1x256xf32, #tpu.memory_space<hbm>> -> memref<256xf32, #tpu.memory_space<hbm>>
      %dma_start3A_658 = arith.constant 0 : i32
      %dma_start3A_659 = tpu.memref_slice %arg5[%add3A_525, %dma_start3A_658] : memref<21760x256xf32, #tpu.memory_space<hbm>> -> memref<1x256xf32, #tpu.memory_space<hbm>>
      %dma_start3A_660 = tpu.memref_squeeze %dma_start3A_659 : memref<1x256xf32, #tpu.memory_space<hbm>> -> memref<256xf32, #tpu.memory_space<hbm>>
      %dma_start3A_661 = arith.constant 0 : i32
      %dma_start3A_662 = tpu.memref_slice %arg9[%dma_start3A_651, %dma_start3A_661] : memref<2x256xf32, #tpu.memory_space<vmem>> -> memref<1x256xf32, #tpu.memory_space<vmem>>
      %dma_start3A_663 = tpu.memref_squeeze %dma_start3A_662 : memref<1x256xf32, #tpu.memory_space<vmem>> -> memref<256xf32, #tpu.memory_space<vmem>>
      tpu.enqueue_dma source(%dma_start3A_663 : memref<256xf32, #tpu.memory_space<vmem>>) target(%dma_start3A_660 : memref<256xf32, #tpu.memory_space<hbm>>) target_semaphore(%arg18 : memref<!tpu.dma_semaphore, #tpu.memory_space<semaphore_mem>>)
      %add3A_664 = arith.constant 1 : i32
      %add3A_665 = arith.addi %add3A_346, %add3A_664 : i32
      %add3A_666 = arith.constant 1 : i32
      %add3A_667 = arith.addi %add3A_665, %add3A_666 : i32
      %add3A_668 = arith.addi %mul3A_2, %add3A_667 : i32
      %min3A_669 = arith.constant 21759 : i32
      %min3A_670 = arith.minsi %add3A_668, %min3A_669 : i32
      %dma_wait3A_671 = arith.constant 2 : i32
      %dma_wait3A_672 = arith.constant 0 : i32
      %dma_wait3A_673 = arith.constant 0 : i32
      %dma_wait3A_674 = tpu.memref_slice %arg6[%dma_wait3A_671, %dma_wait3A_672, %dma_wait3A_673] : memref<4x4x128xi32, #tpu.memory_space<vmem>> -> memref<1x4x128xi32, #tpu.memory_space<vmem>>
      %dma_wait3A_675 = tpu.memref_squeeze %dma_wait3A_674 : memref<1x4x128xi32, #tpu.memory_space<vmem>> -> memref<4x128xi32, #tpu.memory_space<vmem>>
      %dma_wait3A_676 = arith.constant 0 : i32
      %dma_wait3A_677 = arith.constant 0 : i32
      %dma_wait3A_678 = tpu.memref_slice %arg3[%min3A_670, %dma_wait3A_676, %dma_wait3A_677] : memref<21760x4x128xi32, #tpu.memory_space<hbm>> -> memref<1x4x128xi32, #tpu.memory_space<hbm>>
      %dma_wait3A_679 = tpu.memref_squeeze %dma_wait3A_678 : memref<1x4x128xi32, #tpu.memory_space<hbm>> -> memref<4x128xi32, #tpu.memory_space<hbm>>
      %dma_wait3A_680 = arith.constant 0 : i32
      %dma_wait3A_681 = arith.constant 0 : i32
      %dma_wait3A_682 = tpu.memref_slice %arg6[%dma_wait3A_671, %dma_wait3A_680, %dma_wait3A_681] : memref<4x4x128xi32, #tpu.memory_space<vmem>> -> memref<1x4x128xi32, #tpu.memory_space<vmem>>
      %dma_wait3A_683 = tpu.memref_squeeze %dma_wait3A_682 : memref<1x4x128xi32, #tpu.memory_space<vmem>> -> memref<4x128xi32, #tpu.memory_space<vmem>>
      %dma_wait3A_684 = arith.constant 0 : i32
      %dma_wait3A_685 = arith.constant 0 : i32
      %dma_wait3A_686 = tpu.memref_slice %arg3[%min3A_670, %dma_wait3A_684, %dma_wait3A_685] : memref<21760x4x128xi32, #tpu.memory_space<hbm>> -> memref<1x4x128xi32, #tpu.memory_space<hbm>>
      %dma_wait3A_687 = tpu.memref_squeeze %dma_wait3A_686 : memref<1x4x128xi32, #tpu.memory_space<hbm>> -> memref<4x128xi32, #tpu.memory_space<hbm>>
      tpu.wait_dma2 semaphore(%arg16 : memref<!tpu.dma_semaphore, #tpu.memory_space<semaphore_mem>>) src(%dma_wait3A_687 : memref<4x128xi32, #tpu.memory_space<hbm>>) dst(%dma_wait3A_683 : memref<4x128xi32, #tpu.memory_space<vmem>>)
      %dma_wait3A_688 = arith.constant 2 : i32
      %dma_wait3A_689 = arith.constant 0 : i32
      %dma_wait3A_690 = tpu.memref_slice %arg7[%dma_wait3A_688, %dma_wait3A_689] : memref<4x512xf32, #tpu.memory_space<vmem>> -> memref<1x512xf32, #tpu.memory_space<vmem>>
      %dma_wait3A_691 = tpu.memref_squeeze %dma_wait3A_690 : memref<1x512xf32, #tpu.memory_space<vmem>> -> memref<512xf32, #tpu.memory_space<vmem>>
      %dma_wait3A_692 = arith.constant 0 : i32
      %dma_wait3A_693 = tpu.memref_slice %arg4[%min3A_670, %dma_wait3A_692] : memref<21760x512xf32, #tpu.memory_space<hbm>> -> memref<1x512xf32, #tpu.memory_space<hbm>>
      %dma_wait3A_694 = tpu.memref_squeeze %dma_wait3A_693 : memref<1x512xf32, #tpu.memory_space<hbm>> -> memref<512xf32, #tpu.memory_space<hbm>>
      %dma_wait3A_695 = arith.constant 0 : i32
      %dma_wait3A_696 = tpu.memref_slice %arg7[%dma_wait3A_688, %dma_wait3A_695] : memref<4x512xf32, #tpu.memory_space<vmem>> -> memref<1x512xf32, #tpu.memory_space<vmem>>
      %dma_wait3A_697 = tpu.memref_squeeze %dma_wait3A_696 : memref<1x512xf32, #tpu.memory_space<vmem>> -> memref<512xf32, #tpu.memory_space<vmem>>
      %dma_wait3A_698 = arith.constant 0 : i32
      %dma_wait3A_699 = tpu.memref_slice %arg4[%min3A_670, %dma_wait3A_698] : memref<21760x512xf32, #tpu.memory_space<hbm>> -> memref<1x512xf32, #tpu.memory_space<hbm>>
      %dma_wait3A_700 = tpu.memref_squeeze %dma_wait3A_699 : memref<1x512xf32, #tpu.memory_space<hbm>> -> memref<512xf32, #tpu.memory_space<hbm>>
      tpu.wait_dma2 semaphore(%arg16 : memref<!tpu.dma_semaphore, #tpu.memory_space<semaphore_mem>>) src(%dma_wait3A_700 : memref<512xf32, #tpu.memory_space<hbm>>) dst(%dma_wait3A_697 : memref<512xf32, #tpu.memory_space<vmem>>)
      %dma_start3A_701 = arith.constant 2 : i32
      %dma_start3A_702 = arith.constant 0 : i32
      %dma_start3A_703 = arith.constant 2 : i32
      %dma_start3A_704 = arith.constant 0 : i32
      %dma_start3A_705 = arith.constant 0 : i32
      %dma_start3A_706 = tpu.memref_slice %arg8[%dma_start3A_703, %dma_start3A_704, %dma_start3A_705] : memref<4x512x32xbf16, #tpu.memory_space<vmem>> -> memref<1x128x32xbf16, #tpu.memory_space<vmem>>
      %dma_start3A_707 = tpu.memref_squeeze %dma_start3A_706 : memref<1x128x32xbf16, #tpu.memory_space<vmem>> -> memref<128x32xbf16, #tpu.memory_space<vmem>>
      %dma_start3A_708 = arith.constant 0 : i32
      %dma_start3A_709 = tpu.memref_slice %arg6[%dma_start3A_701, %dma_start3A_702, %dma_start3A_708] : memref<4x4x128xi32, #tpu.memory_space<vmem>> -> memref<1x1x128xi32, #tpu.memory_space<vmem>>
      %dma_start3A_710 = tpu.memref_squeeze %dma_start3A_709 : memref<1x1x128xi32, #tpu.memory_space<vmem>> -> memref<128xi32, #tpu.memory_space<vmem>>
      %dma_start3A_711 = arith.constant 0 : i32
      %dma_start3A_712 = arith.constant 0 : i32
      %dma_start3A_713 = tpu.memref_slice %arg2[%dma_start3A_711, %dma_start3A_712] : memref<174080x32xbf16, #tpu.memory_space<hbm>> -> memref<174080x32xbf16, #tpu.memory_space<hbm>>
      tpu.enqueue_indirect_dma source(%dma_start3A_713 : memref<174080x32xbf16, #tpu.memory_space<hbm>>) target(%dma_start3A_707 : memref<128x32xbf16, #tpu.memory_space<vmem>>) offsets(%dma_start3A_710 : memref<128xi32, #tpu.memory_space<vmem>>) semaphore(%arg12 : memref<!tpu.dma_semaphore, #tpu.memory_space<semaphore_mem>>)
      %dma_start3A_714 = arith.constant 2 : i32
      %dma_start3A_715 = arith.constant 1 : i32
      %dma_start3A_716 = arith.constant 2 : i32
      %dma_start3A_717 = arith.constant 128 : i32
      %dma_start3A_718 = arith.constant 0 : i32
      %dma_start3A_719 = tpu.memref_slice %arg8[%dma_start3A_716, %dma_start3A_717, %dma_start3A_718] : memref<4x512x32xbf16, #tpu.memory_space<vmem>> -> memref<1x128x32xbf16, #tpu.memory_space<vmem>>
      %dma_start3A_720 = tpu.memref_squeeze %dma_start3A_719 : memref<1x128x32xbf16, #tpu.memory_space<vmem>> -> memref<128x32xbf16, #tpu.memory_space<vmem>>
      %dma_start3A_721 = arith.constant 0 : i32
      %dma_start3A_722 = tpu.memref_slice %arg6[%dma_start3A_714, %dma_start3A_715, %dma_start3A_721] : memref<4x4x128xi32, #tpu.memory_space<vmem>> -> memref<1x1x128xi32, #tpu.memory_space<vmem>>
      %dma_start3A_723 = tpu.memref_squeeze %dma_start3A_722 : memref<1x1x128xi32, #tpu.memory_space<vmem>> -> memref<128xi32, #tpu.memory_space<vmem>>
      %dma_start3A_724 = arith.constant 0 : i32
      %dma_start3A_725 = arith.constant 0 : i32
      %dma_start3A_726 = tpu.memref_slice %arg2[%dma_start3A_724, %dma_start3A_725] : memref<174080x32xbf16, #tpu.memory_space<hbm>> -> memref<174080x32xbf16, #tpu.memory_space<hbm>>
      tpu.enqueue_indirect_dma source(%dma_start3A_726 : memref<174080x32xbf16, #tpu.memory_space<hbm>>) target(%dma_start3A_720 : memref<128x32xbf16, #tpu.memory_space<vmem>>) offsets(%dma_start3A_723 : memref<128xi32, #tpu.memory_space<vmem>>) semaphore(%arg12 : memref<!tpu.dma_semaphore, #tpu.memory_space<semaphore_mem>>)
      %dma_start3A_727 = arith.constant 2 : i32
      %dma_start3A_728 = arith.constant 2 : i32
      %dma_start3A_729 = arith.constant 2 : i32
      %dma_start3A_730 = arith.constant 256 : i32
      %dma_start3A_731 = arith.constant 0 : i32
      %dma_start3A_732 = tpu.memref_slice %arg8[%dma_start3A_729, %dma_start3A_730, %dma_start3A_731] : memref<4x512x32xbf16, #tpu.memory_space<vmem>> -> memref<1x128x32xbf16, #tpu.memory_space<vmem>>
      %dma_start3A_733 = tpu.memref_squeeze %dma_start3A_732 : memref<1x128x32xbf16, #tpu.memory_space<vmem>> -> memref<128x32xbf16, #tpu.memory_space<vmem>>
      %dma_start3A_734 = arith.constant 0 : i32
      %dma_start3A_735 = tpu.memref_slice %arg6[%dma_start3A_727, %dma_start3A_728, %dma_start3A_734] : memref<4x4x128xi32, #tpu.memory_space<vmem>> -> memref<1x1x128xi32, #tpu.memory_space<vmem>>
      %dma_start3A_736 = tpu.memref_squeeze %dma_start3A_735 : memref<1x1x128xi32, #tpu.memory_space<vmem>> -> memref<128xi32, #tpu.memory_space<vmem>>
      %dma_start3A_737 = arith.constant 0 : i32
      %dma_start3A_738 = arith.constant 0 : i32
      %dma_start3A_739 = tpu.memref_slice %arg2[%dma_start3A_737, %dma_start3A_738] : memref<174080x32xbf16, #tpu.memory_space<hbm>> -> memref<174080x32xbf16, #tpu.memory_space<hbm>>
      tpu.enqueue_indirect_dma source(%dma_start3A_739 : memref<174080x32xbf16, #tpu.memory_space<hbm>>) target(%dma_start3A_733 : memref<128x32xbf16, #tpu.memory_space<vmem>>) offsets(%dma_start3A_736 : memref<128xi32, #tpu.memory_space<vmem>>) semaphore(%arg12 : memref<!tpu.dma_semaphore, #tpu.memory_space<semaphore_mem>>)
      %dma_start3A_740 = arith.constant 2 : i32
      %dma_start3A_741 = arith.constant 3 : i32
      %dma_start3A_742 = arith.constant 2 : i32
      %dma_start3A_743 = arith.constant 384 : i32
      %dma_start3A_744 = arith.constant 0 : i32
      %dma_start3A_745 = tpu.memref_slice %arg8[%dma_start3A_742, %dma_start3A_743, %dma_start3A_744] : memref<4x512x32xbf16, #tpu.memory_space<vmem>> -> memref<1x128x32xbf16, #tpu.memory_space<vmem>>
      %dma_start3A_746 = tpu.memref_squeeze %dma_start3A_745 : memref<1x128x32xbf16, #tpu.memory_space<vmem>> -> memref<128x32xbf16, #tpu.memory_space<vmem>>
      %dma_start3A_747 = arith.constant 0 : i32
      %dma_start3A_748 = tpu.memref_slice %arg6[%dma_start3A_740, %dma_start3A_741, %dma_start3A_747] : memref<4x4x128xi32, #tpu.memory_space<vmem>> -> memref<1x1x128xi32, #tpu.memory_space<vmem>>
      %dma_start3A_749 = tpu.memref_squeeze %dma_start3A_748 : memref<1x1x128xi32, #tpu.memory_space<vmem>> -> memref<128xi32, #tpu.memory_space<vmem>>
      %dma_start3A_750 = arith.constant 0 : i32
      %dma_start3A_751 = arith.constant 0 : i32
      %dma_start3A_752 = tpu.memref_slice %arg2[%dma_start3A_750, %dma_start3A_751] : memref<174080x32xbf16, #tpu.memory_space<hbm>> -> memref<174080x32xbf16, #tpu.memory_space<hbm>>
      tpu.enqueue_indirect_dma source(%dma_start3A_752 : memref<174080x32xbf16, #tpu.memory_space<hbm>>) target(%dma_start3A_746 : memref<128x32xbf16, #tpu.memory_space<vmem>>) offsets(%dma_start3A_749 : memref<128xi32, #tpu.memory_space<vmem>>) semaphore(%arg12 : memref<!tpu.dma_semaphore, #tpu.memory_space<semaphore_mem>>)
      %dma_wait3A_753 = arith.constant 1 : i32
      %dma_wait3A_754 = arith.constant 0 : i32
      %dma_wait3A_755 = arith.constant 1 : i32
      %dma_wait3A_756 = arith.constant 0 : i32
      %dma_wait3A_757 = arith.constant 0 : i32
      %dma_wait3A_758 = tpu.memref_slice %arg8[%dma_wait3A_755, %dma_wait3A_756, %dma_wait3A_757] : memref<4x512x32xbf16, #tpu.memory_space<vmem>> -> memref<1x128x32xbf16, #tpu.memory_space<vmem>>
      %dma_wait3A_759 = tpu.memref_squeeze %dma_wait3A_758 : memref<1x128x32xbf16, #tpu.memory_space<vmem>> -> memref<128x32xbf16, #tpu.memory_space<vmem>>
      %dma_wait3A_760 = arith.constant 0 : i32
      %dma_wait3A_761 = tpu.memref_slice %arg6[%dma_wait3A_753, %dma_wait3A_754, %dma_wait3A_760] : memref<4x4x128xi32, #tpu.memory_space<vmem>> -> memref<1x1x128xi32, #tpu.memory_space<vmem>>
      %dma_wait3A_762 = tpu.memref_squeeze %dma_wait3A_761 : memref<1x1x128xi32, #tpu.memory_space<vmem>> -> memref<128xi32, #tpu.memory_space<vmem>>
      %dma_wait3A_763 = arith.constant 0 : i32
      %dma_wait3A_764 = arith.constant 0 : i32
      %dma_wait3A_765 = tpu.memref_slice %arg2[%dma_wait3A_763, %dma_wait3A_764] : memref<174080x32xbf16, #tpu.memory_space<hbm>> -> memref<174080x32xbf16, #tpu.memory_space<hbm>>
      tpu.wait_indirect_dma semaphore(%arg11 : memref<!tpu.dma_semaphore, #tpu.memory_space<semaphore_mem>>) src(%dma_wait3A_765 : memref<174080x32xbf16, #tpu.memory_space<hbm>>) dst(%dma_wait3A_759 : memref<128x32xbf16, #tpu.memory_space<vmem>>)
      %dma_wait3A_766 = arith.constant 1 : i32
      %dma_wait3A_767 = arith.constant 1 : i32
      %dma_wait3A_768 = arith.constant 1 : i32
      %dma_wait3A_769 = arith.constant 128 : i32
      %dma_wait3A_770 = arith.constant 0 : i32
      %dma_wait3A_771 = tpu.memref_slice %arg8[%dma_wait3A_768, %dma_wait3A_769, %dma_wait3A_770] : memref<4x512x32xbf16, #tpu.memory_space<vmem>> -> memref<1x128x32xbf16, #tpu.memory_space<vmem>>
      %dma_wait3A_772 = tpu.memref_squeeze %dma_wait3A_771 : memref<1x128x32xbf16, #tpu.memory_space<vmem>> -> memref<128x32xbf16, #tpu.memory_space<vmem>>
      %dma_wait3A_773 = arith.constant 0 : i32
      %dma_wait3A_774 = tpu.memref_slice %arg6[%dma_wait3A_766, %dma_wait3A_767, %dma_wait3A_773] : memref<4x4x128xi32, #tpu.memory_space<vmem>> -> memref<1x1x128xi32, #tpu.memory_space<vmem>>
      %dma_wait3A_775 = tpu.memref_squeeze %dma_wait3A_774 : memref<1x1x128xi32, #tpu.memory_space<vmem>> -> memref<128xi32, #tpu.memory_space<vmem>>
      %dma_wait3A_776 = arith.constant 0 : i32
      %dma_wait3A_777 = arith.constant 0 : i32
      %dma_wait3A_778 = tpu.memref_slice %arg2[%dma_wait3A_776, %dma_wait3A_777] : memref<174080x32xbf16, #tpu.memory_space<hbm>> -> memref<174080x32xbf16, #tpu.memory_space<hbm>>
      tpu.wait_indirect_dma semaphore(%arg11 : memref<!tpu.dma_semaphore, #tpu.memory_space<semaphore_mem>>) src(%dma_wait3A_778 : memref<174080x32xbf16, #tpu.memory_space<hbm>>) dst(%dma_wait3A_772 : memref<128x32xbf16, #tpu.memory_space<vmem>>)
      %dma_wait3A_779 = arith.constant 1 : i32
      %dma_wait3A_780 = arith.constant 2 : i32
      %dma_wait3A_781 = arith.constant 1 : i32
      %dma_wait3A_782 = arith.constant 256 : i32
      %dma_wait3A_783 = arith.constant 0 : i32
      %dma_wait3A_784 = tpu.memref_slice %arg8[%dma_wait3A_781, %dma_wait3A_782, %dma_wait3A_783] : memref<4x512x32xbf16, #tpu.memory_space<vmem>> -> memref<1x128x32xbf16, #tpu.memory_space<vmem>>
      %dma_wait3A_785 = tpu.memref_squeeze %dma_wait3A_784 : memref<1x128x32xbf16, #tpu.memory_space<vmem>> -> memref<128x32xbf16, #tpu.memory_space<vmem>>
      %dma_wait3A_786 = arith.constant 0 : i32
      %dma_wait3A_787 = tpu.memref_slice %arg6[%dma_wait3A_779, %dma_wait3A_780, %dma_wait3A_786] : memref<4x4x128xi32, #tpu.memory_space<vmem>> -> memref<1x1x128xi32, #tpu.memory_space<vmem>>
      %dma_wait3A_788 = tpu.memref_squeeze %dma_wait3A_787 : memref<1x1x128xi32, #tpu.memory_space<vmem>> -> memref<128xi32, #tpu.memory_space<vmem>>
      %dma_wait3A_789 = arith.constant 0 : i32
      %dma_wait3A_790 = arith.constant 0 : i32
      %dma_wait3A_791 = tpu.memref_slice %arg2[%dma_wait3A_789, %dma_wait3A_790] : memref<174080x32xbf16, #tpu.memory_space<hbm>> -> memref<174080x32xbf16, #tpu.memory_space<hbm>>
      tpu.wait_indirect_dma semaphore(%arg11 : memref<!tpu.dma_semaphore, #tpu.memory_space<semaphore_mem>>) src(%dma_wait3A_791 : memref<174080x32xbf16, #tpu.memory_space<hbm>>) dst(%dma_wait3A_785 : memref<128x32xbf16, #tpu.memory_space<vmem>>)
      %dma_wait3A_792 = arith.constant 1 : i32
      %dma_wait3A_793 = arith.constant 3 : i32
      %dma_wait3A_794 = arith.constant 1 : i32
      %dma_wait3A_795 = arith.constant 384 : i32
      %dma_wait3A_796 = arith.constant 0 : i32
      %dma_wait3A_797 = tpu.memref_slice %arg8[%dma_wait3A_794, %dma_wait3A_795, %dma_wait3A_796] : memref<4x512x32xbf16, #tpu.memory_space<vmem>> -> memref<1x128x32xbf16, #tpu.memory_space<vmem>>
      %dma_wait3A_798 = tpu.memref_squeeze %dma_wait3A_797 : memref<1x128x32xbf16, #tpu.memory_space<vmem>> -> memref<128x32xbf16, #tpu.memory_space<vmem>>
      %dma_wait3A_799 = arith.constant 0 : i32
      %dma_wait3A_800 = tpu.memref_slice %arg6[%dma_wait3A_792, %dma_wait3A_793, %dma_wait3A_799] : memref<4x4x128xi32, #tpu.memory_space<vmem>> -> memref<1x1x128xi32, #tpu.memory_space<vmem>>
      %dma_wait3A_801 = tpu.memref_squeeze %dma_wait3A_800 : memref<1x1x128xi32, #tpu.memory_space<vmem>> -> memref<128xi32, #tpu.memory_space<vmem>>
      %dma_wait3A_802 = arith.constant 0 : i32
      %dma_wait3A_803 = arith.constant 0 : i32
      %dma_wait3A_804 = tpu.memref_slice %arg2[%dma_wait3A_802, %dma_wait3A_803] : memref<174080x32xbf16, #tpu.memory_space<hbm>> -> memref<174080x32xbf16, #tpu.memory_space<hbm>>
      tpu.wait_indirect_dma semaphore(%arg11 : memref<!tpu.dma_semaphore, #tpu.memory_space<semaphore_mem>>) src(%dma_wait3A_804 : memref<174080x32xbf16, #tpu.memory_space<hbm>>) dst(%dma_wait3A_798 : memref<128x32xbf16, #tpu.memory_space<vmem>>)
      %add3A_805 = arith.constant 3 : i32
      %add3A_806 = arith.addi %add3A_665, %add3A_805 : i32
      %add3A_807 = arith.addi %mul3A_2, %add3A_806 : i32
      %min3A_808 = arith.constant 21759 : i32
      %min3A_809 = arith.minsi %add3A_807, %min3A_808 : i32
      %dma_start3A_810 = arith.constant 0 : i32
      %dma_start3A_811 = arith.constant 0 : i32
      %dma_start3A_812 = arith.constant 0 : i32
      %dma_start3A_813 = tpu.memref_slice %arg6[%dma_start3A_810, %dma_start3A_811, %dma_start3A_812] : memref<4x4x128xi32, #tpu.memory_space<vmem>> -> memref<1x4x128xi32, #tpu.memory_space<vmem>>
      %dma_start3A_814 = tpu.memref_squeeze %dma_start3A_813 : memref<1x4x128xi32, #tpu.memory_space<vmem>> -> memref<4x128xi32, #tpu.memory_space<vmem>>
      %dma_start3A_815 = arith.constant 0 : i32
      %dma_start3A_816 = arith.constant 0 : i32
      %dma_start3A_817 = tpu.memref_slice %arg3[%min3A_809, %dma_start3A_815, %dma_start3A_816] : memref<21760x4x128xi32, #tpu.memory_space<hbm>> -> memref<1x4x128xi32, #tpu.memory_space<hbm>>
      %dma_start3A_818 = tpu.memref_squeeze %dma_start3A_817 : memref<1x4x128xi32, #tpu.memory_space<hbm>> -> memref<4x128xi32, #tpu.memory_space<hbm>>
      %dma_start3A_819 = arith.constant 0 : i32
      %dma_start3A_820 = arith.constant 0 : i32
      %dma_start3A_821 = tpu.memref_slice %arg6[%dma_start3A_810, %dma_start3A_819, %dma_start3A_820] : memref<4x4x128xi32, #tpu.memory_space<vmem>> -> memref<1x4x128xi32, #tpu.memory_space<vmem>>
      %dma_start3A_822 = tpu.memref_squeeze %dma_start3A_821 : memref<1x4x128xi32, #tpu.memory_space<vmem>> -> memref<4x128xi32, #tpu.memory_space<vmem>>
      %dma_start3A_823 = arith.constant 0 : i32
      %dma_start3A_824 = arith.constant 0 : i32
      %dma_start3A_825 = tpu.memref_slice %arg3[%min3A_809, %dma_start3A_823, %dma_start3A_824] : memref<21760x4x128xi32, #tpu.memory_space<hbm>> -> memref<1x4x128xi32, #tpu.memory_space<hbm>>
      %dma_start3A_826 = tpu.memref_squeeze %dma_start3A_825 : memref<1x4x128xi32, #tpu.memory_space<hbm>> -> memref<4x128xi32, #tpu.memory_space<hbm>>
      tpu.enqueue_dma source(%dma_start3A_826 : memref<4x128xi32, #tpu.memory_space<hbm>>) target(%dma_start3A_822 : memref<4x128xi32, #tpu.memory_space<vmem>>) target_semaphore(%arg14 : memref<!tpu.dma_semaphore, #tpu.memory_space<semaphore_mem>>)
      %dma_start3A_827 = arith.constant 0 : i32
      %dma_start3A_828 = arith.constant 0 : i32
      %dma_start3A_829 = tpu.memref_slice %arg7[%dma_start3A_827, %dma_start3A_828] : memref<4x512xf32, #tpu.memory_space<vmem>> -> memref<1x512xf32, #tpu.memory_space<vmem>>
      %dma_start3A_830 = tpu.memref_squeeze %dma_start3A_829 : memref<1x512xf32, #tpu.memory_space<vmem>> -> memref<512xf32, #tpu.memory_space<vmem>>
      %dma_start3A_831 = arith.constant 0 : i32
      %dma_start3A_832 = tpu.memref_slice %arg4[%min3A_809, %dma_start3A_831] : memref<21760x512xf32, #tpu.memory_space<hbm>> -> memref<1x512xf32, #tpu.memory_space<hbm>>
      %dma_start3A_833 = tpu.memref_squeeze %dma_start3A_832 : memref<1x512xf32, #tpu.memory_space<hbm>> -> memref<512xf32, #tpu.memory_space<hbm>>
      %dma_start3A_834 = arith.constant 0 : i32
      %dma_start3A_835 = tpu.memref_slice %arg7[%dma_start3A_827, %dma_start3A_834] : memref<4x512xf32, #tpu.memory_space<vmem>> -> memref<1x512xf32, #tpu.memory_space<vmem>>
      %dma_start3A_836 = tpu.memref_squeeze %dma_start3A_835 : memref<1x512xf32, #tpu.memory_space<vmem>> -> memref<512xf32, #tpu.memory_space<vmem>>
      %dma_start3A_837 = arith.constant 0 : i32
      %dma_start3A_838 = tpu.memref_slice %arg4[%min3A_809, %dma_start3A_837] : memref<21760x512xf32, #tpu.memory_space<hbm>> -> memref<1x512xf32, #tpu.memory_space<hbm>>
      %dma_start3A_839 = tpu.memref_squeeze %dma_start3A_838 : memref<1x512xf32, #tpu.memory_space<hbm>> -> memref<512xf32, #tpu.memory_space<hbm>>
      tpu.enqueue_dma source(%dma_start3A_839 : memref<512xf32, #tpu.memory_space<hbm>>) target(%dma_start3A_836 : memref<512xf32, #tpu.memory_space<vmem>>) target_semaphore(%arg14 : memref<!tpu.dma_semaphore, #tpu.memory_space<semaphore_mem>>)
      %gt3A_840 = arith.constant 0 : i32
      %gt3A_841 = arith.cmpi sgt, %add3A_346, %gt3A_840 : i32
      %convert_element_type3A_842 = arith.extui %gt3A_841 : i1 to i32
      %cond3A_843 = arith.constant 0 : i32
      %cond3A_844 = arith.cmpi ne, %convert_element_type3A_842, %cond3A_843 : i32
      scf.if %cond3A_844 {
        %sub3A_1654 = arith.constant 2 : i32
        %sub3A_1655 = arith.subi %add3A_665, %sub3A_1654 : i32
        %add3A_1656 = arith.addi %mul3A_2, %sub3A_1655 : i32
        %dma_wait3A_1657 = arith.constant 1 : i32
        %dma_wait3A_1658 = arith.constant 0 : i32
        %dma_wait3A_1659 = tpu.memref_slice %arg9[%dma_wait3A_1657, %dma_wait3A_1658] : memref<2x256xf32, #tpu.memory_space<vmem>> -> memref<1x256xf32, #tpu.memory_space<vmem>>
        %dma_wait3A_1660 = tpu.memref_squeeze %dma_wait3A_1659 : memref<1x256xf32, #tpu.memory_space<vmem>> -> memref<256xf32, #tpu.memory_space<vmem>>
        %dma_wait3A_1661 = arith.constant 0 : i32
        %dma_wait3A_1662 = tpu.memref_slice %arg5[%add3A_1656, %dma_wait3A_1661] : memref<21760x256xf32, #tpu.memory_space<hbm>> -> memref<1x256xf32, #tpu.memory_space<hbm>>
        %dma_wait3A_1663 = tpu.memref_squeeze %dma_wait3A_1662 : memref<1x256xf32, #tpu.memory_space<hbm>> -> memref<256xf32, #tpu.memory_space<hbm>>
        %dma_wait3A_1664 = arith.constant 0 : i32
        %dma_wait3A_1665 = tpu.memref_slice %arg5[%add3A_1656, %dma_wait3A_1664] : memref<21760x256xf32, #tpu.memory_space<hbm>> -> memref<1x256xf32, #tpu.memory_space<hbm>>
        %dma_wait3A_1666 = tpu.memref_squeeze %dma_wait3A_1665 : memref<1x256xf32, #tpu.memory_space<hbm>> -> memref<256xf32, #tpu.memory_space<hbm>>
        %dma_wait3A_1667 = arith.constant 0 : i32
        %dma_wait3A_1668 = tpu.memref_slice %arg9[%dma_wait3A_1657, %dma_wait3A_1667] : memref<2x256xf32, #tpu.memory_space<vmem>> -> memref<1x256xf32, #tpu.memory_space<vmem>>
        %dma_wait3A_1669 = tpu.memref_squeeze %dma_wait3A_1668 : memref<1x256xf32, #tpu.memory_space<vmem>> -> memref<256xf32, #tpu.memory_space<vmem>>
        tpu.wait_dma2 semaphore(%arg19 : memref<!tpu.dma_semaphore, #tpu.memory_space<semaphore_mem>>) src(%dma_wait3A_1669 : memref<256xf32, #tpu.memory_space<vmem>>) dst(%dma_wait3A_1666 : memref<256xf32, #tpu.memory_space<hbm>>)
      } else {
      }
      %add3A_845 = arith.addi %mul3A_2, %add3A_665 : i32
      %get3A_846 = arith.constant 1 : i32
      %get3A_847 = arith.constant 0 : i32
      %get3A_848 = arith.index_cast %get3A_846 : i32 to index
      %get3A_849 = arith.index_cast %get3A_847 : i32 to index
      %get3A_850 = arith.constant 0 : index
      %get3A_851 = tpu.vector_load %arg8[%get3A_848, %get3A_849, %get3A_850] {strides = array<i32>} : memref<4x512x32xbf16, #tpu.memory_space<vmem>>, vector<32xbf16>,
      %unpack3A_852 = tpu.unpack_subelements %get3A_851, 0 {pack_format = #tpu.pack_format<interleaved>} : vector<32xbf16> -> vector<16xf32>
      %unpack3A_853 = tpu.unpack_subelements %get3A_851, 1 {pack_format = #tpu.pack_format<interleaved>} : vector<32xbf16> -> vector<16xf32>
      %swap3A_854 = arith.constant 1 : i32
      %swap3A_855 = arith.index_cast %swap3A_854 : i32 to index
      %swap3A_856 = arith.constant 0 : index
      %swap3A_857 = tpu.vector_load %arg9[%swap3A_855, %swap3A_856] {strides = array<i32>} : memref<2x256xf32, #tpu.memory_space<vmem>>, vector<16xf32>,
      tpu.vector_store %arg9[%swap3A_855, %swap3A_856], %unpack3A_852 {strides = array<i32>} : memref<2x256xf32, #tpu.memory_space<vmem>>, vector<16xf32>,
      %swap3A_858 = arith.constant 1 : i32
      %swap3A_859 = arith.index_cast %swap3A_858 : i32 to index
      %swap3A_860 = arith.constant 16 : index
      %swap3A_861 = tpu.vector_load %arg9[%swap3A_859, %swap3A_860] {strides = array<i32>} : memref<2x256xf32, #tpu.memory_space<vmem>>, vector<16xf32>,
      tpu.vector_store %arg9[%swap3A_859, %swap3A_860], %unpack3A_853 {strides = array<i32>} : memref<2x256xf32, #tpu.memory_space<vmem>>, vector<16xf32>,
      %get3A_862 = arith.constant 1 : i32
      %get3A_863 = arith.constant 1 : i32
      %get3A_864 = arith.index_cast %get3A_862 : i32 to index
      %get3A_865 = arith.index_cast %get3A_863 : i32 to index
      %get3A_866 = arith.constant 0 : index
      %get3A_867 = tpu.vector_load %arg8[%get3A_864, %get3A_865, %get3A_866] {strides = array<i32>} : memref<4x512x32xbf16, #tpu.memory_space<vmem>>, vector<32xbf16>,
      %unpack3A_868 = tpu.unpack_subelements %get3A_867, 0 {pack_format = #tpu.pack_format<interleaved>} : vector<32xbf16> -> vector<16xf32>
      %unpack3A_869 = tpu.unpack_subelements %get3A_867, 1 {pack_format = #tpu.pack_format<interleaved>} : vector<32xbf16> -> vector<16xf32>
      %swap3A_870 = arith.constant 1 : i32
      %swap3A_871 = arith.index_cast %swap3A_870 : i32 to index
      %swap3A_872 = arith.constant 32 : index
      %swap3A_873 = tpu.vector_load %arg9[%swap3A_871, %swap3A_872] {strides = array<i32>} : memref<2x256xf32, #tpu.memory_space<vmem>>, vector<16xf32>,
      tpu.vector_store %arg9[%swap3A_871, %swap3A_872], %unpack3A_868 {strides = array<i32>} : memref<2x256xf32, #tpu.memory_space<vmem>>, vector<16xf32>,
      %swap3A_874 = arith.constant 1 : i32
      %swap3A_875 = arith.index_cast %swap3A_874 : i32 to index
      %swap3A_876 = arith.constant 48 : index
      %swap3A_877 = tpu.vector_load %arg9[%swap3A_875, %swap3A_876] {strides = array<i32>} : memref<2x256xf32, #tpu.memory_space<vmem>>, vector<16xf32>,
      tpu.vector_store %arg9[%swap3A_875, %swap3A_876], %unpack3A_869 {strides = array<i32>} : memref<2x256xf32, #tpu.memory_space<vmem>>, vector<16xf32>,
      %get3A_878 = arith.constant 1 : i32
      %get3A_879 = arith.constant 2 : i32
      %get3A_880 = arith.index_cast %get3A_878 : i32 to index
      %get3A_881 = arith.index_cast %get3A_879 : i32 to index
      %get3A_882 = arith.constant 0 : index
      %get3A_883 = tpu.vector_load %arg8[%get3A_880, %get3A_881, %get3A_882] {strides = array<i32>} : memref<4x512x32xbf16, #tpu.memory_space<vmem>>, vector<32xbf16>,
      %unpack3A_884 = tpu.unpack_subelements %get3A_883, 0 {pack_format = #tpu.pack_format<interleaved>} : vector<32xbf16> -> vector<16xf32>
      %unpack3A_885 = tpu.unpack_subelements %get3A_883, 1 {pack_format = #tpu.pack_format<interleaved>} : vector<32xbf16> -> vector<16xf32>
      %swap3A_886 = arith.constant 1 : i32
      %swap3A_887 = arith.index_cast %swap3A_886 : i32 to index
      %swap3A_888 = arith.constant 64 : index
      %swap3A_889 = tpu.vector_load %arg9[%swap3A_887, %swap3A_888] {strides = array<i32>} : memref<2x256xf32, #tpu.memory_space<vmem>>, vector<16xf32>,
      tpu.vector_store %arg9[%swap3A_887, %swap3A_888], %unpack3A_884 {strides = array<i32>} : memref<2x256xf32, #tpu.memory_space<vmem>>, vector<16xf32>,
      %swap3A_890 = arith.constant 1 : i32
      %swap3A_891 = arith.index_cast %swap3A_890 : i32 to index
      %swap3A_892 = arith.constant 80 : index
      %swap3A_893 = tpu.vector_load %arg9[%swap3A_891, %swap3A_892] {strides = array<i32>} : memref<2x256xf32, #tpu.memory_space<vmem>>, vector<16xf32>,
      tpu.vector_store %arg9[%swap3A_891, %swap3A_892], %unpack3A_885 {strides = array<i32>} : memref<2x256xf32, #tpu.memory_space<vmem>>, vector<16xf32>,
      %get3A_894 = arith.constant 1 : i32
      %get3A_895 = arith.constant 3 : i32
      %get3A_896 = arith.index_cast %get3A_894 : i32 to index
      %get3A_897 = arith.index_cast %get3A_895 : i32 to index
      %get3A_898 = arith.constant 0 : index
      %get3A_899 = tpu.vector_load %arg8[%get3A_896, %get3A_897, %get3A_898] {strides = array<i32>} : memref<4x512x32xbf16, #tpu.memory_space<vmem>>, vector<32xbf16>,
      %unpack3A_900 = tpu.unpack_subelements %get3A_899, 0 {pack_format = #tpu.pack_format<interleaved>} : vector<32xbf16> -> vector<16xf32>
      %unpack3A_901 = tpu.unpack_subelements %get3A_899, 1 {pack_format = #tpu.pack_format<interleaved>} : vector<32xbf16> -> vector<16xf32>
      %swap3A_902 = arith.constant 1 : i32
      %swap3A_903 = arith.index_cast %swap3A_902 : i32 to index
      %swap3A_904 = arith.constant 96 : index
      %swap3A_905 = tpu.vector_load %arg9[%swap3A_903, %swap3A_904] {strides = array<i32>} : memref<2x256xf32, #tpu.memory_space<vmem>>, vector<16xf32>,
      tpu.vector_store %arg9[%swap3A_903, %swap3A_904], %unpack3A_900 {strides = array<i32>} : memref<2x256xf32, #tpu.memory_space<vmem>>, vector<16xf32>,
      %swap3A_906 = arith.constant 1 : i32
      %swap3A_907 = arith.index_cast %swap3A_906 : i32 to index
      %swap3A_908 = arith.constant 112 : index
      %swap3A_909 = tpu.vector_load %arg9[%swap3A_907, %swap3A_908] {strides = array<i32>} : memref<2x256xf32, #tpu.memory_space<vmem>>, vector<16xf32>,
      tpu.vector_store %arg9[%swap3A_907, %swap3A_908], %unpack3A_901 {strides = array<i32>} : memref<2x256xf32, #tpu.memory_space<vmem>>, vector<16xf32>,
      %get3A_910 = arith.constant 1 : i32
      %get3A_911 = arith.constant 4 : i32
      %get3A_912 = arith.index_cast %get3A_910 : i32 to index
      %get3A_913 = arith.index_cast %get3A_911 : i32 to index
      %get3A_914 = arith.constant 0 : index
      %get3A_915 = tpu.vector_load %arg8[%get3A_912, %get3A_913, %get3A_914] {strides = array<i32>} : memref<4x512x32xbf16, #tpu.memory_space<vmem>>, vector<32xbf16>,
      %unpack3A_916 = tpu.unpack_subelements %get3A_915, 0 {pack_format = #tpu.pack_format<interleaved>} : vector<32xbf16> -> vector<16xf32>
      %unpack3A_917 = tpu.unpack_subelements %get3A_915, 1 {pack_format = #tpu.pack_format<interleaved>} : vector<32xbf16> -> vector<16xf32>
      %swap3A_918 = arith.constant 1 : i32
      %swap3A_919 = arith.index_cast %swap3A_918 : i32 to index
      %swap3A_920 = arith.constant 128 : index
      %swap3A_921 = tpu.vector_load %arg9[%swap3A_919, %swap3A_920] {strides = array<i32>} : memref<2x256xf32, #tpu.memory_space<vmem>>, vector<16xf32>,
      tpu.vector_store %arg9[%swap3A_919, %swap3A_920], %unpack3A_916 {strides = array<i32>} : memref<2x256xf32, #tpu.memory_space<vmem>>, vector<16xf32>,
      %swap3A_922 = arith.constant 1 : i32
      %swap3A_923 = arith.index_cast %swap3A_922 : i32 to index
      %swap3A_924 = arith.constant 144 : index
      %swap3A_925 = tpu.vector_load %arg9[%swap3A_923, %swap3A_924] {strides = array<i32>} : memref<2x256xf32, #tpu.memory_space<vmem>>, vector<16xf32>,
      tpu.vector_store %arg9[%swap3A_923, %swap3A_924], %unpack3A_917 {strides = array<i32>} : memref<2x256xf32, #tpu.memory_space<vmem>>, vector<16xf32>,
      %get3A_926 = arith.constant 1 : i32
      %get3A_927 = arith.constant 5 : i32
      %get3A_928 = arith.index_cast %get3A_926 : i32 to index
      %get3A_929 = arith.index_cast %get3A_927 : i32 to index
      %get3A_930 = arith.constant 0 : index
      %get3A_931 = tpu.vector_load %arg8[%get3A_928, %get3A_929, %get3A_930] {strides = array<i32>} : memref<4x512x32xbf16, #tpu.memory_space<vmem>>, vector<32xbf16>,
      %unpack3A_932 = tpu.unpack_subelements %get3A_931, 0 {pack_format = #tpu.pack_format<interleaved>} : vector<32xbf16> -> vector<16xf32>
      %unpack3A_933 = tpu.unpack_subelements %get3A_931, 1 {pack_format = #tpu.pack_format<interleaved>} : vector<32xbf16> -> vector<16xf32>
      %swap3A_934 = arith.constant 1 : i32
      %swap3A_935 = arith.index_cast %swap3A_934 : i32 to index
      %swap3A_936 = arith.constant 160 : index
      %swap3A_937 = tpu.vector_load %arg9[%swap3A_935, %swap3A_936] {strides = array<i32>} : memref<2x256xf32, #tpu.memory_space<vmem>>, vector<16xf32>,
      tpu.vector_store %arg9[%swap3A_935, %swap3A_936], %unpack3A_932 {strides = array<i32>} : memref<2x256xf32, #tpu.memory_space<vmem>>, vector<16xf32>,
      %swap3A_938 = arith.constant 1 : i32
      %swap3A_939 = arith.index_cast %swap3A_938 : i32 to index
      %swap3A_940 = arith.constant 176 : index
      %swap3A_941 = tpu.vector_load %arg9[%swap3A_939, %swap3A_940] {strides = array<i32>} : memref<2x256xf32, #tpu.memory_space<vmem>>, vector<16xf32>,
      tpu.vector_store %arg9[%swap3A_939, %swap3A_940], %unpack3A_933 {strides = array<i32>} : memref<2x256xf32, #tpu.memory_space<vmem>>, vector<16xf32>,
      %get3A_942 = arith.constant 1 : i32
      %get3A_943 = arith.constant 6 : i32
      %get3A_944 = arith.index_cast %get3A_942 : i32 to index
      %get3A_945 = arith.index_cast %get3A_943 : i32 to index
      %get3A_946 = arith.constant 0 : index
      %get3A_947 = tpu.vector_load %arg8[%get3A_944, %get3A_945, %get3A_946] {strides = array<i32>} : memref<4x512x32xbf16, #tpu.memory_space<vmem>>, vector<32xbf16>,
      %unpack3A_948 = tpu.unpack_subelements %get3A_947, 0 {pack_format = #tpu.pack_format<interleaved>} : vector<32xbf16> -> vector<16xf32>
      %unpack3A_949 = tpu.unpack_subelements %get3A_947, 1 {pack_format = #tpu.pack_format<interleaved>} : vector<32xbf16> -> vector<16xf32>
      %swap3A_950 = arith.constant 1 : i32
      %swap3A_951 = arith.index_cast %swap3A_950 : i32 to index
      %swap3A_952 = arith.constant 192 : index
      %swap3A_953 = tpu.vector_load %arg9[%swap3A_951, %swap3A_952] {strides = array<i32>} : memref<2x256xf32, #tpu.memory_space<vmem>>, vector<16xf32>,
      tpu.vector_store %arg9[%swap3A_951, %swap3A_952], %unpack3A_948 {strides = array<i32>} : memref<2x256xf32, #tpu.memory_space<vmem>>, vector<16xf32>,
      %swap3A_954 = arith.constant 1 : i32
      %swap3A_955 = arith.index_cast %swap3A_954 : i32 to index
      %swap3A_956 = arith.constant 208 : index
      %swap3A_957 = tpu.vector_load %arg9[%swap3A_955, %swap3A_956] {strides = array<i32>} : memref<2x256xf32, #tpu.memory_space<vmem>>, vector<16xf32>,
      tpu.vector_store %arg9[%swap3A_955, %swap3A_956], %unpack3A_949 {strides = array<i32>} : memref<2x256xf32, #tpu.memory_space<vmem>>, vector<16xf32>,
      %get3A_958 = arith.constant 1 : i32
      %get3A_959 = arith.constant 7 : i32
      %get3A_960 = arith.index_cast %get3A_958 : i32 to index
      %get3A_961 = arith.index_cast %get3A_959 : i32 to index
      %get3A_962 = arith.constant 0 : index
      %get3A_963 = tpu.vector_load %arg8[%get3A_960, %get3A_961, %get3A_962] {strides = array<i32>} : memref<4x512x32xbf16, #tpu.memory_space<vmem>>, vector<32xbf16>,
      %unpack3A_964 = tpu.unpack_subelements %get3A_963, 0 {pack_format = #tpu.pack_format<interleaved>} : vector<32xbf16> -> vector<16xf32>
      %unpack3A_965 = tpu.unpack_subelements %get3A_963, 1 {pack_format = #tpu.pack_format<interleaved>} : vector<32xbf16> -> vector<16xf32>
      %swap3A_966 = arith.constant 1 : i32
      %swap3A_967 = arith.index_cast %swap3A_966 : i32 to index
      %swap3A_968 = arith.constant 224 : index
      %swap3A_969 = tpu.vector_load %arg9[%swap3A_967, %swap3A_968] {strides = array<i32>} : memref<2x256xf32, #tpu.memory_space<vmem>>, vector<16xf32>,
      tpu.vector_store %arg9[%swap3A_967, %swap3A_968], %unpack3A_964 {strides = array<i32>} : memref<2x256xf32, #tpu.memory_space<vmem>>, vector<16xf32>,
      %swap3A_970 = arith.constant 1 : i32
      %swap3A_971 = arith.index_cast %swap3A_970 : i32 to index
      %swap3A_972 = arith.constant 240 : index
      %swap3A_973 = tpu.vector_load %arg9[%swap3A_971, %swap3A_972] {strides = array<i32>} : memref<2x256xf32, #tpu.memory_space<vmem>>, vector<16xf32>,
      tpu.vector_store %arg9[%swap3A_971, %swap3A_972], %unpack3A_965 {strides = array<i32>} : memref<2x256xf32, #tpu.memory_space<vmem>>, vector<16xf32>,
      %dma_start3A_974 = arith.constant 1 : i32
      %dma_start3A_975 = arith.constant 0 : i32
      %dma_start3A_976 = tpu.memref_slice %arg9[%dma_start3A_974, %dma_start3A_975] : memref<2x256xf32, #tpu.memory_space<vmem>> -> memref<1x256xf32, #tpu.memory_space<vmem>>
      %dma_start3A_977 = tpu.memref_squeeze %dma_start3A_976 : memref<1x256xf32, #tpu.memory_space<vmem>> -> memref<256xf32, #tpu.memory_space<vmem>>
      %dma_start3A_978 = arith.constant 0 : i32
      %dma_start3A_979 = tpu.memref_slice %arg5[%add3A_845, %dma_start3A_978] : memref<21760x256xf32, #tpu.memory_space<hbm>> -> memref<1x256xf32, #tpu.memory_space<hbm>>
      %dma_start3A_980 = tpu.memref_squeeze %dma_start3A_979 : memref<1x256xf32, #tpu.memory_space<hbm>> -> memref<256xf32, #tpu.memory_space<hbm>>
      %dma_start3A_981 = arith.constant 0 : i32
      %dma_start3A_982 = tpu.memref_slice %arg5[%add3A_845, %dma_start3A_981] : memref<21760x256xf32, #tpu.memory_space<hbm>> -> memref<1x256xf32, #tpu.memory_space<hbm>>
      %dma_start3A_983 = tpu.memref_squeeze %dma_start3A_982 : memref<1x256xf32, #tpu.memory_space<hbm>> -> memref<256xf32, #tpu.memory_space<hbm>>
      %dma_start3A_984 = arith.constant 0 : i32
      %dma_start3A_985 = tpu.memref_slice %arg9[%dma_start3A_974, %dma_start3A_984] : memref<2x256xf32, #tpu.memory_space<vmem>> -> memref<1x256xf32, #tpu.memory_space<vmem>>
      %dma_start3A_986 = tpu.memref_squeeze %dma_start3A_985 : memref<1x256xf32, #tpu.memory_space<vmem>> -> memref<256xf32, #tpu.memory_space<vmem>>
      tpu.enqueue_dma source(%dma_start3A_986 : memref<256xf32, #tpu.memory_space<vmem>>) target(%dma_start3A_983 : memref<256xf32, #tpu.memory_space<hbm>>) target_semaphore(%arg19 : memref<!tpu.dma_semaphore, #tpu.memory_space<semaphore_mem>>)
      %add3A_987 = arith.constant 2 : i32
      %add3A_988 = arith.addi %add3A_346, %add3A_987 : i32
      %add3A_989 = arith.constant 1 : i32
      %add3A_990 = arith.addi %add3A_988, %add3A_989 : i32
      %add3A_991 = arith.addi %mul3A_2, %add3A_990 : i32
      %min3A_992 = arith.constant 21759 : i32
      %min3A_993 = arith.minsi %add3A_991, %min3A_992 : i32
      %dma_wait3A_994 = arith.constant 3 : i32
      %dma_wait3A_995 = arith.constant 0 : i32
      %dma_wait3A_996 = arith.constant 0 : i32
      %dma_wait3A_997 = tpu.memref_slice %arg6[%dma_wait3A_994, %dma_wait3A_995, %dma_wait3A_996] : memref<4x4x128xi32, #tpu.memory_space<vmem>> -> memref<1x4x128xi32, #tpu.memory_space<vmem>>
      %dma_wait3A_998 = tpu.memref_squeeze %dma_wait3A_997 : memref<1x4x128xi32, #tpu.memory_space<vmem>> -> memref<4x128xi32, #tpu.memory_space<vmem>>
      %dma_wait3A_999 = arith.constant 0 : i32
      %dma_wait3A_1000 = arith.constant 0 : i32
      %dma_wait3A_1001 = tpu.memref_slice %arg3[%min3A_993, %dma_wait3A_999, %dma_wait3A_1000] : memref<21760x4x128xi32, #tpu.memory_space<hbm>> -> memref<1x4x128xi32, #tpu.memory_space<hbm>>
      %dma_wait3A_1002 = tpu.memref_squeeze %dma_wait3A_1001 : memref<1x4x128xi32, #tpu.memory_space<hbm>> -> memref<4x128xi32, #tpu.memory_space<hbm>>
      %dma_wait3A_1003 = arith.constant 0 : i32
      %dma_wait3A_1004 = arith.constant 0 : i32
      %dma_wait3A_1005 = tpu.memref_slice %arg6[%dma_wait3A_994, %dma_wait3A_1003, %dma_wait3A_1004] : memref<4x4x128xi32, #tpu.memory_space<vmem>> -> memref<1x4x128xi32, #tpu.memory_space<vmem>>
      %dma_wait3A_1006 = tpu.memref_squeeze %dma_wait3A_1005 : memref<1x4x128xi32, #tpu.memory_space<vmem>> -> memref<4x128xi32, #tpu.memory_space<vmem>>
      %dma_wait3A_1007 = arith.constant 0 : i32
      %dma_wait3A_1008 = arith.constant 0 : i32
      %dma_wait3A_1009 = tpu.memref_slice %arg3[%min3A_993, %dma_wait3A_1007, %dma_wait3A_1008] : memref<21760x4x128xi32, #tpu.memory_space<hbm>> -> memref<1x4x128xi32, #tpu.memory_space<hbm>>
      %dma_wait3A_1010 = tpu.memref_squeeze %dma_wait3A_1009 : memref<1x4x128xi32, #tpu.memory_space<hbm>> -> memref<4x128xi32, #tpu.memory_space<hbm>>
      tpu.wait_dma2 semaphore(%arg17 : memref<!tpu.dma_semaphore, #tpu.memory_space<semaphore_mem>>) src(%dma_wait3A_1010 : memref<4x128xi32, #tpu.memory_space<hbm>>) dst(%dma_wait3A_1006 : memref<4x128xi32, #tpu.memory_space<vmem>>)
      %dma_wait3A_1011 = arith.constant 3 : i32
      %dma_wait3A_1012 = arith.constant 0 : i32
      %dma_wait3A_1013 = tpu.memref_slice %arg7[%dma_wait3A_1011, %dma_wait3A_1012] : memref<4x512xf32, #tpu.memory_space<vmem>> -> memref<1x512xf32, #tpu.memory_space<vmem>>
      %dma_wait3A_1014 = tpu.memref_squeeze %dma_wait3A_1013 : memref<1x512xf32, #tpu.memory_space<vmem>> -> memref<512xf32, #tpu.memory_space<vmem>>
      %dma_wait3A_1015 = arith.constant 0 : i32
      %dma_wait3A_1016 = tpu.memref_slice %arg4[%min3A_993, %dma_wait3A_1015] : memref<21760x512xf32, #tpu.memory_space<hbm>> -> memref<1x512xf32, #tpu.memory_space<hbm>>
      %dma_wait3A_1017 = tpu.memref_squeeze %dma_wait3A_1016 : memref<1x512xf32, #tpu.memory_space<hbm>> -> memref<512xf32, #tpu.memory_space<hbm>>
      %dma_wait3A_1018 = arith.constant 0 : i32
      %dma_wait3A_1019 = tpu.memref_slice %arg7[%dma_wait3A_1011, %dma_wait3A_1018] : memref<4x512xf32, #tpu.memory_space<vmem>> -> memref<1x512xf32, #tpu.memory_space<vmem>>
      %dma_wait3A_1020 = tpu.memref_squeeze %dma_wait3A_1019 : memref<1x512xf32, #tpu.memory_space<vmem>> -> memref<512xf32, #tpu.memory_space<vmem>>
      %dma_wait3A_1021 = arith.constant 0 : i32
      %dma_wait3A_1022 = tpu.memref_slice %arg4[%min3A_993, %dma_wait3A_1021] : memref<21760x512xf32, #tpu.memory_space<hbm>> -> memref<1x512xf32, #tpu.memory_space<hbm>>
      %dma_wait3A_1023 = tpu.memref_squeeze %dma_wait3A_1022 : memref<1x512xf32, #tpu.memory_space<hbm>> -> memref<512xf32, #tpu.memory_space<hbm>>
      tpu.wait_dma2 semaphore(%arg17 : memref<!tpu.dma_semaphore, #tpu.memory_space<semaphore_mem>>) src(%dma_wait3A_1023 : memref<512xf32, #tpu.memory_space<hbm>>) dst(%dma_wait3A_1020 : memref<512xf32, #tpu.memory_space<vmem>>)
      %dma_start3A_1024 = arith.constant 3 : i32
      %dma_start3A_1025 = arith.constant 0 : i32
      %dma_start3A_1026 = arith.constant 3 : i32
      %dma_start3A_1027 = arith.constant 0 : i32
      %dma_start3A_1028 = arith.constant 0 : i32
      %dma_start3A_1029 = tpu.memref_slice %arg8[%dma_start3A_1026, %dma_start3A_1027, %dma_start3A_1028] : memref<4x512x32xbf16, #tpu.memory_space<vmem>> -> memref<1x128x32xbf16, #tpu.memory_space<vmem>>
      %dma_start3A_1030 = tpu.memref_squeeze %dma_start3A_1029 : memref<1x128x32xbf16, #tpu.memory_space<vmem>> -> memref<128x32xbf16, #tpu.memory_space<vmem>>
      %dma_start3A_1031 = arith.constant 0 : i32
      %dma_start3A_1032 = tpu.memref_slice %arg6[%dma_start3A_1024, %dma_start3A_1025, %dma_start3A_1031] : memref<4x4x128xi32, #tpu.memory_space<vmem>> -> memref<1x1x128xi32, #tpu.memory_space<vmem>>
      %dma_start3A_1033 = tpu.memref_squeeze %dma_start3A_1032 : memref<1x1x128xi32, #tpu.memory_space<vmem>> -> memref<128xi32, #tpu.memory_space<vmem>>
      %dma_start3A_1034 = arith.constant 0 : i32
      %dma_start3A_1035 = arith.constant 0 : i32
      %dma_start3A_1036 = tpu.memref_slice %arg2[%dma_start3A_1034, %dma_start3A_1035] : memref<174080x32xbf16, #tpu.memory_space<hbm>> -> memref<174080x32xbf16, #tpu.memory_space<hbm>>
      tpu.enqueue_indirect_dma source(%dma_start3A_1036 : memref<174080x32xbf16, #tpu.memory_space<hbm>>) target(%dma_start3A_1030 : memref<128x32xbf16, #tpu.memory_space<vmem>>) offsets(%dma_start3A_1033 : memref<128xi32, #tpu.memory_space<vmem>>) semaphore(%arg13 : memref<!tpu.dma_semaphore, #tpu.memory_space<semaphore_mem>>)
      %dma_start3A_1037 = arith.constant 3 : i32
      %dma_start3A_1038 = arith.constant 1 : i32
      %dma_start3A_1039 = arith.constant 3 : i32
      %dma_start3A_1040 = arith.constant 128 : i32
      %dma_start3A_1041 = arith.constant 0 : i32
      %dma_start3A_1042 = tpu.memref_slice %arg8[%dma_start3A_1039, %dma_start3A_1040, %dma_start3A_1041] : memref<4x512x32xbf16, #tpu.memory_space<vmem>> -> memref<1x128x32xbf16, #tpu.memory_space<vmem>>
      %dma_start3A_1043 = tpu.memref_squeeze %dma_start3A_1042 : memref<1x128x32xbf16, #tpu.memory_space<vmem>> -> memref<128x32xbf16, #tpu.memory_space<vmem>>
      %dma_start3A_1044 = arith.constant 0 : i32
      %dma_start3A_1045 = tpu.memref_slice %arg6[%dma_start3A_1037, %dma_start3A_1038, %dma_start3A_1044] : memref<4x4x128xi32, #tpu.memory_space<vmem>> -> memref<1x1x128xi32, #tpu.memory_space<vmem>>
      %dma_start3A_1046 = tpu.memref_squeeze %dma_start3A_1045 : memref<1x1x128xi32, #tpu.memory_space<vmem>> -> memref<128xi32, #tpu.memory_space<vmem>>
      %dma_start3A_1047 = arith.constant 0 : i32
      %dma_start3A_1048 = arith.constant 0 : i32
      %dma_start3A_1049 = tpu.memref_slice %arg2[%dma_start3A_1047, %dma_start3A_1048] : memref<174080x32xbf16, #tpu.memory_space<hbm>> -> memref<174080x32xbf16, #tpu.memory_space<hbm>>
      tpu.enqueue_indirect_dma source(%dma_start3A_1049 : memref<174080x32xbf16, #tpu.memory_space<hbm>>) target(%dma_start3A_1043 : memref<128x32xbf16, #tpu.memory_space<vmem>>) offsets(%dma_start3A_1046 : memref<128xi32, #tpu.memory_space<vmem>>) semaphore(%arg13 : memref<!tpu.dma_semaphore, #tpu.memory_space<semaphore_mem>>)
      %dma_start3A_1050 = arith.constant 3 : i32
      %dma_start3A_1051 = arith.constant 2 : i32
      %dma_start3A_1052 = arith.constant 3 : i32
      %dma_start3A_1053 = arith.constant 256 : i32
      %dma_start3A_1054 = arith.constant 0 : i32
      %dma_start3A_1055 = tpu.memref_slice %arg8[%dma_start3A_1052, %dma_start3A_1053, %dma_start3A_1054] : memref<4x512x32xbf16, #tpu.memory_space<vmem>> -> memref<1x128x32xbf16, #tpu.memory_space<vmem>>
      %dma_start3A_1056 = tpu.memref_squeeze %dma_start3A_1055 : memref<1x128x32xbf16, #tpu.memory_space<vmem>> -> memref<128x32xbf16, #tpu.memory_space<vmem>>
      %dma_start3A_1057 = arith.constant 0 : i32
      %dma_start3A_1058 = tpu.memref_slice %arg6[%dma_start3A_1050, %dma_start3A_1051, %dma_start3A_1057] : memref<4x4x128xi32, #tpu.memory_space<vmem>> -> memref<1x1x128xi32, #tpu.memory_space<vmem>>
      %dma_start3A_1059 = tpu.memref_squeeze %dma_start3A_1058 : memref<1x1x128xi32, #tpu.memory_space<vmem>> -> memref<128xi32, #tpu.memory_space<vmem>>
      %dma_start3A_1060 = arith.constant 0 : i32
      %dma_start3A_1061 = arith.constant 0 : i32
      %dma_start3A_1062 = tpu.memref_slice %arg2[%dma_start3A_1060, %dma_start3A_1061] : memref<174080x32xbf16, #tpu.memory_space<hbm>> -> memref<174080x32xbf16, #tpu.memory_space<hbm>>
      tpu.enqueue_indirect_dma source(%dma_start3A_1062 : memref<174080x32xbf16, #tpu.memory_space<hbm>>) target(%dma_start3A_1056 : memref<128x32xbf16, #tpu.memory_space<vmem>>) offsets(%dma_start3A_1059 : memref<128xi32, #tpu.memory_space<vmem>>) semaphore(%arg13 : memref<!tpu.dma_semaphore, #tpu.memory_space<semaphore_mem>>)
      %dma_start3A_1063 = arith.constant 3 : i32
      %dma_start3A_1064 = arith.constant 3 : i32
      %dma_start3A_1065 = arith.constant 3 : i32
      %dma_start3A_1066 = arith.constant 384 : i32
      %dma_start3A_1067 = arith.constant 0 : i32
      %dma_start3A_1068 = tpu.memref_slice %arg8[%dma_start3A_1065, %dma_start3A_1066, %dma_start3A_1067] : memref<4x512x32xbf16, #tpu.memory_space<vmem>> -> memref<1x128x32xbf16, #tpu.memory_space<vmem>>
      %dma_start3A_1069 = tpu.memref_squeeze %dma_start3A_1068 : memref<1x128x32xbf16, #tpu.memory_space<vmem>> -> memref<128x32xbf16, #tpu.memory_space<vmem>>
      %dma_start3A_1070 = arith.constant 0 : i32
      %dma_start3A_1071 = tpu.memref_slice %arg6[%dma_start3A_1063, %dma_start3A_1064, %dma_start3A_1070] : memref<4x4x128xi32, #tpu.memory_space<vmem>> -> memref<1x1x128xi32, #tpu.memory_space<vmem>>
      %dma_start3A_1072 = tpu.memref_squeeze %dma_start3A_1071 : memref<1x1x128xi32, #tpu.memory_space<vmem>> -> memref<128xi32, #tpu.memory_space<vmem>>
      %dma_start3A_1073 = arith.constant 0 : i32
      %dma_start3A_1074 = arith.constant 0 : i32
      %dma_start3A_1075 = tpu.memref_slice %arg2[%dma_start3A_1073, %dma_start3A_1074] : memref<174080x32xbf16, #tpu.memory_space<hbm>> -> memref<174080x32xbf16, #tpu.memory_space<hbm>>
      tpu.enqueue_indirect_dma source(%dma_start3A_1075 : memref<174080x32xbf16, #tpu.memory_space<hbm>>) target(%dma_start3A_1069 : memref<128x32xbf16, #tpu.memory_space<vmem>>) offsets(%dma_start3A_1072 : memref<128xi32, #tpu.memory_space<vmem>>) semaphore(%arg13 : memref<!tpu.dma_semaphore, #tpu.memory_space<semaphore_mem>>)
      %dma_wait3A_1076 = arith.constant 2 : i32
      %dma_wait3A_1077 = arith.constant 0 : i32
      %dma_wait3A_1078 = arith.constant 2 : i32
      %dma_wait3A_1079 = arith.constant 0 : i32
      %dma_wait3A_1080 = arith.constant 0 : i32
      %dma_wait3A_1081 = tpu.memref_slice %arg8[%dma_wait3A_1078, %dma_wait3A_1079, %dma_wait3A_1080] : memref<4x512x32xbf16, #tpu.memory_space<vmem>> -> memref<1x128x32xbf16, #tpu.memory_space<vmem>>
      %dma_wait3A_1082 = tpu.memref_squeeze %dma_wait3A_1081 : memref<1x128x32xbf16, #tpu.memory_space<vmem>> -> memref<128x32xbf16, #tpu.memory_space<vmem>>
      %dma_wait3A_1083 = arith.constant 0 : i32
      %dma_wait3A_1084 = tpu.memref_slice %arg6[%dma_wait3A_1076, %dma_wait3A_1077, %dma_wait3A_1083] : memref<4x4x128xi32, #tpu.memory_space<vmem>> -> memref<1x1x128xi32, #tpu.memory_space<vmem>>
      %dma_wait3A_1085 = tpu.memref_squeeze %dma_wait3A_1084 : memref<1x1x128xi32, #tpu.memory_space<vmem>> -> memref<128xi32, #tpu.memory_space<vmem>>
      %dma_wait3A_1086 = arith.constant 0 : i32
      %dma_wait3A_1087 = arith.constant 0 : i32
      %dma_wait3A_1088 = tpu.memref_slice %arg2[%dma_wait3A_1086, %dma_wait3A_1087] : memref<174080x32xbf16, #tpu.memory_space<hbm>> -> memref<174080x32xbf16, #tpu.memory_space<hbm>>
      tpu.wait_indirect_dma semaphore(%arg12 : memref<!tpu.dma_semaphore, #tpu.memory_space<semaphore_mem>>) src(%dma_wait3A_1088 : memref<174080x32xbf16, #tpu.memory_space<hbm>>) dst(%dma_wait3A_1082 : memref<128x32xbf16, #tpu.memory_space<vmem>>)
      %dma_wait3A_1089 = arith.constant 2 : i32
      %dma_wait3A_1090 = arith.constant 1 : i32
      %dma_wait3A_1091 = arith.constant 2 : i32
      %dma_wait3A_1092 = arith.constant 128 : i32
      %dma_wait3A_1093 = arith.constant 0 : i32
      %dma_wait3A_1094 = tpu.memref_slice %arg8[%dma_wait3A_1091, %dma_wait3A_1092, %dma_wait3A_1093] : memref<4x512x32xbf16, #tpu.memory_space<vmem>> -> memref<1x128x32xbf16, #tpu.memory_space<vmem>>
      %dma_wait3A_1095 = tpu.memref_squeeze %dma_wait3A_1094 : memref<1x128x32xbf16, #tpu.memory_space<vmem>> -> memref<128x32xbf16, #tpu.memory_space<vmem>>
      %dma_wait3A_1096 = arith.constant 0 : i32
      %dma_wait3A_1097 = tpu.memref_slice %arg6[%dma_wait3A_1089, %dma_wait3A_1090, %dma_wait3A_1096] : memref<4x4x128xi32, #tpu.memory_space<vmem>> -> memref<1x1x128xi32, #tpu.memory_space<vmem>>
      %dma_wait3A_1098 = tpu.memref_squeeze %dma_wait3A_1097 : memref<1x1x128xi32, #tpu.memory_space<vmem>> -> memref<128xi32, #tpu.memory_space<vmem>>
      %dma_wait3A_1099 = arith.constant 0 : i32
      %dma_wait3A_1100 = arith.constant 0 : i32
      %dma_wait3A_1101 = tpu.memref_slice %arg2[%dma_wait3A_1099, %dma_wait3A_1100] : memref<174080x32xbf16, #tpu.memory_space<hbm>> -> memref<174080x32xbf16, #tpu.memory_space<hbm>>
      tpu.wait_indirect_dma semaphore(%arg12 : memref<!tpu.dma_semaphore, #tpu.memory_space<semaphore_mem>>) src(%dma_wait3A_1101 : memref<174080x32xbf16, #tpu.memory_space<hbm>>) dst(%dma_wait3A_1095 : memref<128x32xbf16, #tpu.memory_space<vmem>>)
      %dma_wait3A_1102 = arith.constant 2 : i32
      %dma_wait3A_1103 = arith.constant 2 : i32
      %dma_wait3A_1104 = arith.constant 2 : i32
      %dma_wait3A_1105 = arith.constant 256 : i32
      %dma_wait3A_1106 = arith.constant 0 : i32
      %dma_wait3A_1107 = tpu.memref_slice %arg8[%dma_wait3A_1104, %dma_wait3A_1105, %dma_wait3A_1106] : memref<4x512x32xbf16, #tpu.memory_space<vmem>> -> memref<1x128x32xbf16, #tpu.memory_space<vmem>>
      %dma_wait3A_1108 = tpu.memref_squeeze %dma_wait3A_1107 : memref<1x128x32xbf16, #tpu.memory_space<vmem>> -> memref<128x32xbf16, #tpu.memory_space<vmem>>
      %dma_wait3A_1109 = arith.constant 0 : i32
      %dma_wait3A_1110 = tpu.memref_slice %arg6[%dma_wait3A_1102, %dma_wait3A_1103, %dma_wait3A_1109] : memref<4x4x128xi32, #tpu.memory_space<vmem>> -> memref<1x1x128xi32, #tpu.memory_space<vmem>>
      %dma_wait3A_1111 = tpu.memref_squeeze %dma_wait3A_1110 : memref<1x1x128xi32, #tpu.memory_space<vmem>> -> memref<128xi32, #tpu.memory_space<vmem>>
      %dma_wait3A_1112 = arith.constant 0 : i32
      %dma_wait3A_1113 = arith.constant 0 : i32
      %dma_wait3A_1114 = tpu.memref_slice %arg2[%dma_wait3A_1112, %dma_wait3A_1113] : memref<174080x32xbf16, #tpu.memory_space<hbm>> -> memref<174080x32xbf16, #tpu.memory_space<hbm>>
      tpu.wait_indirect_dma semaphore(%arg12 : memref<!tpu.dma_semaphore, #tpu.memory_space<semaphore_mem>>) src(%dma_wait3A_1114 : memref<174080x32xbf16, #tpu.memory_space<hbm>>) dst(%dma_wait3A_1108 : memref<128x32xbf16, #tpu.memory_space<vmem>>)
      %dma_wait3A_1115 = arith.constant 2 : i32
      %dma_wait3A_1116 = arith.constant 3 : i32
      %dma_wait3A_1117 = arith.constant 2 : i32
      %dma_wait3A_1118 = arith.constant 384 : i32
      %dma_wait3A_1119 = arith.constant 0 : i32
      %dma_wait3A_1120 = tpu.memref_slice %arg8[%dma_wait3A_1117, %dma_wait3A_1118, %dma_wait3A_1119] : memref<4x512x32xbf16, #tpu.memory_space<vmem>> -> memref<1x128x32xbf16, #tpu.memory_space<vmem>>
      %dma_wait3A_1121 = tpu.memref_squeeze %dma_wait3A_1120 : memref<1x128x32xbf16, #tpu.memory_space<vmem>> -> memref<128x32xbf16, #tpu.memory_space<vmem>>
      %dma_wait3A_1122 = arith.constant 0 : i32
      %dma_wait3A_1123 = tpu.memref_slice %arg6[%dma_wait3A_1115, %dma_wait3A_1116, %dma_wait3A_1122] : memref<4x4x128xi32, #tpu.memory_space<vmem>> -> memref<1x1x128xi32, #tpu.memory_space<vmem>>
      %dma_wait3A_1124 = tpu.memref_squeeze %dma_wait3A_1123 : memref<1x1x128xi32, #tpu.memory_space<vmem>> -> memref<128xi32, #tpu.memory_space<vmem>>
      %dma_wait3A_1125 = arith.constant 0 : i32
      %dma_wait3A_1126 = arith.constant 0 : i32
      %dma_wait3A_1127 = tpu.memref_slice %arg2[%dma_wait3A_1125, %dma_wait3A_1126] : memref<174080x32xbf16, #tpu.memory_space<hbm>> -> memref<174080x32xbf16, #tpu.memory_space<hbm>>
      tpu.wait_indirect_dma semaphore(%arg12 : memref<!tpu.dma_semaphore, #tpu.memory_space<semaphore_mem>>) src(%dma_wait3A_1127 : memref<174080x32xbf16, #tpu.memory_space<hbm>>) dst(%dma_wait3A_1121 : memref<128x32xbf16, #tpu.memory_space<vmem>>)
      %add3A_1128 = arith.constant 3 : i32
      %add3A_1129 = arith.addi %add3A_988, %add3A_1128 : i32
      %add3A_1130 = arith.addi %mul3A_2, %add3A_1129 : i32
      %min3A_1131 = arith.constant 21759 : i32
      %min3A_1132 = arith.minsi %add3A_1130, %min3A_1131 : i32
      %dma_start3A_1133 = arith.constant 1 : i32
      %dma_start3A_1134 = arith.constant 0 : i32
      %dma_start3A_1135 = arith.constant 0 : i32
      %dma_start3A_1136 = tpu.memref_slice %arg6[%dma_start3A_1133, %dma_start3A_1134, %dma_start3A_1135] : memref<4x4x128xi32, #tpu.memory_space<vmem>> -> memref<1x4x128xi32, #tpu.memory_space<vmem>>
      %dma_start3A_1137 = tpu.memref_squeeze %dma_start3A_1136 : memref<1x4x128xi32, #tpu.memory_space<vmem>> -> memref<4x128xi32, #tpu.memory_space<vmem>>
      %dma_start3A_1138 = arith.constant 0 : i32
      %dma_start3A_1139 = arith.constant 0 : i32
      %dma_start3A_1140 = tpu.memref_slice %arg3[%min3A_1132, %dma_start3A_1138, %dma_start3A_1139] : memref<21760x4x128xi32, #tpu.memory_space<hbm>> -> memref<1x4x128xi32, #tpu.memory_space<hbm>>
      %dma_start3A_1141 = tpu.memref_squeeze %dma_start3A_1140 : memref<1x4x128xi32, #tpu.memory_space<hbm>> -> memref<4x128xi32, #tpu.memory_space<hbm>>
      %dma_start3A_1142 = arith.constant 0 : i32
      %dma_start3A_1143 = arith.constant 0 : i32
      %dma_start3A_1144 = tpu.memref_slice %arg6[%dma_start3A_1133, %dma_start3A_1142, %dma_start3A_1143] : memref<4x4x128xi32, #tpu.memory_space<vmem>> -> memref<1x4x128xi32, #tpu.memory_space<vmem>>
      %dma_start3A_1145 = tpu.memref_squeeze %dma_start3A_1144 : memref<1x4x128xi32, #tpu.memory_space<vmem>> -> memref<4x128xi32, #tpu.memory_space<vmem>>
      %dma_start3A_1146 = arith.constant 0 : i32
      %dma_start3A_1147 = arith.constant 0 : i32
      %dma_start3A_1148 = tpu.memref_slice %arg3[%min3A_1132, %dma_start3A_1146, %dma_start3A_1147] : memref<21760x4x128xi32, #tpu.memory_space<hbm>> -> memref<1x4x128xi32, #tpu.memory_space<hbm>>
      %dma_start3A_1149 = tpu.memref_squeeze %dma_start3A_1148 : memref<1x4x128xi32, #tpu.memory_space<hbm>> -> memref<4x128xi32, #tpu.memory_space<hbm>>
      tpu.enqueue_dma source(%dma_start3A_1149 : memref<4x128xi32, #tpu.memory_space<hbm>>) target(%dma_start3A_1145 : memref<4x128xi32, #tpu.memory_space<vmem>>) target_semaphore(%arg15 : memref<!tpu.dma_semaphore, #tpu.memory_space<semaphore_mem>>)
      %dma_start3A_1150 = arith.constant 1 : i32
      %dma_start3A_1151 = arith.constant 0 : i32
      %dma_start3A_1152 = tpu.memref_slice %arg7[%dma_start3A_1150, %dma_start3A_1151] : memref<4x512xf32, #tpu.memory_space<vmem>> -> memref<1x512xf32, #tpu.memory_space<vmem>>
      %dma_start3A_1153 = tpu.memref_squeeze %dma_start3A_1152 : memref<1x512xf32, #tpu.memory_space<vmem>> -> memref<512xf32, #tpu.memory_space<vmem>>
      %dma_start3A_1154 = arith.constant 0 : i32
      %dma_start3A_1155 = tpu.memref_slice %arg4[%min3A_1132, %dma_start3A_1154] : memref<21760x512xf32, #tpu.memory_space<hbm>> -> memref<1x512xf32, #tpu.memory_space<hbm>>
      %dma_start3A_1156 = tpu.memref_squeeze %dma_start3A_1155 : memref<1x512xf32, #tpu.memory_space<hbm>> -> memref<512xf32, #tpu.memory_space<hbm>>
      %dma_start3A_1157 = arith.constant 0 : i32
      %dma_start3A_1158 = tpu.memref_slice %arg7[%dma_start3A_1150, %dma_start3A_1157] : memref<4x512xf32, #tpu.memory_space<vmem>> -> memref<1x512xf32, #tpu.memory_space<vmem>>
      %dma_start3A_1159 = tpu.memref_squeeze %dma_start3A_1158 : memref<1x512xf32, #tpu.memory_space<vmem>> -> memref<512xf32, #tpu.memory_space<vmem>>
      %dma_start3A_1160 = arith.constant 0 : i32
      %dma_start3A_1161 = tpu.memref_slice %arg4[%min3A_1132, %dma_start3A_1160] : memref<21760x512xf32, #tpu.memory_space<hbm>> -> memref<1x512xf32, #tpu.memory_space<hbm>>
      %dma_start3A_1162 = tpu.memref_squeeze %dma_start3A_1161 : memref<1x512xf32, #tpu.memory_space<hbm>> -> memref<512xf32, #tpu.memory_space<hbm>>
      tpu.enqueue_dma source(%dma_start3A_1162 : memref<512xf32, #tpu.memory_space<hbm>>) target(%dma_start3A_1159 : memref<512xf32, #tpu.memory_space<vmem>>) target_semaphore(%arg15 : memref<!tpu.dma_semaphore, #tpu.memory_space<semaphore_mem>>)
      %sub3A = arith.constant 2 : i32
      %sub3A_1163 = arith.subi %add3A_988, %sub3A : i32
      %add3A_1164 = arith.addi %mul3A_2, %sub3A_1163 : i32
      %dma_wait3A_1165 = arith.constant 0 : i32
      %dma_wait3A_1166 = arith.constant 0 : i32
      %dma_wait3A_1167 = tpu.memref_slice %arg9[%dma_wait3A_1165, %dma_wait3A_1166] : memref<2x256xf32, #tpu.memory_space<vmem>> -> memref<1x256xf32, #tpu.memory_space<vmem>>
      %dma_wait3A_1168 = tpu.memref_squeeze %dma_wait3A_1167 : memref<1x256xf32, #tpu.memory_space<vmem>> -> memref<256xf32, #tpu.memory_space<vmem>>
      %dma_wait3A_1169 = arith.constant 0 : i32
      %dma_wait3A_1170 = tpu.memref_slice %arg5[%add3A_1164, %dma_wait3A_1169] : memref<21760x256xf32, #tpu.memory_space<hbm>> -> memref<1x256xf32, #tpu.memory_space<hbm>>
      %dma_wait3A_1171 = tpu.memref_squeeze %dma_wait3A_1170 : memref<1x256xf32, #tpu.memory_space<hbm>> -> memref<256xf32, #tpu.memory_space<hbm>>
      %dma_wait3A_1172 = arith.constant 0 : i32
      %dma_wait3A_1173 = tpu.memref_slice %arg5[%add3A_1164, %dma_wait3A_1172] : memref<21760x256xf32, #tpu.memory_space<hbm>> -> memref<1x256xf32, #tpu.memory_space<hbm>>
      %dma_wait3A_1174 = tpu.memref_squeeze %dma_wait3A_1173 : memref<1x256xf32, #tpu.memory_space<hbm>> -> memref<256xf32, #tpu.memory_space<hbm>>
      %dma_wait3A_1175 = arith.constant 0 : i32
      %dma_wait3A_1176 = tpu.memref_slice %arg9[%dma_wait3A_1165, %dma_wait3A_1175] : memref<2x256xf32, #tpu.memory_space<vmem>> -> memref<1x256xf32, #tpu.memory_space<vmem>>
      %dma_wait3A_1177 = tpu.memref_squeeze %dma_wait3A_1176 : memref<1x256xf32, #tpu.memory_space<vmem>> -> memref<256xf32, #tpu.memory_space<vmem>>
      tpu.wait_dma2 semaphore(%arg18 : memref<!tpu.dma_semaphore, #tpu.memory_space<semaphore_mem>>) src(%dma_wait3A_1177 : memref<256xf32, #tpu.memory_space<vmem>>) dst(%dma_wait3A_1174 : memref<256xf32, #tpu.memory_space<hbm>>)
      %add3A_1178 = arith.addi %mul3A_2, %add3A_988 : i32
      %get3A_1179 = arith.constant 2 : i32
      %get3A_1180 = arith.constant 0 : i32
      %get3A_1181 = arith.index_cast %get3A_1179 : i32 to index
      %get3A_1182 = arith.index_cast %get3A_1180 : i32 to index
      %get3A_1183 = arith.constant 0 : index
      %get3A_1184 = tpu.vector_load %arg8[%get3A_1181, %get3A_1182, %get3A_1183] {strides = array<i32>} : memref<4x512x32xbf16, #tpu.memory_space<vmem>>, vector<32xbf16>,
      %unpack3A_1185 = tpu.unpack_subelements %get3A_1184, 0 {pack_format = #tpu.pack_format<interleaved>} : vector<32xbf16> -> vector<16xf32>
      %unpack3A_1186 = tpu.unpack_subelements %get3A_1184, 1 {pack_format = #tpu.pack_format<interleaved>} : vector<32xbf16> -> vector<16xf32>
      %swap3A_1187 = arith.constant 0 : i32
      %swap3A_1188 = arith.index_cast %swap3A_1187 : i32 to index
      %swap3A_1189 = arith.constant 0 : index
      %swap3A_1190 = tpu.vector_load %arg9[%swap3A_1188, %swap3A_1189] {strides = array<i32>} : memref<2x256xf32, #tpu.memory_space<vmem>>, vector<16xf32>,
      tpu.vector_store %arg9[%swap3A_1188, %swap3A_1189], %unpack3A_1185 {strides = array<i32>} : memref<2x256xf32, #tpu.memory_space<vmem>>, vector<16xf32>,
      %swap3A_1191 = arith.constant 0 : i32
      %swap3A_1192 = arith.index_cast %swap3A_1191 : i32 to index
      %swap3A_1193 = arith.constant 16 : index
      %swap3A_1194 = tpu.vector_load %arg9[%swap3A_1192, %swap3A_1193] {strides = array<i32>} : memref<2x256xf32, #tpu.memory_space<vmem>>, vector<16xf32>,
      tpu.vector_store %arg9[%swap3A_1192, %swap3A_1193], %unpack3A_1186 {strides = array<i32>} : memref<2x256xf32, #tpu.memory_space<vmem>>, vector<16xf32>,
      %get3A_1195 = arith.constant 2 : i32
      %get3A_1196 = arith.constant 1 : i32
      %get3A_1197 = arith.index_cast %get3A_1195 : i32 to index
      %get3A_1198 = arith.index_cast %get3A_1196 : i32 to index
      %get3A_1199 = arith.constant 0 : index
      %get3A_1200 = tpu.vector_load %arg8[%get3A_1197, %get3A_1198, %get3A_1199] {strides = array<i32>} : memref<4x512x32xbf16, #tpu.memory_space<vmem>>, vector<32xbf16>,
      %unpack3A_1201 = tpu.unpack_subelements %get3A_1200, 0 {pack_format = #tpu.pack_format<interleaved>} : vector<32xbf16> -> vector<16xf32>
      %unpack3A_1202 = tpu.unpack_subelements %get3A_1200, 1 {pack_format = #tpu.pack_format<interleaved>} : vector<32xbf16> -> vector<16xf32>
      %swap3A_1203 = arith.constant 0 : i32
      %swap3A_1204 = arith.index_cast %swap3A_1203 : i32 to index
      %swap3A_1205 = arith.constant 32 : index
      %swap3A_1206 = tpu.vector_load %arg9[%swap3A_1204, %swap3A_1205] {strides = array<i32>} : memref<2x256xf32, #tpu.memory_space<vmem>>, vector<16xf32>,
      tpu.vector_store %arg9[%swap3A_1204, %swap3A_1205], %unpack3A_1201 {strides = array<i32>} : memref<2x256xf32, #tpu.memory_space<vmem>>, vector<16xf32>,
      %swap3A_1207 = arith.constant 0 : i32
      %swap3A_1208 = arith.index_cast %swap3A_1207 : i32 to index
      %swap3A_1209 = arith.constant 48 : index
      %swap3A_1210 = tpu.vector_load %arg9[%swap3A_1208, %swap3A_1209] {strides = array<i32>} : memref<2x256xf32, #tpu.memory_space<vmem>>, vector<16xf32>,
      tpu.vector_store %arg9[%swap3A_1208, %swap3A_1209], %unpack3A_1202 {strides = array<i32>} : memref<2x256xf32, #tpu.memory_space<vmem>>, vector<16xf32>,
      %get3A_1211 = arith.constant 2 : i32
      %get3A_1212 = arith.constant 2 : i32
      %get3A_1213 = arith.index_cast %get3A_1211 : i32 to index
      %get3A_1214 = arith.index_cast %get3A_1212 : i32 to index
      %get3A_1215 = arith.constant 0 : index
      %get3A_1216 = tpu.vector_load %arg8[%get3A_1213, %get3A_1214, %get3A_1215] {strides = array<i32>} : memref<4x512x32xbf16, #tpu.memory_space<vmem>>, vector<32xbf16>,
      %unpack3A_1217 = tpu.unpack_subelements %get3A_1216, 0 {pack_format = #tpu.pack_format<interleaved>} : vector<32xbf16> -> vector<16xf32>
      %unpack3A_1218 = tpu.unpack_subelements %get3A_1216, 1 {pack_format = #tpu.pack_format<interleaved>} : vector<32xbf16> -> vector<16xf32>
      %swap3A_1219 = arith.constant 0 : i32
      %swap3A_1220 = arith.index_cast %swap3A_1219 : i32 to index
      %swap3A_1221 = arith.constant 64 : index
      %swap3A_1222 = tpu.vector_load %arg9[%swap3A_1220, %swap3A_1221] {strides = array<i32>} : memref<2x256xf32, #tpu.memory_space<vmem>>, vector<16xf32>,
      tpu.vector_store %arg9[%swap3A_1220, %swap3A_1221], %unpack3A_1217 {strides = array<i32>} : memref<2x256xf32, #tpu.memory_space<vmem>>, vector<16xf32>,
      %swap3A_1223 = arith.constant 0 : i32
      %swap3A_1224 = arith.index_cast %swap3A_1223 : i32 to index
      %swap3A_1225 = arith.constant 80 : index
      %swap3A_1226 = tpu.vector_load %arg9[%swap3A_1224, %swap3A_1225] {strides = array<i32>} : memref<2x256xf32, #tpu.memory_space<vmem>>, vector<16xf32>,
      tpu.vector_store %arg9[%swap3A_1224, %swap3A_1225], %unpack3A_1218 {strides = array<i32>} : memref<2x256xf32, #tpu.memory_space<vmem>>, vector<16xf32>,
      %get3A_1227 = arith.constant 2 : i32
      %get3A_1228 = arith.constant 3 : i32
      %get3A_1229 = arith.index_cast %get3A_1227 : i32 to index
      %get3A_1230 = arith.index_cast %get3A_1228 : i32 to index
      %get3A_1231 = arith.constant 0 : index
      %get3A_1232 = tpu.vector_load %arg8[%get3A_1229, %get3A_1230, %get3A_1231] {strides = array<i32>} : memref<4x512x32xbf16, #tpu.memory_space<vmem>>, vector<32xbf16>,
      %unpack3A_1233 = tpu.unpack_subelements %get3A_1232, 0 {pack_format = #tpu.pack_format<interleaved>} : vector<32xbf16> -> vector<16xf32>
      %unpack3A_1234 = tpu.unpack_subelements %get3A_1232, 1 {pack_format = #tpu.pack_format<interleaved>} : vector<32xbf16> -> vector<16xf32>
      %swap3A_1235 = arith.constant 0 : i32
      %swap3A_1236 = arith.index_cast %swap3A_1235 : i32 to index
      %swap3A_1237 = arith.constant 96 : index
      %swap3A_1238 = tpu.vector_load %arg9[%swap3A_1236, %swap3A_1237] {strides = array<i32>} : memref<2x256xf32, #tpu.memory_space<vmem>>, vector<16xf32>,
      tpu.vector_store %arg9[%swap3A_1236, %swap3A_1237], %unpack3A_1233 {strides = array<i32>} : memref<2x256xf32, #tpu.memory_space<vmem>>, vector<16xf32>,
      %swap3A_1239 = arith.constant 0 : i32
      %swap3A_1240 = arith.index_cast %swap3A_1239 : i32 to index
      %swap3A_1241 = arith.constant 112 : index
      %swap3A_1242 = tpu.vector_load %arg9[%swap3A_1240, %swap3A_1241] {strides = array<i32>} : memref<2x256xf32, #tpu.memory_space<vmem>>, vector<16xf32>,
      tpu.vector_store %arg9[%swap3A_1240, %swap3A_1241], %unpack3A_1234 {strides = array<i32>} : memref<2x256xf32, #tpu.memory_space<vmem>>, vector<16xf32>,
      %get3A_1243 = arith.constant 2 : i32
      %get3A_1244 = arith.constant 4 : i32
      %get3A_1245 = arith.index_cast %get3A_1243 : i32 to index
      %get3A_1246 = arith.index_cast %get3A_1244 : i32 to index
      %get3A_1247 = arith.constant 0 : index
      %get3A_1248 = tpu.vector_load %arg8[%get3A_1245, %get3A_1246, %get3A_1247] {strides = array<i32>} : memref<4x512x32xbf16, #tpu.memory_space<vmem>>, vector<32xbf16>,
      %unpack3A_1249 = tpu.unpack_subelements %get3A_1248, 0 {pack_format = #tpu.pack_format<interleaved>} : vector<32xbf16> -> vector<16xf32>
      %unpack3A_1250 = tpu.unpack_subelements %get3A_1248, 1 {pack_format = #tpu.pack_format<interleaved>} : vector<32xbf16> -> vector<16xf32>
      %swap3A_1251 = arith.constant 0 : i32
      %swap3A_1252 = arith.index_cast %swap3A_1251 : i32 to index
      %swap3A_1253 = arith.constant 128 : index
      %swap3A_1254 = tpu.vector_load %arg9[%swap3A_1252, %swap3A_1253] {strides = array<i32>} : memref<2x256xf32, #tpu.memory_space<vmem>>, vector<16xf32>,
      tpu.vector_store %arg9[%swap3A_1252, %swap3A_1253], %unpack3A_1249 {strides = array<i32>} : memref<2x256xf32, #tpu.memory_space<vmem>>, vector<16xf32>,
      %swap3A_1255 = arith.constant 0 : i32
      %swap3A_1256 = arith.index_cast %swap3A_1255 : i32 to index
      %swap3A_1257 = arith.constant 144 : index
      %swap3A_1258 = tpu.vector_load %arg9[%swap3A_1256, %swap3A_1257] {strides = array<i32>} : memref<2x256xf32, #tpu.memory_space<vmem>>, vector<16xf32>,
      tpu.vector_store %arg9[%swap3A_1256, %swap3A_1257], %unpack3A_1250 {strides = array<i32>} : memref<2x256xf32, #tpu.memory_space<vmem>>, vector<16xf32>,
      %get3A_1259 = arith.constant 2 : i32
      %get3A_1260 = arith.constant 5 : i32
      %get3A_1261 = arith.index_cast %get3A_1259 : i32 to index
      %get3A_1262 = arith.index_cast %get3A_1260 : i32 to index
      %get3A_1263 = arith.constant 0 : index
      %get3A_1264 = tpu.vector_load %arg8[%get3A_1261, %get3A_1262, %get3A_1263] {strides = array<i32>} : memref<4x512x32xbf16, #tpu.memory_space<vmem>>, vector<32xbf16>,
      %unpack3A_1265 = tpu.unpack_subelements %get3A_1264, 0 {pack_format = #tpu.pack_format<interleaved>} : vector<32xbf16> -> vector<16xf32>
      %unpack3A_1266 = tpu.unpack_subelements %get3A_1264, 1 {pack_format = #tpu.pack_format<interleaved>} : vector<32xbf16> -> vector<16xf32>
      %swap3A_1267 = arith.constant 0 : i32
      %swap3A_1268 = arith.index_cast %swap3A_1267 : i32 to index
      %swap3A_1269 = arith.constant 160 : index
      %swap3A_1270 = tpu.vector_load %arg9[%swap3A_1268, %swap3A_1269] {strides = array<i32>} : memref<2x256xf32, #tpu.memory_space<vmem>>, vector<16xf32>,
      tpu.vector_store %arg9[%swap3A_1268, %swap3A_1269], %unpack3A_1265 {strides = array<i32>} : memref<2x256xf32, #tpu.memory_space<vmem>>, vector<16xf32>,
      %swap3A_1271 = arith.constant 0 : i32
      %swap3A_1272 = arith.index_cast %swap3A_1271 : i32 to index
      %swap3A_1273 = arith.constant 176 : index
      %swap3A_1274 = tpu.vector_load %arg9[%swap3A_1272, %swap3A_1273] {strides = array<i32>} : memref<2x256xf32, #tpu.memory_space<vmem>>, vector<16xf32>,
      tpu.vector_store %arg9[%swap3A_1272, %swap3A_1273], %unpack3A_1266 {strides = array<i32>} : memref<2x256xf32, #tpu.memory_space<vmem>>, vector<16xf32>,
      %get3A_1275 = arith.constant 2 : i32
      %get3A_1276 = arith.constant 6 : i32
      %get3A_1277 = arith.index_cast %get3A_1275 : i32 to index
      %get3A_1278 = arith.index_cast %get3A_1276 : i32 to index
      %get3A_1279 = arith.constant 0 : index
      %get3A_1280 = tpu.vector_load %arg8[%get3A_1277, %get3A_1278, %get3A_1279] {strides = array<i32>} : memref<4x512x32xbf16, #tpu.memory_space<vmem>>, vector<32xbf16>,
      %unpack3A_1281 = tpu.unpack_subelements %get3A_1280, 0 {pack_format = #tpu.pack_format<interleaved>} : vector<32xbf16> -> vector<16xf32>
      %unpack3A_1282 = tpu.unpack_subelements %get3A_1280, 1 {pack_format = #tpu.pack_format<interleaved>} : vector<32xbf16> -> vector<16xf32>
      %swap3A_1283 = arith.constant 0 : i32
      %swap3A_1284 = arith.index_cast %swap3A_1283 : i32 to index
      %swap3A_1285 = arith.constant 192 : index
      %swap3A_1286 = tpu.vector_load %arg9[%swap3A_1284, %swap3A_1285] {strides = array<i32>} : memref<2x256xf32, #tpu.memory_space<vmem>>, vector<16xf32>,
      tpu.vector_store %arg9[%swap3A_1284, %swap3A_1285], %unpack3A_1281 {strides = array<i32>} : memref<2x256xf32, #tpu.memory_space<vmem>>, vector<16xf32>,
      %swap3A_1287 = arith.constant 0 : i32
      %swap3A_1288 = arith.index_cast %swap3A_1287 : i32 to index
      %swap3A_1289 = arith.constant 208 : index
      %swap3A_1290 = tpu.vector_load %arg9[%swap3A_1288, %swap3A_1289] {strides = array<i32>} : memref<2x256xf32, #tpu.memory_space<vmem>>, vector<16xf32>,
      tpu.vector_store %arg9[%swap3A_1288, %swap3A_1289], %unpack3A_1282 {strides = array<i32>} : memref<2x256xf32, #tpu.memory_space<vmem>>, vector<16xf32>,
      %get3A_1291 = arith.constant 2 : i32
      %get3A_1292 = arith.constant 7 : i32
      %get3A_1293 = arith.index_cast %get3A_1291 : i32 to index
      %get3A_1294 = arith.index_cast %get3A_1292 : i32 to index
      %get3A_1295 = arith.constant 0 : index
      %get3A_1296 = tpu.vector_load %arg8[%get3A_1293, %get3A_1294, %get3A_1295] {strides = array<i32>} : memref<4x512x32xbf16, #tpu.memory_space<vmem>>, vector<32xbf16>,
      %unpack3A_1297 = tpu.unpack_subelements %get3A_1296, 0 {pack_format = #tpu.pack_format<interleaved>} : vector<32xbf16> -> vector<16xf32>
      %unpack3A_1298 = tpu.unpack_subelements %get3A_1296, 1 {pack_format = #tpu.pack_format<interleaved>} : vector<32xbf16> -> vector<16xf32>
      %swap3A_1299 = arith.constant 0 : i32
      %swap3A_1300 = arith.index_cast %swap3A_1299 : i32 to index
      %swap3A_1301 = arith.constant 224 : index
      %swap3A_1302 = tpu.vector_load %arg9[%swap3A_1300, %swap3A_1301] {strides = array<i32>} : memref<2x256xf32, #tpu.memory_space<vmem>>, vector<16xf32>,
      tpu.vector_store %arg9[%swap3A_1300, %swap3A_1301], %unpack3A_1297 {strides = array<i32>} : memref<2x256xf32, #tpu.memory_space<vmem>>, vector<16xf32>,
      %swap3A_1303 = arith.constant 0 : i32
      %swap3A_1304 = arith.index_cast %swap3A_1303 : i32 to index
      %swap3A_1305 = arith.constant 240 : index
      %swap3A_1306 = tpu.vector_load %arg9[%swap3A_1304, %swap3A_1305] {strides = array<i32>} : memref<2x256xf32, #tpu.memory_space<vmem>>, vector<16xf32>,
      tpu.vector_store %arg9[%swap3A_1304, %swap3A_1305], %unpack3A_1298 {strides = array<i32>} : memref<2x256xf32, #tpu.memory_space<vmem>>, vector<16xf32>,
      %dma_start3A_1307 = arith.constant 0 : i32
      %dma_start3A_1308 = arith.constant 0 : i32
      %dma_start3A_1309 = tpu.memref_slice %arg9[%dma_start3A_1307, %dma_start3A_1308] : memref<2x256xf32, #tpu.memory_space<vmem>> -> memref<1x256xf32, #tpu.memory_space<vmem>>
      %dma_start3A_1310 = tpu.memref_squeeze %dma_start3A_1309 : memref<1x256xf32, #tpu.memory_space<vmem>> -> memref<256xf32, #tpu.memory_space<vmem>>
      %dma_start3A_1311 = arith.constant 0 : i32
      %dma_start3A_1312 = tpu.memref_slice %arg5[%add3A_1178, %dma_start3A_1311] : memref<21760x256xf32, #tpu.memory_space<hbm>> -> memref<1x256xf32, #tpu.memory_space<hbm>>
      %dma_start3A_1313 = tpu.memref_squeeze %dma_start3A_1312 : memref<1x256xf32, #tpu.memory_space<hbm>> -> memref<256xf32, #tpu.memory_space<hbm>>
      %dma_start3A_1314 = arith.constant 0 : i32
      %dma_start3A_1315 = tpu.memref_slice %arg5[%add3A_1178, %dma_start3A_1314] : memref<21760x256xf32, #tpu.memory_space<hbm>> -> memref<1x256xf32, #tpu.memory_space<hbm>>
      %dma_start3A_1316 = tpu.memref_squeeze %dma_start3A_1315 : memref<1x256xf32, #tpu.memory_space<hbm>> -> memref<256xf32, #tpu.memory_space<hbm>>
      %dma_start3A_1317 = arith.constant 0 : i32
      %dma_start3A_1318 = tpu.memref_slice %arg9[%dma_start3A_1307, %dma_start3A_1317] : memref<2x256xf32, #tpu.memory_space<vmem>> -> memref<1x256xf32, #tpu.memory_space<vmem>>
      %dma_start3A_1319 = tpu.memref_squeeze %dma_start3A_1318 : memref<1x256xf32, #tpu.memory_space<vmem>> -> memref<256xf32, #tpu.memory_space<vmem>>
      tpu.enqueue_dma source(%dma_start3A_1319 : memref<256xf32, #tpu.memory_space<vmem>>) target(%dma_start3A_1316 : memref<256xf32, #tpu.memory_space<hbm>>) target_semaphore(%arg18 : memref<!tpu.dma_semaphore, #tpu.memory_space<semaphore_mem>>)
      %add3A_1320 = arith.constant 3 : i32
      %add3A_1321 = arith.addi %add3A_346, %add3A_1320 : i32
      %add3A_1322 = arith.constant 1 : i32
      %add3A_1323 = arith.addi %add3A_1321, %add3A_1322 : i32
      %add3A_1324 = arith.addi %mul3A_2, %add3A_1323 : i32
      %min3A_1325 = arith.constant 21759 : i32
      %min3A_1326 = arith.minsi %add3A_1324, %min3A_1325 : i32
      %dma_wait3A_1327 = arith.constant 0 : i32
      %dma_wait3A_1328 = arith.constant 0 : i32
      %dma_wait3A_1329 = arith.constant 0 : i32
      %dma_wait3A_1330 = tpu.memref_slice %arg6[%dma_wait3A_1327, %dma_wait3A_1328, %dma_wait3A_1329] : memref<4x4x128xi32, #tpu.memory_space<vmem>> -> memref<1x4x128xi32, #tpu.memory_space<vmem>>
      %dma_wait3A_1331 = tpu.memref_squeeze %dma_wait3A_1330 : memref<1x4x128xi32, #tpu.memory_space<vmem>> -> memref<4x128xi32, #tpu.memory_space<vmem>>
      %dma_wait3A_1332 = arith.constant 0 : i32
      %dma_wait3A_1333 = arith.constant 0 : i32
      %dma_wait3A_1334 = tpu.memref_slice %arg3[%min3A_1326, %dma_wait3A_1332, %dma_wait3A_1333] : memref<21760x4x128xi32, #tpu.memory_space<hbm>> -> memref<1x4x128xi32, #tpu.memory_space<hbm>>
      %dma_wait3A_1335 = tpu.memref_squeeze %dma_wait3A_1334 : memref<1x4x128xi32, #tpu.memory_space<hbm>> -> memref<4x128xi32, #tpu.memory_space<hbm>>
      %dma_wait3A_1336 = arith.constant 0 : i32
      %dma_wait3A_1337 = arith.constant 0 : i32
      %dma_wait3A_1338 = tpu.memref_slice %arg6[%dma_wait3A_1327, %dma_wait3A_1336, %dma_wait3A_1337] : memref<4x4x128xi32, #tpu.memory_space<vmem>> -> memref<1x4x128xi32, #tpu.memory_space<vmem>>
      %dma_wait3A_1339 = tpu.memref_squeeze %dma_wait3A_1338 : memref<1x4x128xi32, #tpu.memory_space<vmem>> -> memref<4x128xi32, #tpu.memory_space<vmem>>
      %dma_wait3A_1340 = arith.constant 0 : i32
      %dma_wait3A_1341 = arith.constant 0 : i32
      %dma_wait3A_1342 = tpu.memref_slice %arg3[%min3A_1326, %dma_wait3A_1340, %dma_wait3A_1341] : memref<21760x4x128xi32, #tpu.memory_space<hbm>> -> memref<1x4x128xi32, #tpu.memory_space<hbm>>
      %dma_wait3A_1343 = tpu.memref_squeeze %dma_wait3A_1342 : memref<1x4x128xi32, #tpu.memory_space<hbm>> -> memref<4x128xi32, #tpu.memory_space<hbm>>
      tpu.wait_dma2 semaphore(%arg14 : memref<!tpu.dma_semaphore, #tpu.memory_space<semaphore_mem>>) src(%dma_wait3A_1343 : memref<4x128xi32, #tpu.memory_space<hbm>>) dst(%dma_wait3A_1339 : memref<4x128xi32, #tpu.memory_space<vmem>>)
      %dma_wait3A_1344 = arith.constant 0 : i32
      %dma_wait3A_1345 = arith.constant 0 : i32
      %dma_wait3A_1346 = tpu.memref_slice %arg7[%dma_wait3A_1344, %dma_wait3A_1345] : memref<4x512xf32, #tpu.memory_space<vmem>> -> memref<1x512xf32, #tpu.memory_space<vmem>>
      %dma_wait3A_1347 = tpu.memref_squeeze %dma_wait3A_1346 : memref<1x512xf32, #tpu.memory_space<vmem>> -> memref<512xf32, #tpu.memory_space<vmem>>
      %dma_wait3A_1348 = arith.constant 0 : i32
      %dma_wait3A_1349 = tpu.memref_slice %arg4[%min3A_1326, %dma_wait3A_1348] : memref<21760x512xf32, #tpu.memory_space<hbm>> -> memref<1x512xf32, #tpu.memory_space<hbm>>
      %dma_wait3A_1350 = tpu.memref_squeeze %dma_wait3A_1349 : memref<1x512xf32, #tpu.memory_space<hbm>> -> memref<512xf32, #tpu.memory_space<hbm>>
      %dma_wait3A_1351 = arith.constant 0 : i32
      %dma_wait3A_1352 = tpu.memref_slice %arg7[%dma_wait3A_1344, %dma_wait3A_1351] : memref<4x512xf32, #tpu.memory_space<vmem>> -> memref<1x512xf32, #tpu.memory_space<vmem>>
      %dma_wait3A_1353 = tpu.memref_squeeze %dma_wait3A_1352 : memref<1x512xf32, #tpu.memory_space<vmem>> -> memref<512xf32, #tpu.memory_space<vmem>>
      %dma_wait3A_1354 = arith.constant 0 : i32
      %dma_wait3A_1355 = tpu.memref_slice %arg4[%min3A_1326, %dma_wait3A_1354] : memref<21760x512xf32, #tpu.memory_space<hbm>> -> memref<1x512xf32, #tpu.memory_space<hbm>>
      %dma_wait3A_1356 = tpu.memref_squeeze %dma_wait3A_1355 : memref<1x512xf32, #tpu.memory_space<hbm>> -> memref<512xf32, #tpu.memory_space<hbm>>
      tpu.wait_dma2 semaphore(%arg14 : memref<!tpu.dma_semaphore, #tpu.memory_space<semaphore_mem>>) src(%dma_wait3A_1356 : memref<512xf32, #tpu.memory_space<hbm>>) dst(%dma_wait3A_1353 : memref<512xf32, #tpu.memory_space<vmem>>)
      %dma_start3A_1357 = arith.constant 0 : i32
      %dma_start3A_1358 = arith.constant 0 : i32
      %dma_start3A_1359 = arith.constant 0 : i32
      %dma_start3A_1360 = arith.constant 0 : i32
      %dma_start3A_1361 = arith.constant 0 : i32
      %dma_start3A_1362 = tpu.memref_slice %arg8[%dma_start3A_1359, %dma_start3A_1360, %dma_start3A_1361] : memref<4x512x32xbf16, #tpu.memory_space<vmem>> -> memref<1x128x32xbf16, #tpu.memory_space<vmem>>
      %dma_start3A_1363 = tpu.memref_squeeze %dma_start3A_1362 : memref<1x128x32xbf16, #tpu.memory_space<vmem>> -> memref<128x32xbf16, #tpu.memory_space<vmem>>
      %dma_start3A_1364 = arith.constant 0 : i32
      %dma_start3A_1365 = tpu.memref_slice %arg6[%dma_start3A_1357, %dma_start3A_1358, %dma_start3A_1364] : memref<4x4x128xi32, #tpu.memory_space<vmem>> -> memref<1x1x128xi32, #tpu.memory_space<vmem>>
      %dma_start3A_1366 = tpu.memref_squeeze %dma_start3A_1365 : memref<1x1x128xi32, #tpu.memory_space<vmem>> -> memref<128xi32, #tpu.memory_space<vmem>>
      %dma_start3A_1367 = arith.constant 0 : i32
      %dma_start3A_1368 = arith.constant 0 : i32
      %dma_start3A_1369 = tpu.memref_slice %arg2[%dma_start3A_1367, %dma_start3A_1368] : memref<174080x32xbf16, #tpu.memory_space<hbm>> -> memref<174080x32xbf16, #tpu.memory_space<hbm>>
      tpu.enqueue_indirect_dma source(%dma_start3A_1369 : memref<174080x32xbf16, #tpu.memory_space<hbm>>) target(%dma_start3A_1363 : memref<128x32xbf16, #tpu.memory_space<vmem>>) offsets(%dma_start3A_1366 : memref<128xi32, #tpu.memory_space<vmem>>) semaphore(%arg10 : memref<!tpu.dma_semaphore, #tpu.memory_space<semaphore_mem>>)
      %dma_start3A_1370 = arith.constant 0 : i32
      %dma_start3A_1371 = arith.constant 1 : i32
      %dma_start3A_1372 = arith.constant 0 : i32
      %dma_start3A_1373 = arith.constant 128 : i32
      %dma_start3A_1374 = arith.constant 0 : i32
      %dma_start3A_1375 = tpu.memref_slice %arg8[%dma_start3A_1372, %dma_start3A_1373, %dma_start3A_1374] : memref<4x512x32xbf16, #tpu.memory_space<vmem>> -> memref<1x128x32xbf16, #tpu.memory_space<vmem>>
      %dma_start3A_1376 = tpu.memref_squeeze %dma_start3A_1375 : memref<1x128x32xbf16, #tpu.memory_space<vmem>> -> memref<128x32xbf16, #tpu.memory_space<vmem>>
      %dma_start3A_1377 = arith.constant 0 : i32
      %dma_start3A_1378 = tpu.memref_slice %arg6[%dma_start3A_1370, %dma_start3A_1371, %dma_start3A_1377] : memref<4x4x128xi32, #tpu.memory_space<vmem>> -> memref<1x1x128xi32, #tpu.memory_space<vmem>>
      %dma_start3A_1379 = tpu.memref_squeeze %dma_start3A_1378 : memref<1x1x128xi32, #tpu.memory_space<vmem>> -> memref<128xi32, #tpu.memory_space<vmem>>
      %dma_start3A_1380 = arith.constant 0 : i32
      %dma_start3A_1381 = arith.constant 0 : i32
      %dma_start3A_1382 = tpu.memref_slice %arg2[%dma_start3A_1380, %dma_start3A_1381] : memref<174080x32xbf16, #tpu.memory_space<hbm>> -> memref<174080x32xbf16, #tpu.memory_space<hbm>>
      tpu.enqueue_indirect_dma source(%dma_start3A_1382 : memref<174080x32xbf16, #tpu.memory_space<hbm>>) target(%dma_start3A_1376 : memref<128x32xbf16, #tpu.memory_space<vmem>>) offsets(%dma_start3A_1379 : memref<128xi32, #tpu.memory_space<vmem>>) semaphore(%arg10 : memref<!tpu.dma_semaphore, #tpu.memory_space<semaphore_mem>>)
      %dma_start3A_1383 = arith.constant 0 : i32
      %dma_start3A_1384 = arith.constant 2 : i32
      %dma_start3A_1385 = arith.constant 0 : i32
      %dma_start3A_1386 = arith.constant 256 : i32
      %dma_start3A_1387 = arith.constant 0 : i32
      %dma_start3A_1388 = tpu.memref_slice %arg8[%dma_start3A_1385, %dma_start3A_1386, %dma_start3A_1387] : memref<4x512x32xbf16, #tpu.memory_space<vmem>> -> memref<1x128x32xbf16, #tpu.memory_space<vmem>>
      %dma_start3A_1389 = tpu.memref_squeeze %dma_start3A_1388 : memref<1x128x32xbf16, #tpu.memory_space<vmem>> -> memref<128x32xbf16, #tpu.memory_space<vmem>>
      %dma_start3A_1390 = arith.constant 0 : i32
      %dma_start3A_1391 = tpu.memref_slice %arg6[%dma_start3A_1383, %dma_start3A_1384, %dma_start3A_1390] : memref<4x4x128xi32, #tpu.memory_space<vmem>> -> memref<1x1x128xi32, #tpu.memory_space<vmem>>
      %dma_start3A_1392 = tpu.memref_squeeze %dma_start3A_1391 : memref<1x1x128xi32, #tpu.memory_space<vmem>> -> memref<128xi32, #tpu.memory_space<vmem>>
      %dma_start3A_1393 = arith.constant 0 : i32
      %dma_start3A_1394 = arith.constant 0 : i32
      %dma_start3A_1395 = tpu.memref_slice %arg2[%dma_start3A_1393, %dma_start3A_1394] : memref<174080x32xbf16, #tpu.memory_space<hbm>> -> memref<174080x32xbf16, #tpu.memory_space<hbm>>
      tpu.enqueue_indirect_dma source(%dma_start3A_1395 : memref<174080x32xbf16, #tpu.memory_space<hbm>>) target(%dma_start3A_1389 : memref<128x32xbf16, #tpu.memory_space<vmem>>) offsets(%dma_start3A_1392 : memref<128xi32, #tpu.memory_space<vmem>>) semaphore(%arg10 : memref<!tpu.dma_semaphore, #tpu.memory_space<semaphore_mem>>)
      %dma_start3A_1396 = arith.constant 0 : i32
      %dma_start3A_1397 = arith.constant 3 : i32
      %dma_start3A_1398 = arith.constant 0 : i32
      %dma_start3A_1399 = arith.constant 384 : i32
      %dma_start3A_1400 = arith.constant 0 : i32
      %dma_start3A_1401 = tpu.memref_slice %arg8[%dma_start3A_1398, %dma_start3A_1399, %dma_start3A_1400] : memref<4x512x32xbf16, #tpu.memory_space<vmem>> -> memref<1x128x32xbf16, #tpu.memory_space<vmem>>
      %dma_start3A_1402 = tpu.memref_squeeze %dma_start3A_1401 : memref<1x128x32xbf16, #tpu.memory_space<vmem>> -> memref<128x32xbf16, #tpu.memory_space<vmem>>
      %dma_start3A_1403 = arith.constant 0 : i32
      %dma_start3A_1404 = tpu.memref_slice %arg6[%dma_start3A_1396, %dma_start3A_1397, %dma_start3A_1403] : memref<4x4x128xi32, #tpu.memory_space<vmem>> -> memref<1x1x128xi32, #tpu.memory_space<vmem>>
      %dma_start3A_1405 = tpu.memref_squeeze %dma_start3A_1404 : memref<1x1x128xi32, #tpu.memory_space<vmem>> -> memref<128xi32, #tpu.memory_space<vmem>>
      %dma_start3A_1406 = arith.constant 0 : i32
      %dma_start3A_1407 = arith.constant 0 : i32
      %dma_start3A_1408 = tpu.memref_slice %arg2[%dma_start3A_1406, %dma_start3A_1407] : memref<174080x32xbf16, #tpu.memory_space<hbm>> -> memref<174080x32xbf16, #tpu.memory_space<hbm>>
      tpu.enqueue_indirect_dma source(%dma_start3A_1408 : memref<174080x32xbf16, #tpu.memory_space<hbm>>) target(%dma_start3A_1402 : memref<128x32xbf16, #tpu.memory_space<vmem>>) offsets(%dma_start3A_1405 : memref<128xi32, #tpu.memory_space<vmem>>) semaphore(%arg10 : memref<!tpu.dma_semaphore, #tpu.memory_space<semaphore_mem>>)
      %dma_wait3A_1409 = arith.constant 3 : i32
      %dma_wait3A_1410 = arith.constant 0 : i32
      %dma_wait3A_1411 = arith.constant 3 : i32
      %dma_wait3A_1412 = arith.constant 0 : i32
      %dma_wait3A_1413 = arith.constant 0 : i32
      %dma_wait3A_1414 = tpu.memref_slice %arg8[%dma_wait3A_1411, %dma_wait3A_1412, %dma_wait3A_1413] : memref<4x512x32xbf16, #tpu.memory_space<vmem>> -> memref<1x128x32xbf16, #tpu.memory_space<vmem>>
      %dma_wait3A_1415 = tpu.memref_squeeze %dma_wait3A_1414 : memref<1x128x32xbf16, #tpu.memory_space<vmem>> -> memref<128x32xbf16, #tpu.memory_space<vmem>>
      %dma_wait3A_1416 = arith.constant 0 : i32
      %dma_wait3A_1417 = tpu.memref_slice %arg6[%dma_wait3A_1409, %dma_wait3A_1410, %dma_wait3A_1416] : memref<4x4x128xi32, #tpu.memory_space<vmem>> -> memref<1x1x128xi32, #tpu.memory_space<vmem>>
      %dma_wait3A_1418 = tpu.memref_squeeze %dma_wait3A_1417 : memref<1x1x128xi32, #tpu.memory_space<vmem>> -> memref<128xi32, #tpu.memory_space<vmem>>
      %dma_wait3A_1419 = arith.constant 0 : i32
      %dma_wait3A_1420 = arith.constant 0 : i32
      %dma_wait3A_1421 = tpu.memref_slice %arg2[%dma_wait3A_1419, %dma_wait3A_1420] : memref<174080x32xbf16, #tpu.memory_space<hbm>> -> memref<174080x32xbf16, #tpu.memory_space<hbm>>
      tpu.wait_indirect_dma semaphore(%arg13 : memref<!tpu.dma_semaphore, #tpu.memory_space<semaphore_mem>>) src(%dma_wait3A_1421 : memref<174080x32xbf16, #tpu.memory_space<hbm>>) dst(%dma_wait3A_1415 : memref<128x32xbf16, #tpu.memory_space<vmem>>)
      %dma_wait3A_1422 = arith.constant 3 : i32
      %dma_wait3A_1423 = arith.constant 1 : i32
      %dma_wait3A_1424 = arith.constant 3 : i32
      %dma_wait3A_1425 = arith.constant 128 : i32
      %dma_wait3A_1426 = arith.constant 0 : i32
      %dma_wait3A_1427 = tpu.memref_slice %arg8[%dma_wait3A_1424, %dma_wait3A_1425, %dma_wait3A_1426] : memref<4x512x32xbf16, #tpu.memory_space<vmem>> -> memref<1x128x32xbf16, #tpu.memory_space<vmem>>
      %dma_wait3A_1428 = tpu.memref_squeeze %dma_wait3A_1427 : memref<1x128x32xbf16, #tpu.memory_space<vmem>> -> memref<128x32xbf16, #tpu.memory_space<vmem>>
      %dma_wait3A_1429 = arith.constant 0 : i32
      %dma_wait3A_1430 = tpu.memref_slice %arg6[%dma_wait3A_1422, %dma_wait3A_1423, %dma_wait3A_1429] : memref<4x4x128xi32, #tpu.memory_space<vmem>> -> memref<1x1x128xi32, #tpu.memory_space<vmem>>
      %dma_wait3A_1431 = tpu.memref_squeeze %dma_wait3A_1430 : memref<1x1x128xi32, #tpu.memory_space<vmem>> -> memref<128xi32, #tpu.memory_space<vmem>>
      %dma_wait3A_1432 = arith.constant 0 : i32
      %dma_wait3A_1433 = arith.constant 0 : i32
      %dma_wait3A_1434 = tpu.memref_slice %arg2[%dma_wait3A_1432, %dma_wait3A_1433] : memref<174080x32xbf16, #tpu.memory_space<hbm>> -> memref<174080x32xbf16, #tpu.memory_space<hbm>>
      tpu.wait_indirect_dma semaphore(%arg13 : memref<!tpu.dma_semaphore, #tpu.memory_space<semaphore_mem>>) src(%dma_wait3A_1434 : memref<174080x32xbf16, #tpu.memory_space<hbm>>) dst(%dma_wait3A_1428 : memref<128x32xbf16, #tpu.memory_space<vmem>>)
      %dma_wait3A_1435 = arith.constant 3 : i32
      %dma_wait3A_1436 = arith.constant 2 : i32
      %dma_wait3A_1437 = arith.constant 3 : i32
      %dma_wait3A_1438 = arith.constant 256 : i32
      %dma_wait3A_1439 = arith.constant 0 : i32
      %dma_wait3A_1440 = tpu.memref_slice %arg8[%dma_wait3A_1437, %dma_wait3A_1438, %dma_wait3A_1439] : memref<4x512x32xbf16, #tpu.memory_space<vmem>> -> memref<1x128x32xbf16, #tpu.memory_space<vmem>>
      %dma_wait3A_1441 = tpu.memref_squeeze %dma_wait3A_1440 : memref<1x128x32xbf16, #tpu.memory_space<vmem>> -> memref<128x32xbf16, #tpu.memory_space<vmem>>
      %dma_wait3A_1442 = arith.constant 0 : i32
      %dma_wait3A_1443 = tpu.memref_slice %arg6[%dma_wait3A_1435, %dma_wait3A_1436, %dma_wait3A_1442] : memref<4x4x128xi32, #tpu.memory_space<vmem>> -> memref<1x1x128xi32, #tpu.memory_space<vmem>>
      %dma_wait3A_1444 = tpu.memref_squeeze %dma_wait3A_1443 : memref<1x1x128xi32, #tpu.memory_space<vmem>> -> memref<128xi32, #tpu.memory_space<vmem>>
      %dma_wait3A_1445 = arith.constant 0 : i32
      %dma_wait3A_1446 = arith.constant 0 : i32
      %dma_wait3A_1447 = tpu.memref_slice %arg2[%dma_wait3A_1445, %dma_wait3A_1446] : memref<174080x32xbf16, #tpu.memory_space<hbm>> -> memref<174080x32xbf16, #tpu.memory_space<hbm>>
      tpu.wait_indirect_dma semaphore(%arg13 : memref<!tpu.dma_semaphore, #tpu.memory_space<semaphore_mem>>) src(%dma_wait3A_1447 : memref<174080x32xbf16, #tpu.memory_space<hbm>>) dst(%dma_wait3A_1441 : memref<128x32xbf16, #tpu.memory_space<vmem>>)
      %dma_wait3A_1448 = arith.constant 3 : i32
      %dma_wait3A_1449 = arith.constant 3 : i32
      %dma_wait3A_1450 = arith.constant 3 : i32
      %dma_wait3A_1451 = arith.constant 384 : i32
      %dma_wait3A_1452 = arith.constant 0 : i32
      %dma_wait3A_1453 = tpu.memref_slice %arg8[%dma_wait3A_1450, %dma_wait3A_1451, %dma_wait3A_1452] : memref<4x512x32xbf16, #tpu.memory_space<vmem>> -> memref<1x128x32xbf16, #tpu.memory_space<vmem>>
      %dma_wait3A_1454 = tpu.memref_squeeze %dma_wait3A_1453 : memref<1x128x32xbf16, #tpu.memory_space<vmem>> -> memref<128x32xbf16, #tpu.memory_space<vmem>>
      %dma_wait3A_1455 = arith.constant 0 : i32
      %dma_wait3A_1456 = tpu.memref_slice %arg6[%dma_wait3A_1448, %dma_wait3A_1449, %dma_wait3A_1455] : memref<4x4x128xi32, #tpu.memory_space<vmem>> -> memref<1x1x128xi32, #tpu.memory_space<vmem>>
      %dma_wait3A_1457 = tpu.memref_squeeze %dma_wait3A_1456 : memref<1x1x128xi32, #tpu.memory_space<vmem>> -> memref<128xi32, #tpu.memory_space<vmem>>
      %dma_wait3A_1458 = arith.constant 0 : i32
      %dma_wait3A_1459 = arith.constant 0 : i32
      %dma_wait3A_1460 = tpu.memref_slice %arg2[%dma_wait3A_1458, %dma_wait3A_1459] : memref<174080x32xbf16, #tpu.memory_space<hbm>> -> memref<174080x32xbf16, #tpu.memory_space<hbm>>
      tpu.wait_indirect_dma semaphore(%arg13 : memref<!tpu.dma_semaphore, #tpu.memory_space<semaphore_mem>>) src(%dma_wait3A_1460 : memref<174080x32xbf16, #tpu.memory_space<hbm>>) dst(%dma_wait3A_1454 : memref<128x32xbf16, #tpu.memory_space<vmem>>)
      %add3A_1461 = arith.constant 3 : i32
      %add3A_1462 = arith.addi %add3A_1321, %add3A_1461 : i32
      %add3A_1463 = arith.addi %mul3A_2, %add3A_1462 : i32
      %min3A_1464 = arith.constant 21759 : i32
      %min3A_1465 = arith.minsi %add3A_1463, %min3A_1464 : i32
      %dma_start3A_1466 = arith.constant 2 : i32
      %dma_start3A_1467 = arith.constant 0 : i32
      %dma_start3A_1468 = arith.constant 0 : i32
      %dma_start3A_1469 = tpu.memref_slice %arg6[%dma_start3A_1466, %dma_start3A_1467, %dma_start3A_1468] : memref<4x4x128xi32, #tpu.memory_space<vmem>> -> memref<1x4x128xi32, #tpu.memory_space<vmem>>
      %dma_start3A_1470 = tpu.memref_squeeze %dma_start3A_1469 : memref<1x4x128xi32, #tpu.memory_space<vmem>> -> memref<4x128xi32, #tpu.memory_space<vmem>>
      %dma_start3A_1471 = arith.constant 0 : i32
      %dma_start3A_1472 = arith.constant 0 : i32
      %dma_start3A_1473 = tpu.memref_slice %arg3[%min3A_1465, %dma_start3A_1471, %dma_start3A_1472] : memref<21760x4x128xi32, #tpu.memory_space<hbm>> -> memref<1x4x128xi32, #tpu.memory_space<hbm>>
      %dma_start3A_1474 = tpu.memref_squeeze %dma_start3A_1473 : memref<1x4x128xi32, #tpu.memory_space<hbm>> -> memref<4x128xi32, #tpu.memory_space<hbm>>
      %dma_start3A_1475 = arith.constant 0 : i32
      %dma_start3A_1476 = arith.constant 0 : i32
      %dma_start3A_1477 = tpu.memref_slice %arg6[%dma_start3A_1466, %dma_start3A_1475, %dma_start3A_1476] : memref<4x4x128xi32, #tpu.memory_space<vmem>> -> memref<1x4x128xi32, #tpu.memory_space<vmem>>
      %dma_start3A_1478 = tpu.memref_squeeze %dma_start3A_1477 : memref<1x4x128xi32, #tpu.memory_space<vmem>> -> memref<4x128xi32, #tpu.memory_space<vmem>>
      %dma_start3A_1479 = arith.constant 0 : i32
      %dma_start3A_1480 = arith.constant 0 : i32
      %dma_start3A_1481 = tpu.memref_slice %arg3[%min3A_1465, %dma_start3A_1479, %dma_start3A_1480] : memref<21760x4x128xi32, #tpu.memory_space<hbm>> -> memref<1x4x128xi32, #tpu.memory_space<hbm>>
      %dma_start3A_1482 = tpu.memref_squeeze %dma_start3A_1481 : memref<1x4x128xi32, #tpu.memory_space<hbm>> -> memref<4x128xi32, #tpu.memory_space<hbm>>
      tpu.enqueue_dma source(%dma_start3A_1482 : memref<4x128xi32, #tpu.memory_space<hbm>>) target(%dma_start3A_1478 : memref<4x128xi32, #tpu.memory_space<vmem>>) target_semaphore(%arg16 : memref<!tpu.dma_semaphore, #tpu.memory_space<semaphore_mem>>)
      %dma_start3A_1483 = arith.constant 2 : i32
      %dma_start3A_1484 = arith.constant 0 : i32
      %dma_start3A_1485 = tpu.memref_slice %arg7[%dma_start3A_1483, %dma_start3A_1484] : memref<4x512xf32, #tpu.memory_space<vmem>> -> memref<1x512xf32, #tpu.memory_space<vmem>>
      %dma_start3A_1486 = tpu.memref_squeeze %dma_start3A_1485 : memref<1x512xf32, #tpu.memory_space<vmem>> -> memref<512xf32, #tpu.memory_space<vmem>>
      %dma_start3A_1487 = arith.constant 0 : i32
      %dma_start3A_1488 = tpu.memref_slice %arg4[%min3A_1465, %dma_start3A_1487] : memref<21760x512xf32, #tpu.memory_space<hbm>> -> memref<1x512xf32, #tpu.memory_space<hbm>>
      %dma_start3A_1489 = tpu.memref_squeeze %dma_start3A_1488 : memref<1x512xf32, #tpu.memory_space<hbm>> -> memref<512xf32, #tpu.memory_space<hbm>>
      %dma_start3A_1490 = arith.constant 0 : i32
      %dma_start3A_1491 = tpu.memref_slice %arg7[%dma_start3A_1483, %dma_start3A_1490] : memref<4x512xf32, #tpu.memory_space<vmem>> -> memref<1x512xf32, #tpu.memory_space<vmem>>
      %dma_start3A_1492 = tpu.memref_squeeze %dma_start3A_1491 : memref<1x512xf32, #tpu.memory_space<vmem>> -> memref<512xf32, #tpu.memory_space<vmem>>
      %dma_start3A_1493 = arith.constant 0 : i32
      %dma_start3A_1494 = tpu.memref_slice %arg4[%min3A_1465, %dma_start3A_1493] : memref<21760x512xf32, #tpu.memory_space<hbm>> -> memref<1x512xf32, #tpu.memory_space<hbm>>
      %dma_start3A_1495 = tpu.memref_squeeze %dma_start3A_1494 : memref<1x512xf32, #tpu.memory_space<hbm>> -> memref<512xf32, #tpu.memory_space<hbm>>
      tpu.enqueue_dma source(%dma_start3A_1495 : memref<512xf32, #tpu.memory_space<hbm>>) target(%dma_start3A_1492 : memref<512xf32, #tpu.memory_space<vmem>>) target_semaphore(%arg16 : memref<!tpu.dma_semaphore, #tpu.memory_space<semaphore_mem>>)
      %sub3A_1496 = arith.constant 2 : i32
      %sub3A_1497 = arith.subi %add3A_1321, %sub3A_1496 : i32
      %add3A_1498 = arith.addi %mul3A_2, %sub3A_1497 : i32
      %dma_wait3A_1499 = arith.constant 1 : i32
      %dma_wait3A_1500 = arith.constant 0 : i32
      %dma_wait3A_1501 = tpu.memref_slice %arg9[%dma_wait3A_1499, %dma_wait3A_1500] : memref<2x256xf32, #tpu.memory_space<vmem>> -> memref<1x256xf32, #tpu.memory_space<vmem>>
      %dma_wait3A_1502 = tpu.memref_squeeze %dma_wait3A_1501 : memref<1x256xf32, #tpu.memory_space<vmem>> -> memref<256xf32, #tpu.memory_space<vmem>>
      %dma_wait3A_1503 = arith.constant 0 : i32
      %dma_wait3A_1504 = tpu.memref_slice %arg5[%add3A_1498, %dma_wait3A_1503] : memref<21760x256xf32, #tpu.memory_space<hbm>> -> memref<1x256xf32, #tpu.memory_space<hbm>>
      %dma_wait3A_1505 = tpu.memref_squeeze %dma_wait3A_1504 : memref<1x256xf32, #tpu.memory_space<hbm>> -> memref<256xf32, #tpu.memory_space<hbm>>
      %dma_wait3A_1506 = arith.constant 0 : i32
      %dma_wait3A_1507 = tpu.memref_slice %arg5[%add3A_1498, %dma_wait3A_1506] : memref<21760x256xf32, #tpu.memory_space<hbm>> -> memref<1x256xf32, #tpu.memory_space<hbm>>
      %dma_wait3A_1508 = tpu.memref_squeeze %dma_wait3A_1507 : memref<1x256xf32, #tpu.memory_space<hbm>> -> memref<256xf32, #tpu.memory_space<hbm>>
      %dma_wait3A_1509 = arith.constant 0 : i32
      %dma_wait3A_1510 = tpu.memref_slice %arg9[%dma_wait3A_1499, %dma_wait3A_1509] : memref<2x256xf32, #tpu.memory_space<vmem>> -> memref<1x256xf32, #tpu.memory_space<vmem>>
      %dma_wait3A_1511 = tpu.memref_squeeze %dma_wait3A_1510 : memref<1x256xf32, #tpu.memory_space<vmem>> -> memref<256xf32, #tpu.memory_space<vmem>>
      tpu.wait_dma2 semaphore(%arg19 : memref<!tpu.dma_semaphore, #tpu.memory_space<semaphore_mem>>) src(%dma_wait3A_1511 : memref<256xf32, #tpu.memory_space<vmem>>) dst(%dma_wait3A_1508 : memref<256xf32, #tpu.memory_space<hbm>>)
      %add3A_1512 = arith.addi %mul3A_2, %add3A_1321 : i32
      %get3A_1513 = arith.constant 3 : i32
      %get3A_1514 = arith.constant 0 : i32
      %get3A_1515 = arith.index_cast %get3A_1513 : i32 to index
      %get3A_1516 = arith.index_cast %get3A_1514 : i32 to index
      %get3A_1517 = arith.constant 0 : index
      %get3A_1518 = tpu.vector_load %arg8[%get3A_1515, %get3A_1516, %get3A_1517] {strides = array<i32>} : memref<4x512x32xbf16, #tpu.memory_space<vmem>>, vector<32xbf16>,
      %unpack3A_1519 = tpu.unpack_subelements %get3A_1518, 0 {pack_format = #tpu.pack_format<interleaved>} : vector<32xbf16> -> vector<16xf32>
      %unpack3A_1520 = tpu.unpack_subelements %get3A_1518, 1 {pack_format = #tpu.pack_format<interleaved>} : vector<32xbf16> -> vector<16xf32>
      %swap3A_1521 = arith.constant 1 : i32
      %swap3A_1522 = arith.index_cast %swap3A_1521 : i32 to index
      %swap3A_1523 = arith.constant 0 : index
      %swap3A_1524 = tpu.vector_load %arg9[%swap3A_1522, %swap3A_1523] {strides = array<i32>} : memref<2x256xf32, #tpu.memory_space<vmem>>, vector<16xf32>,
      tpu.vector_store %arg9[%swap3A_1522, %swap3A_1523], %unpack3A_1519 {strides = array<i32>} : memref<2x256xf32, #tpu.memory_space<vmem>>, vector<16xf32>,
      %swap3A_1525 = arith.constant 1 : i32
      %swap3A_1526 = arith.index_cast %swap3A_1525 : i32 to index
      %swap3A_1527 = arith.constant 16 : index
      %swap3A_1528 = tpu.vector_load %arg9[%swap3A_1526, %swap3A_1527] {strides = array<i32>} : memref<2x256xf32, #tpu.memory_space<vmem>>, vector<16xf32>,
      tpu.vector_store %arg9[%swap3A_1526, %swap3A_1527], %unpack3A_1520 {strides = array<i32>} : memref<2x256xf32, #tpu.memory_space<vmem>>, vector<16xf32>,
      %get3A_1529 = arith.constant 3 : i32
      %get3A_1530 = arith.constant 1 : i32
      %get3A_1531 = arith.index_cast %get3A_1529 : i32 to index
      %get3A_1532 = arith.index_cast %get3A_1530 : i32 to index
      %get3A_1533 = arith.constant 0 : index
      %get3A_1534 = tpu.vector_load %arg8[%get3A_1531, %get3A_1532, %get3A_1533] {strides = array<i32>} : memref<4x512x32xbf16, #tpu.memory_space<vmem>>, vector<32xbf16>,
      %unpack3A_1535 = tpu.unpack_subelements %get3A_1534, 0 {pack_format = #tpu.pack_format<interleaved>} : vector<32xbf16> -> vector<16xf32>
      %unpack3A_1536 = tpu.unpack_subelements %get3A_1534, 1 {pack_format = #tpu.pack_format<interleaved>} : vector<32xbf16> -> vector<16xf32>
      %swap3A_1537 = arith.constant 1 : i32
      %swap3A_1538 = arith.index_cast %swap3A_1537 : i32 to index
      %swap3A_1539 = arith.constant 32 : index
      %swap3A_1540 = tpu.vector_load %arg9[%swap3A_1538, %swap3A_1539] {strides = array<i32>} : memref<2x256xf32, #tpu.memory_space<vmem>>, vector<16xf32>,
      tpu.vector_store %arg9[%swap3A_1538, %swap3A_1539], %unpack3A_1535 {strides = array<i32>} : memref<2x256xf32, #tpu.memory_space<vmem>>, vector<16xf32>,
      %swap3A_1541 = arith.constant 1 : i32
      %swap3A_1542 = arith.index_cast %swap3A_1541 : i32 to index
      %swap3A_1543 = arith.constant 48 : index
      %swap3A_1544 = tpu.vector_load %arg9[%swap3A_1542, %swap3A_1543] {strides = array<i32>} : memref<2x256xf32, #tpu.memory_space<vmem>>, vector<16xf32>,
      tpu.vector_store %arg9[%swap3A_1542, %swap3A_1543], %unpack3A_1536 {strides = array<i32>} : memref<2x256xf32, #tpu.memory_space<vmem>>, vector<16xf32>,
      %get3A_1545 = arith.constant 3 : i32
      %get3A_1546 = arith.constant 2 : i32
      %get3A_1547 = arith.index_cast %get3A_1545 : i32 to index
      %get3A_1548 = arith.index_cast %get3A_1546 : i32 to index
      %get3A_1549 = arith.constant 0 : index
      %get3A_1550 = tpu.vector_load %arg8[%get3A_1547, %get3A_1548, %get3A_1549] {strides = array<i32>} : memref<4x512x32xbf16, #tpu.memory_space<vmem>>, vector<32xbf16>,
      %unpack3A_1551 = tpu.unpack_subelements %get3A_1550, 0 {pack_format = #tpu.pack_format<interleaved>} : vector<32xbf16> -> vector<16xf32>
      %unpack3A_1552 = tpu.unpack_subelements %get3A_1550, 1 {pack_format = #tpu.pack_format<interleaved>} : vector<32xbf16> -> vector<16xf32>
      %swap3A_1553 = arith.constant 1 : i32
      %swap3A_1554 = arith.index_cast %swap3A_1553 : i32 to index
      %swap3A_1555 = arith.constant 64 : index
      %swap3A_1556 = tpu.vector_load %arg9[%swap3A_1554, %swap3A_1555] {strides = array<i32>} : memref<2x256xf32, #tpu.memory_space<vmem>>, vector<16xf32>,
      tpu.vector_store %arg9[%swap3A_1554, %swap3A_1555], %unpack3A_1551 {strides = array<i32>} : memref<2x256xf32, #tpu.memory_space<vmem>>, vector<16xf32>,
      %swap3A_1557 = arith.constant 1 : i32
      %swap3A_1558 = arith.index_cast %swap3A_1557 : i32 to index
      %swap3A_1559 = arith.constant 80 : index
      %swap3A_1560 = tpu.vector_load %arg9[%swap3A_1558, %swap3A_1559] {strides = array<i32>} : memref<2x256xf32, #tpu.memory_space<vmem>>, vector<16xf32>,
      tpu.vector_store %arg9[%swap3A_1558, %swap3A_1559], %unpack3A_1552 {strides = array<i32>} : memref<2x256xf32, #tpu.memory_space<vmem>>, vector<16xf32>,
      %get3A_1561 = arith.constant 3 : i32
      %get3A_1562 = arith.constant 3 : i32
      %get3A_1563 = arith.index_cast %get3A_1561 : i32 to index
      %get3A_1564 = arith.index_cast %get3A_1562 : i32 to index
      %get3A_1565 = arith.constant 0 : index
      %get3A_1566 = tpu.vector_load %arg8[%get3A_1563, %get3A_1564, %get3A_1565] {strides = array<i32>} : memref<4x512x32xbf16, #tpu.memory_space<vmem>>, vector<32xbf16>,
      %unpack3A_1567 = tpu.unpack_subelements %get3A_1566, 0 {pack_format = #tpu.pack_format<interleaved>} : vector<32xbf16> -> vector<16xf32>
      %unpack3A_1568 = tpu.unpack_subelements %get3A_1566, 1 {pack_format = #tpu.pack_format<interleaved>} : vector<32xbf16> -> vector<16xf32>
      %swap3A_1569 = arith.constant 1 : i32
      %swap3A_1570 = arith.index_cast %swap3A_1569 : i32 to index
      %swap3A_1571 = arith.constant 96 : index
      %swap3A_1572 = tpu.vector_load %arg9[%swap3A_1570, %swap3A_1571] {strides = array<i32>} : memref<2x256xf32, #tpu.memory_space<vmem>>, vector<16xf32>,
      tpu.vector_store %arg9[%swap3A_1570, %swap3A_1571], %unpack3A_1567 {strides = array<i32>} : memref<2x256xf32, #tpu.memory_space<vmem>>, vector<16xf32>,
      %swap3A_1573 = arith.constant 1 : i32
      %swap3A_1574 = arith.index_cast %swap3A_1573 : i32 to index
      %swap3A_1575 = arith.constant 112 : index
      %swap3A_1576 = tpu.vector_load %arg9[%swap3A_1574, %swap3A_1575] {strides = array<i32>} : memref<2x256xf32, #tpu.memory_space<vmem>>, vector<16xf32>,
      tpu.vector_store %arg9[%swap3A_1574, %swap3A_1575], %unpack3A_1568 {strides = array<i32>} : memref<2x256xf32, #tpu.memory_space<vmem>>, vector<16xf32>,
      %get3A_1577 = arith.constant 3 : i32
      %get3A_1578 = arith.constant 4 : i32
      %get3A_1579 = arith.index_cast %get3A_1577 : i32 to index
      %get3A_1580 = arith.index_cast %get3A_1578 : i32 to index
      %get3A_1581 = arith.constant 0 : index
      %get3A_1582 = tpu.vector_load %arg8[%get3A_1579, %get3A_1580, %get3A_1581] {strides = array<i32>} : memref<4x512x32xbf16, #tpu.memory_space<vmem>>, vector<32xbf16>,
      %unpack3A_1583 = tpu.unpack_subelements %get3A_1582, 0 {pack_format = #tpu.pack_format<interleaved>} : vector<32xbf16> -> vector<16xf32>
      %unpack3A_1584 = tpu.unpack_subelements %get3A_1582, 1 {pack_format = #tpu.pack_format<interleaved>} : vector<32xbf16> -> vector<16xf32>
      %swap3A_1585 = arith.constant 1 : i32
      %swap3A_1586 = arith.index_cast %swap3A_1585 : i32 to index
      %swap3A_1587 = arith.constant 128 : index
      %swap3A_1588 = tpu.vector_load %arg9[%swap3A_1586, %swap3A_1587] {strides = array<i32>} : memref<2x256xf32, #tpu.memory_space<vmem>>, vector<16xf32>,
      tpu.vector_store %arg9[%swap3A_1586, %swap3A_1587], %unpack3A_1583 {strides = array<i32>} : memref<2x256xf32, #tpu.memory_space<vmem>>, vector<16xf32>,
      %swap3A_1589 = arith.constant 1 : i32
      %swap3A_1590 = arith.index_cast %swap3A_1589 : i32 to index
      %swap3A_1591 = arith.constant 144 : index
      %swap3A_1592 = tpu.vector_load %arg9[%swap3A_1590, %swap3A_1591] {strides = array<i32>} : memref<2x256xf32, #tpu.memory_space<vmem>>, vector<16xf32>,
      tpu.vector_store %arg9[%swap3A_1590, %swap3A_1591], %unpack3A_1584 {strides = array<i32>} : memref<2x256xf32, #tpu.memory_space<vmem>>, vector<16xf32>,
      %get3A_1593 = arith.constant 3 : i32
      %get3A_1594 = arith.constant 5 : i32
      %get3A_1595 = arith.index_cast %get3A_1593 : i32 to index
      %get3A_1596 = arith.index_cast %get3A_1594 : i32 to index
      %get3A_1597 = arith.constant 0 : index
      %get3A_1598 = tpu.vector_load %arg8[%get3A_1595, %get3A_1596, %get3A_1597] {strides = array<i32>} : memref<4x512x32xbf16, #tpu.memory_space<vmem>>, vector<32xbf16>,
      %unpack3A_1599 = tpu.unpack_subelements %get3A_1598, 0 {pack_format = #tpu.pack_format<interleaved>} : vector<32xbf16> -> vector<16xf32>
      %unpack3A_1600 = tpu.unpack_subelements %get3A_1598, 1 {pack_format = #tpu.pack_format<interleaved>} : vector<32xbf16> -> vector<16xf32>
      %swap3A_1601 = arith.constant 1 : i32
      %swap3A_1602 = arith.index_cast %swap3A_1601 : i32 to index
      %swap3A_1603 = arith.constant 160 : index
      %swap3A_1604 = tpu.vector_load %arg9[%swap3A_1602, %swap3A_1603] {strides = array<i32>} : memref<2x256xf32, #tpu.memory_space<vmem>>, vector<16xf32>,
      tpu.vector_store %arg9[%swap3A_1602, %swap3A_1603], %unpack3A_1599 {strides = array<i32>} : memref<2x256xf32, #tpu.memory_space<vmem>>, vector<16xf32>,
      %swap3A_1605 = arith.constant 1 : i32
      %swap3A_1606 = arith.index_cast %swap3A_1605 : i32 to index
      %swap3A_1607 = arith.constant 176 : index
      %swap3A_1608 = tpu.vector_load %arg9[%swap3A_1606, %swap3A_1607] {strides = array<i32>} : memref<2x256xf32, #tpu.memory_space<vmem>>, vector<16xf32>,
      tpu.vector_store %arg9[%swap3A_1606, %swap3A_1607], %unpack3A_1600 {strides = array<i32>} : memref<2x256xf32, #tpu.memory_space<vmem>>, vector<16xf32>,
      %get3A_1609 = arith.constant 3 : i32
      %get3A_1610 = arith.constant 6 : i32
      %get3A_1611 = arith.index_cast %get3A_1609 : i32 to index
      %get3A_1612 = arith.index_cast %get3A_1610 : i32 to index
      %get3A_1613 = arith.constant 0 : index
      %get3A_1614 = tpu.vector_load %arg8[%get3A_1611, %get3A_1612, %get3A_1613] {strides = array<i32>} : memref<4x512x32xbf16, #tpu.memory_space<vmem>>, vector<32xbf16>,
      %unpack3A_1615 = tpu.unpack_subelements %get3A_1614, 0 {pack_format = #tpu.pack_format<interleaved>} : vector<32xbf16> -> vector<16xf32>
      %unpack3A_1616 = tpu.unpack_subelements %get3A_1614, 1 {pack_format = #tpu.pack_format<interleaved>} : vector<32xbf16> -> vector<16xf32>
      %swap3A_1617 = arith.constant 1 : i32
      %swap3A_1618 = arith.index_cast %swap3A_1617 : i32 to index
      %swap3A_1619 = arith.constant 192 : index
      %swap3A_1620 = tpu.vector_load %arg9[%swap3A_1618, %swap3A_1619] {strides = array<i32>} : memref<2x256xf32, #tpu.memory_space<vmem>>, vector<16xf32>,
      tpu.vector_store %arg9[%swap3A_1618, %swap3A_1619], %unpack3A_1615 {strides = array<i32>} : memref<2x256xf32, #tpu.memory_space<vmem>>, vector<16xf32>,
      %swap3A_1621 = arith.constant 1 : i32
      %swap3A_1622 = arith.index_cast %swap3A_1621 : i32 to index
      %swap3A_1623 = arith.constant 208 : index
      %swap3A_1624 = tpu.vector_load %arg9[%swap3A_1622, %swap3A_1623] {strides = array<i32>} : memref<2x256xf32, #tpu.memory_space<vmem>>, vector<16xf32>,
      tpu.vector_store %arg9[%swap3A_1622, %swap3A_1623], %unpack3A_1616 {strides = array<i32>} : memref<2x256xf32, #tpu.memory_space<vmem>>, vector<16xf32>,
      %get3A_1625 = arith.constant 3 : i32
      %get3A_1626 = arith.constant 7 : i32
      %get3A_1627 = arith.index_cast %get3A_1625 : i32 to index
      %get3A_1628 = arith.index_cast %get3A_1626 : i32 to index
      %get3A_1629 = arith.constant 0 : index
      %get3A_1630 = tpu.vector_load %arg8[%get3A_1627, %get3A_1628, %get3A_1629] {strides = array<i32>} : memref<4x512x32xbf16, #tpu.memory_space<vmem>>, vector<32xbf16>,
      %unpack3A_1631 = tpu.unpack_subelements %get3A_1630, 0 {pack_format = #tpu.pack_format<interleaved>} : vector<32xbf16> -> vector<16xf32>
      %unpack3A_1632 = tpu.unpack_subelements %get3A_1630, 1 {pack_format = #tpu.pack_format<interleaved>} : vector<32xbf16> -> vector<16xf32>
      %swap3A_1633 = arith.constant 1 : i32
      %swap3A_1634 = arith.index_cast %swap3A_1633 : i32 to index
      %swap3A_1635 = arith.constant 224 : index
      %swap3A_1636 = tpu.vector_load %arg9[%swap3A_1634, %swap3A_1635] {strides = array<i32>} : memref<2x256xf32, #tpu.memory_space<vmem>>, vector<16xf32>,
      tpu.vector_store %arg9[%swap3A_1634, %swap3A_1635], %unpack3A_1631 {strides = array<i32>} : memref<2x256xf32, #tpu.memory_space<vmem>>, vector<16xf32>,
      %swap3A_1637 = arith.constant 1 : i32
      %swap3A_1638 = arith.index_cast %swap3A_1637 : i32 to index
      %swap3A_1639 = arith.constant 240 : index
      %swap3A_1640 = tpu.vector_load %arg9[%swap3A_1638, %swap3A_1639] {strides = array<i32>} : memref<2x256xf32, #tpu.memory_space<vmem>>, vector<16xf32>,
      tpu.vector_store %arg9[%swap3A_1638, %swap3A_1639], %unpack3A_1632 {strides = array<i32>} : memref<2x256xf32, #tpu.memory_space<vmem>>, vector<16xf32>,
      %dma_start3A_1641 = arith.constant 1 : i32
      %dma_start3A_1642 = arith.constant 0 : i32
      %dma_start3A_1643 = tpu.memref_slice %arg9[%dma_start3A_1641, %dma_start3A_1642] : memref<2x256xf32, #tpu.memory_space<vmem>> -> memref<1x256xf32, #tpu.memory_space<vmem>>
      %dma_start3A_1644 = tpu.memref_squeeze %dma_start3A_1643 : memref<1x256xf32, #tpu.memory_space<vmem>> -> memref<256xf32, #tpu.memory_space<vmem>>
      %dma_start3A_1645 = arith.constant 0 : i32
      %dma_start3A_1646 = tpu.memref_slice %arg5[%add3A_1512, %dma_start3A_1645] : memref<21760x256xf32, #tpu.memory_space<hbm>> -> memref<1x256xf32, #tpu.memory_space<hbm>>
      %dma_start3A_1647 = tpu.memref_squeeze %dma_start3A_1646 : memref<1x256xf32, #tpu.memory_space<hbm>> -> memref<256xf32, #tpu.memory_space<hbm>>
      %dma_start3A_1648 = arith.constant 0 : i32
      %dma_start3A_1649 = tpu.memref_slice %arg5[%add3A_1512, %dma_start3A_1648] : memref<21760x256xf32, #tpu.memory_space<hbm>> -> memref<1x256xf32, #tpu.memory_space<hbm>>
      %dma_start3A_1650 = tpu.memref_squeeze %dma_start3A_1649 : memref<1x256xf32, #tpu.memory_space<hbm>> -> memref<256xf32, #tpu.memory_space<hbm>>
      %dma_start3A_1651 = arith.constant 0 : i32
      %dma_start3A_1652 = tpu.memref_slice %arg9[%dma_start3A_1641, %dma_start3A_1651] : memref<2x256xf32, #tpu.memory_space<vmem>> -> memref<1x256xf32, #tpu.memory_space<vmem>>
      %dma_start3A_1653 = tpu.memref_squeeze %dma_start3A_1652 : memref<1x256xf32, #tpu.memory_space<vmem>> -> memref<256xf32, #tpu.memory_space<vmem>>
      tpu.enqueue_dma source(%dma_start3A_1653 : memref<256xf32, #tpu.memory_space<vmem>>) target(%dma_start3A_1650 : memref<256xf32, #tpu.memory_space<hbm>>) target_semaphore(%arg19 : memref<!tpu.dma_semaphore, #tpu.memory_space<semaphore_mem>>)
    }
    %scan3A_191 = arith.constant 170 : i32
    %dma_wait3A_192 = arith.constant 0 : i32
    %dma_wait3A_193 = arith.constant 0 : i32
    %dma_wait3A_194 = arith.constant 0 : i32
    %dma_wait3A_195 = arith.constant 0 : i32
    %dma_wait3A_196 = arith.constant 0 : i32
    %dma_wait3A_197 = tpu.memref_slice %arg8[%dma_wait3A_194, %dma_wait3A_195, %dma_wait3A_196] : memref<4x512x32xbf16, #tpu.memory_space<vmem>> -> memref<1x128x32xbf16, #tpu.memory_space<vmem>>
    %dma_wait3A_198 = tpu.memref_squeeze %dma_wait3A_197 : memref<1x128x32xbf16, #tpu.memory_space<vmem>> -> memref<128x32xbf16, #tpu.memory_space<vmem>>
    %dma_wait3A_199 = arith.constant 0 : i32
    %dma_wait3A_200 = tpu.memref_slice %arg6[%dma_wait3A_192, %dma_wait3A_193, %dma_wait3A_199] : memref<4x4x128xi32, #tpu.memory_space<vmem>> -> memref<1x1x128xi32, #tpu.memory_space<vmem>>
    %dma_wait3A_201 = tpu.memref_squeeze %dma_wait3A_200 : memref<1x1x128xi32, #tpu.memory_space<vmem>> -> memref<128xi32, #tpu.memory_space<vmem>>
    %dma_wait3A_202 = arith.constant 0 : i32
    %dma_wait3A_203 = arith.constant 0 : i32
    %dma_wait3A_204 = tpu.memref_slice %arg2[%dma_wait3A_202, %dma_wait3A_203] : memref<174080x32xbf16, #tpu.memory_space<hbm>> -> memref<174080x32xbf16, #tpu.memory_space<hbm>>
    tpu.wait_indirect_dma semaphore(%arg10 : memref<!tpu.dma_semaphore, #tpu.memory_space<semaphore_mem>>) src(%dma_wait3A_204 : memref<174080x32xbf16, #tpu.memory_space<hbm>>) dst(%dma_wait3A_198 : memref<128x32xbf16, #tpu.memory_space<vmem>>)
    %dma_wait3A_205 = arith.constant 0 : i32
    %dma_wait3A_206 = arith.constant 1 : i32
    %dma_wait3A_207 = arith.constant 0 : i32
    %dma_wait3A_208 = arith.constant 128 : i32
    %dma_wait3A_209 = arith.constant 0 : i32
    %dma_wait3A_210 = tpu.memref_slice %arg8[%dma_wait3A_207, %dma_wait3A_208, %dma_wait3A_209] : memref<4x512x32xbf16, #tpu.memory_space<vmem>> -> memref<1x128x32xbf16, #tpu.memory_space<vmem>>
    %dma_wait3A_211 = tpu.memref_squeeze %dma_wait3A_210 : memref<1x128x32xbf16, #tpu.memory_space<vmem>> -> memref<128x32xbf16, #tpu.memory_space<vmem>>
    %dma_wait3A_212 = arith.constant 0 : i32
    %dma_wait3A_213 = tpu.memref_slice %arg6[%dma_wait3A_205, %dma_wait3A_206, %dma_wait3A_212] : memref<4x4x128xi32, #tpu.memory_space<vmem>> -> memref<1x1x128xi32, #tpu.memory_space<vmem>>
    %dma_wait3A_214 = tpu.memref_squeeze %dma_wait3A_213 : memref<1x1x128xi32, #tpu.memory_space<vmem>> -> memref<128xi32, #tpu.memory_space<vmem>>
    %dma_wait3A_215 = arith.constant 0 : i32
    %dma_wait3A_216 = arith.constant 0 : i32
    %dma_wait3A_217 = tpu.memref_slice %arg2[%dma_wait3A_215, %dma_wait3A_216] : memref<174080x32xbf16, #tpu.memory_space<hbm>> -> memref<174080x32xbf16, #tpu.memory_space<hbm>>
    tpu.wait_indirect_dma semaphore(%arg10 : memref<!tpu.dma_semaphore, #tpu.memory_space<semaphore_mem>>) src(%dma_wait3A_217 : memref<174080x32xbf16, #tpu.memory_space<hbm>>) dst(%dma_wait3A_211 : memref<128x32xbf16, #tpu.memory_space<vmem>>)
    %dma_wait3A_218 = arith.constant 0 : i32
    %dma_wait3A_219 = arith.constant 2 : i32
    %dma_wait3A_220 = arith.constant 0 : i32
    %dma_wait3A_221 = arith.constant 256 : i32
    %dma_wait3A_222 = arith.constant 0 : i32
    %dma_wait3A_223 = tpu.memref_slice %arg8[%dma_wait3A_220, %dma_wait3A_221, %dma_wait3A_222] : memref<4x512x32xbf16, #tpu.memory_space<vmem>> -> memref<1x128x32xbf16, #tpu.memory_space<vmem>>
    %dma_wait3A_224 = tpu.memref_squeeze %dma_wait3A_223 : memref<1x128x32xbf16, #tpu.memory_space<vmem>> -> memref<128x32xbf16, #tpu.memory_space<vmem>>
    %dma_wait3A_225 = arith.constant 0 : i32
    %dma_wait3A_226 = tpu.memref_slice %arg6[%dma_wait3A_218, %dma_wait3A_219, %dma_wait3A_225] : memref<4x4x128xi32, #tpu.memory_space<vmem>> -> memref<1x1x128xi32, #tpu.memory_space<vmem>>
    %dma_wait3A_227 = tpu.memref_squeeze %dma_wait3A_226 : memref<1x1x128xi32, #tpu.memory_space<vmem>> -> memref<128xi32, #tpu.memory_space<vmem>>
    %dma_wait3A_228 = arith.constant 0 : i32
    %dma_wait3A_229 = arith.constant 0 : i32
    %dma_wait3A_230 = tpu.memref_slice %arg2[%dma_wait3A_228, %dma_wait3A_229] : memref<174080x32xbf16, #tpu.memory_space<hbm>> -> memref<174080x32xbf16, #tpu.memory_space<hbm>>
    tpu.wait_indirect_dma semaphore(%arg10 : memref<!tpu.dma_semaphore, #tpu.memory_space<semaphore_mem>>) src(%dma_wait3A_230 : memref<174080x32xbf16, #tpu.memory_space<hbm>>) dst(%dma_wait3A_224 : memref<128x32xbf16, #tpu.memory_space<vmem>>)
    %dma_wait3A_231 = arith.constant 0 : i32
    %dma_wait3A_232 = arith.constant 3 : i32
    %dma_wait3A_233 = arith.constant 0 : i32
    %dma_wait3A_234 = arith.constant 384 : i32
    %dma_wait3A_235 = arith.constant 0 : i32
    %dma_wait3A_236 = tpu.memref_slice %arg8[%dma_wait3A_233, %dma_wait3A_234, %dma_wait3A_235] : memref<4x512x32xbf16, #tpu.memory_space<vmem>> -> memref<1x128x32xbf16, #tpu.memory_space<vmem>>
    %dma_wait3A_237 = tpu.memref_squeeze %dma_wait3A_236 : memref<1x128x32xbf16, #tpu.memory_space<vmem>> -> memref<128x32xbf16, #tpu.memory_space<vmem>>
    %dma_wait3A_238 = arith.constant 0 : i32
    %dma_wait3A_239 = tpu.memref_slice %arg6[%dma_wait3A_231, %dma_wait3A_232, %dma_wait3A_238] : memref<4x4x128xi32, #tpu.memory_space<vmem>> -> memref<1x1x128xi32, #tpu.memory_space<vmem>>
    %dma_wait3A_240 = tpu.memref_squeeze %dma_wait3A_239 : memref<1x1x128xi32, #tpu.memory_space<vmem>> -> memref<128xi32, #tpu.memory_space<vmem>>
    %dma_wait3A_241 = arith.constant 0 : i32
    %dma_wait3A_242 = arith.constant 0 : i32
    %dma_wait3A_243 = tpu.memref_slice %arg2[%dma_wait3A_241, %dma_wait3A_242] : memref<174080x32xbf16, #tpu.memory_space<hbm>> -> memref<174080x32xbf16, #tpu.memory_space<hbm>>
    tpu.wait_indirect_dma semaphore(%arg10 : memref<!tpu.dma_semaphore, #tpu.memory_space<semaphore_mem>>) src(%dma_wait3A_243 : memref<174080x32xbf16, #tpu.memory_space<hbm>>) dst(%dma_wait3A_237 : memref<128x32xbf16, #tpu.memory_space<vmem>>)
    %add3A_244 = arith.constant 681 : i32
    %add3A_245 = arith.addi %mul3A_2, %add3A_244 : i32
    %min3A_246 = arith.constant 21759 : i32
    %min3A_247 = arith.minsi %add3A_245, %min3A_246 : i32
    %dma_wait3A_248 = arith.constant 1 : i32
    %dma_wait3A_249 = arith.constant 0 : i32
    %dma_wait3A_250 = arith.constant 0 : i32
    %dma_wait3A_251 = tpu.memref_slice %arg6[%dma_wait3A_248, %dma_wait3A_249, %dma_wait3A_250] : memref<4x4x128xi32, #tpu.memory_space<vmem>> -> memref<1x4x128xi32, #tpu.memory_space<vmem>>
    %dma_wait3A_252 = tpu.memref_squeeze %dma_wait3A_251 : memref<1x4x128xi32, #tpu.memory_space<vmem>> -> memref<4x128xi32, #tpu.memory_space<vmem>>
    %dma_wait3A_253 = arith.constant 0 : i32
    %dma_wait3A_254 = arith.constant 0 : i32
    %dma_wait3A_255 = tpu.memref_slice %arg3[%min3A_247, %dma_wait3A_253, %dma_wait3A_254] : memref<21760x4x128xi32, #tpu.memory_space<hbm>> -> memref<1x4x128xi32, #tpu.memory_space<hbm>>
    %dma_wait3A_256 = tpu.memref_squeeze %dma_wait3A_255 : memref<1x4x128xi32, #tpu.memory_space<hbm>> -> memref<4x128xi32, #tpu.memory_space<hbm>>
    %dma_wait3A_257 = arith.constant 0 : i32
    %dma_wait3A_258 = arith.constant 0 : i32
    %dma_wait3A_259 = tpu.memref_slice %arg6[%dma_wait3A_248, %dma_wait3A_257, %dma_wait3A_258] : memref<4x4x128xi32, #tpu.memory_space<vmem>> -> memref<1x4x128xi32, #tpu.memory_space<vmem>>
    %dma_wait3A_260 = tpu.memref_squeeze %dma_wait3A_259 : memref<1x4x128xi32, #tpu.memory_space<vmem>> -> memref<4x128xi32, #tpu.memory_space<vmem>>
    %dma_wait3A_261 = arith.constant 0 : i32
    %dma_wait3A_262 = arith.constant 0 : i32
    %dma_wait3A_263 = tpu.memref_slice %arg3[%min3A_247, %dma_wait3A_261, %dma_wait3A_262] : memref<21760x4x128xi32, #tpu.memory_space<hbm>> -> memref<1x4x128xi32, #tpu.memory_space<hbm>>
    %dma_wait3A_264 = tpu.memref_squeeze %dma_wait3A_263 : memref<1x4x128xi32, #tpu.memory_space<hbm>> -> memref<4x128xi32, #tpu.memory_space<hbm>>
    tpu.wait_dma2 semaphore(%arg15 : memref<!tpu.dma_semaphore, #tpu.memory_space<semaphore_mem>>) src(%dma_wait3A_264 : memref<4x128xi32, #tpu.memory_space<hbm>>) dst(%dma_wait3A_260 : memref<4x128xi32, #tpu.memory_space<vmem>>)
    %dma_wait3A_265 = arith.constant 1 : i32
    %dma_wait3A_266 = arith.constant 0 : i32
    %dma_wait3A_267 = tpu.memref_slice %arg7[%dma_wait3A_265, %dma_wait3A_266] : memref<4x512xf32, #tpu.memory_space<vmem>> -> memref<1x512xf32, #tpu.memory_space<vmem>>
    %dma_wait3A_268 = tpu.memref_squeeze %dma_wait3A_267 : memref<1x512xf32, #tpu.memory_space<vmem>> -> memref<512xf32, #tpu.memory_space<vmem>>
    %dma_wait3A_269 = arith.constant 0 : i32
    %dma_wait3A_270 = tpu.memref_slice %arg4[%min3A_247, %dma_wait3A_269] : memref<21760x512xf32, #tpu.memory_space<hbm>> -> memref<1x512xf32, #tpu.memory_space<hbm>>
    %dma_wait3A_271 = tpu.memref_squeeze %dma_wait3A_270 : memref<1x512xf32, #tpu.memory_space<hbm>> -> memref<512xf32, #tpu.memory_space<hbm>>
    %dma_wait3A_272 = arith.constant 0 : i32
    %dma_wait3A_273 = tpu.memref_slice %arg7[%dma_wait3A_265, %dma_wait3A_272] : memref<4x512xf32, #tpu.memory_space<vmem>> -> memref<1x512xf32, #tpu.memory_space<vmem>>
    %dma_wait3A_274 = tpu.memref_squeeze %dma_wait3A_273 : memref<1x512xf32, #tpu.memory_space<vmem>> -> memref<512xf32, #tpu.memory_space<vmem>>
    %dma_wait3A_275 = arith.constant 0 : i32
    %dma_wait3A_276 = tpu.memref_slice %arg4[%min3A_247, %dma_wait3A_275] : memref<21760x512xf32, #tpu.memory_space<hbm>> -> memref<1x512xf32, #tpu.memory_space<hbm>>
    %dma_wait3A_277 = tpu.memref_squeeze %dma_wait3A_276 : memref<1x512xf32, #tpu.memory_space<hbm>> -> memref<512xf32, #tpu.memory_space<hbm>>
    tpu.wait_dma2 semaphore(%arg15 : memref<!tpu.dma_semaphore, #tpu.memory_space<semaphore_mem>>) src(%dma_wait3A_277 : memref<512xf32, #tpu.memory_space<hbm>>) dst(%dma_wait3A_274 : memref<512xf32, #tpu.memory_space<vmem>>)
    %add3A_278 = arith.constant 682 : i32
    %add3A_279 = arith.addi %mul3A_2, %add3A_278 : i32
    %min3A_280 = arith.constant 21759 : i32
    %min3A_281 = arith.minsi %add3A_279, %min3A_280 : i32
    %dma_wait3A_282 = arith.constant 2 : i32
    %dma_wait3A_283 = arith.constant 0 : i32
    %dma_wait3A_284 = arith.constant 0 : i32
    %dma_wait3A_285 = tpu.memref_slice %arg6[%dma_wait3A_282, %dma_wait3A_283, %dma_wait3A_284] : memref<4x4x128xi32, #tpu.memory_space<vmem>> -> memref<1x4x128xi32, #tpu.memory_space<vmem>>
    %dma_wait3A_286 = tpu.memref_squeeze %dma_wait3A_285 : memref<1x4x128xi32, #tpu.memory_space<vmem>> -> memref<4x128xi32, #tpu.memory_space<vmem>>
    %dma_wait3A_287 = arith.constant 0 : i32
    %dma_wait3A_288 = arith.constant 0 : i32
    %dma_wait3A_289 = tpu.memref_slice %arg3[%min3A_281, %dma_wait3A_287, %dma_wait3A_288] : memref<21760x4x128xi32, #tpu.memory_space<hbm>> -> memref<1x4x128xi32, #tpu.memory_space<hbm>>
    %dma_wait3A_290 = tpu.memref_squeeze %dma_wait3A_289 : memref<1x4x128xi32, #tpu.memory_space<hbm>> -> memref<4x128xi32, #tpu.memory_space<hbm>>
    %dma_wait3A_291 = arith.constant 0 : i32
    %dma_wait3A_292 = arith.constant 0 : i32
    %dma_wait3A_293 = tpu.memref_slice %arg6[%dma_wait3A_282, %dma_wait3A_291, %dma_wait3A_292] : memref<4x4x128xi32, #tpu.memory_space<vmem>> -> memref<1x4x128xi32, #tpu.memory_space<vmem>>
    %dma_wait3A_294 = tpu.memref_squeeze %dma_wait3A_293 : memref<1x4x128xi32, #tpu.memory_space<vmem>> -> memref<4x128xi32, #tpu.memory_space<vmem>>
    %dma_wait3A_295 = arith.constant 0 : i32
    %dma_wait3A_296 = arith.constant 0 : i32
    %dma_wait3A_297 = tpu.memref_slice %arg3[%min3A_281, %dma_wait3A_295, %dma_wait3A_296] : memref<21760x4x128xi32, #tpu.memory_space<hbm>> -> memref<1x4x128xi32, #tpu.memory_space<hbm>>
    %dma_wait3A_298 = tpu.memref_squeeze %dma_wait3A_297 : memref<1x4x128xi32, #tpu.memory_space<hbm>> -> memref<4x128xi32, #tpu.memory_space<hbm>>
    tpu.wait_dma2 semaphore(%arg16 : memref<!tpu.dma_semaphore, #tpu.memory_space<semaphore_mem>>) src(%dma_wait3A_298 : memref<4x128xi32, #tpu.memory_space<hbm>>) dst(%dma_wait3A_294 : memref<4x128xi32, #tpu.memory_space<vmem>>)
    %dma_wait3A_299 = arith.constant 2 : i32
    %dma_wait3A_300 = arith.constant 0 : i32
    %dma_wait3A_301 = tpu.memref_slice %arg7[%dma_wait3A_299, %dma_wait3A_300] : memref<4x512xf32, #tpu.memory_space<vmem>> -> memref<1x512xf32, #tpu.memory_space<vmem>>
    %dma_wait3A_302 = tpu.memref_squeeze %dma_wait3A_301 : memref<1x512xf32, #tpu.memory_space<vmem>> -> memref<512xf32, #tpu.memory_space<vmem>>
    %dma_wait3A_303 = arith.constant 0 : i32
    %dma_wait3A_304 = tpu.memref_slice %arg4[%min3A_281, %dma_wait3A_303] : memref<21760x512xf32, #tpu.memory_space<hbm>> -> memref<1x512xf32, #tpu.memory_space<hbm>>
    %dma_wait3A_305 = tpu.memref_squeeze %dma_wait3A_304 : memref<1x512xf32, #tpu.memory_space<hbm>> -> memref<512xf32, #tpu.memory_space<hbm>>
    %dma_wait3A_306 = arith.constant 0 : i32
    %dma_wait3A_307 = tpu.memref_slice %arg7[%dma_wait3A_299, %dma_wait3A_306] : memref<4x512xf32, #tpu.memory_space<vmem>> -> memref<1x512xf32, #tpu.memory_space<vmem>>
    %dma_wait3A_308 = tpu.memref_squeeze %dma_wait3A_307 : memref<1x512xf32, #tpu.memory_space<vmem>> -> memref<512xf32, #tpu.memory_space<vmem>>
    %dma_wait3A_309 = arith.constant 0 : i32
    %dma_wait3A_310 = tpu.memref_slice %arg4[%min3A_281, %dma_wait3A_309] : memref<21760x512xf32, #tpu.memory_space<hbm>> -> memref<1x512xf32, #tpu.memory_space<hbm>>
    %dma_wait3A_311 = tpu.memref_squeeze %dma_wait3A_310 : memref<1x512xf32, #tpu.memory_space<hbm>> -> memref<512xf32, #tpu.memory_space<hbm>>
    tpu.wait_dma2 semaphore(%arg16 : memref<!tpu.dma_semaphore, #tpu.memory_space<semaphore_mem>>) src(%dma_wait3A_311 : memref<512xf32, #tpu.memory_space<hbm>>) dst(%dma_wait3A_308 : memref<512xf32, #tpu.memory_space<vmem>>)
    %add3A_312 = arith.constant 678 : i32
    %add3A_313 = arith.addi %mul3A_2, %add3A_312 : i32
    %dma_wait3A_314 = arith.constant 0 : i32
    %dma_wait3A_315 = arith.constant 0 : i32
    %dma_wait3A_316 = tpu.memref_slice %arg9[%dma_wait3A_314, %dma_wait3A_315] : memref<2x256xf32, #tpu.memory_space<vmem>> -> memref<1x256xf32, #tpu.memory_space<vmem>>
    %dma_wait3A_317 = tpu.memref_squeeze %dma_wait3A_316 : memref<1x256xf32, #tpu.memory_space<vmem>> -> memref<256xf32, #tpu.memory_space<vmem>>
    %dma_wait3A_318 = arith.constant 0 : i32
    %dma_wait3A_319 = tpu.memref_slice %arg5[%add3A_313, %dma_wait3A_318] : memref<21760x256xf32, #tpu.memory_space<hbm>> -> memref<1x256xf32, #tpu.memory_space<hbm>>
    %dma_wait3A_320 = tpu.memref_squeeze %dma_wait3A_319 : memref<1x256xf32, #tpu.memory_space<hbm>> -> memref<256xf32, #tpu.memory_space<hbm>>
    %dma_wait3A_321 = arith.constant 0 : i32
    %dma_wait3A_322 = tpu.memref_slice %arg5[%add3A_313, %dma_wait3A_321] : memref<21760x256xf32, #tpu.memory_space<hbm>> -> memref<1x256xf32, #tpu.memory_space<hbm>>
    %dma_wait3A_323 = tpu.memref_squeeze %dma_wait3A_322 : memref<1x256xf32, #tpu.memory_space<hbm>> -> memref<256xf32, #tpu.memory_space<hbm>>
    %dma_wait3A_324 = arith.constant 0 : i32
    %dma_wait3A_325 = tpu.memref_slice %arg9[%dma_wait3A_314, %dma_wait3A_324] : memref<2x256xf32, #tpu.memory_space<vmem>> -> memref<1x256xf32, #tpu.memory_space<vmem>>
    %dma_wait3A_326 = tpu.memref_squeeze %dma_wait3A_325 : memref<1x256xf32, #tpu.memory_space<vmem>> -> memref<256xf32, #tpu.memory_space<vmem>>
    tpu.wait_dma2 semaphore(%arg18 : memref<!tpu.dma_semaphore, #tpu.memory_space<semaphore_mem>>) src(%dma_wait3A_326 : memref<256xf32, #tpu.memory_space<vmem>>) dst(%dma_wait3A_323 : memref<256xf32, #tpu.memory_space<hbm>>)
    %add3A_327 = arith.constant 679 : i32
    %add3A_328 = arith.addi %mul3A_2, %add3A_327 : i32
    %dma_wait3A_329 = arith.constant 1 : i32
    %dma_wait3A_330 = arith.constant 0 : i32
    %dma_wait3A_331 = tpu.memref_slice %arg9[%dma_wait3A_329, %dma_wait3A_330] : memref<2x256xf32, #tpu.memory_space<vmem>> -> memref<1x256xf32, #tpu.memory_space<vmem>>
    %dma_wait3A_332 = tpu.memref_squeeze %dma_wait3A_331 : memref<1x256xf32, #tpu.memory_space<vmem>> -> memref<256xf32, #tpu.memory_space<vmem>>
    %dma_wait3A_333 = arith.constant 0 : i32
    %dma_wait3A_334 = tpu.memref_slice %arg5[%add3A_328, %dma_wait3A_333] : memref<21760x256xf32, #tpu.memory_space<hbm>> -> memref<1x256xf32, #tpu.memory_space<hbm>>
    %dma_wait3A_335 = tpu.memref_squeeze %dma_wait3A_334 : memref<1x256xf32, #tpu.memory_space<hbm>> -> memref<256xf32, #tpu.memory_space<hbm>>
    %dma_wait3A_336 = arith.constant 0 : i32
    %dma_wait3A_337 = tpu.memref_slice %arg5[%add3A_328, %dma_wait3A_336] : memref<21760x256xf32, #tpu.memory_space<hbm>> -> memref<1x256xf32, #tpu.memory_space<hbm>>
    %dma_wait3A_338 = tpu.memref_squeeze %dma_wait3A_337 : memref<1x256xf32, #tpu.memory_space<hbm>> -> memref<256xf32, #tpu.memory_space<hbm>>
    %dma_wait3A_339 = arith.constant 0 : i32
    %dma_wait3A_340 = tpu.memref_slice %arg9[%dma_wait3A_329, %dma_wait3A_339] : memref<2x256xf32, #tpu.memory_space<vmem>> -> memref<1x256xf32, #tpu.memory_space<vmem>>
    %dma_wait3A_341 = tpu.memref_squeeze %dma_wait3A_340 : memref<1x256xf32, #tpu.memory_space<vmem>> -> memref<256xf32, #tpu.memory_space<vmem>>
    tpu.wait_dma2 semaphore(%arg19 : memref<!tpu.dma_semaphore, #tpu.memory_space<semaphore_mem>>) src(%dma_wait3A_341 : memref<256xf32, #tpu.memory_space<vmem>>) dst(%dma_wait3A_338 : memref<256xf32, #tpu.memory_space<hbm>>)
    return
  }
}

module attributes {stable_mosaic.version = 14 : i64} {
  func.func @_samp_body(%arg0: i32, %arg1: i32, %arg2: memref<1x680x256xf32, #tpu.memory_space<vmem>>, %arg3: memref<1x680x8xf32, #tpu.memory_space<vmem>>, %arg4: memref<256x384xf32, #tpu.memory_space<vmem>>, %arg5: memref<1x384xf32, #tpu.memory_space<vmem>>, %arg6: memref<128x128xf32, #tpu.memory_space<vmem>>, %arg7: memref<8x128xf32, #tpu.memory_space<vmem>>, %arg8: memref<8x128xf32, #tpu.memory_space<vmem>>, %arg9: memref<8x128xf32, #tpu.memory_space<vmem>>, %arg10: memref<1x680x512xi32, #tpu.memory_space<vmem>>, %arg11: memref<1x680x512xf32, #tpu.memory_space<vmem>>, %arg12: memref<1x680x128xf32, #tpu.memory_space<vmem>>) attributes {dimension_semantics = [#tpu.dimension_semantics<arbitrary>, #tpu.dimension_semantics<arbitrary>], iteration_bounds = array<i64: 4, 8>, scalar_prefetch = 0 : i64, scratch_operands = 0 : i64, tpu.core_type = #tpu.core_type<tc>, window_params = [{transform_indices = @transform_0, window_bounds = array<i64: 1, 680, 256>}, {transform_indices = @transform_1, window_bounds = array<i64: 1, 680, 8>}, {pipeline_mode = #tpu.pipeline_mode<synchronous>, transform_indices = @transform_2, window_bounds = array<i64: 256, 384>}, {pipeline_mode = #tpu.pipeline_mode<synchronous>, transform_indices = @transform_3, window_bounds = array<i64: 1, 384>}, {pipeline_mode = #tpu.pipeline_mode<synchronous>, transform_indices = @transform_4, window_bounds = array<i64: 128, 128>}, {pipeline_mode = #tpu.pipeline_mode<synchronous>, transform_indices = @transform_5, window_bounds = array<i64: 8, 128>}, {pipeline_mode = #tpu.pipeline_mode<synchronous>, transform_indices = @transform_6, window_bounds = array<i64: 8, 128>}, {pipeline_mode = #tpu.pipeline_mode<synchronous>, transform_indices = @transform_7, window_bounds = array<i64: 8, 128>}, {transform_indices = @transform_8, window_bounds = array<i64: 1, 680, 512>}, {transform_indices = @transform_9, window_bounds = array<i64: 1, 680, 512>}, {transform_indices = @transform_10, window_bounds = array<i64: 1, 680, 128>}]} {
    %get3A = arith.constant 0 : index
    %get3A_0 = arith.constant 0 : index
    %get3A_1 = arith.constant 0 : index
    %get3A_2 = vector.load %arg2[%get3A, %get3A_0, %get3A_1] : memref<1x680x256xf32, #tpu.memory_space<vmem>>, vector<1x680x256xf32>
    %get3A_3 = vector.shape_cast %get3A_2 : vector<1x680x256xf32> to vector<680x256xf32>
    %get3A_4 = arith.constant 0 : index
    %get3A_5 = arith.constant 0 : index
    %get3A_6 = vector.load %arg4[%get3A_4, %get3A_5] : memref<256x384xf32, #tpu.memory_space<vmem>>, vector<256x384xf32>
    %dot_general3A = arith.constant dense<0.000000e+00> : vector<680x384xf32>
    %dot_general3A_7 = tpu.matmul %get3A_3, %get3A_6, %dot_general3A {dimension_numbers = #tpu.dot_dimension_numbers<[1], [0], [0], [1], [0, 0, 1, 1], [], []>, precision = #tpu.contract_precision<fp32>, transpose_lhs_hint = false} : vector<680x256xf32>, vector<256x384xf32>, vector<680x384xf32> -> vector<680x384xf32>
    %get3A_8 = arith.constant 0 : index
    %get3A_9 = arith.constant 0 : index
    %get3A_10 = vector.load %arg5[%get3A_8, %get3A_9] : memref<1x384xf32, #tpu.memory_space<vmem>>, vector<1x384xf32>
    %add3A = vector.broadcast %get3A_10 : vector<1x384xf32> to vector<680x384xf32>
    %add3A_11 = arith.addf %dot_general3A_7, %add3A : vector<680x384xf32>
    %slice3A = vector.extract_strided_slice %add3A_11 {offsets = [0, 0], sizes = [680, 128], strides = [1, 1]} : vector<680x384xf32> to vector<680x128xf32>
    %slice3A_12 = vector.extract_strided_slice %add3A_11 {offsets = [0, 128], sizes = [680, 128], strides = [1, 1]} : vector<680x384xf32> to vector<680x128xf32>
    %slice3A_13 = vector.extract_strided_slice %add3A_11 {offsets = [0, 256], sizes = [680, 128], strides = [1, 1]} : vector<680x384xf32> to vector<680x128xf32>
    %exp3A = math.exp %slice3A_13 : vector<680x128xf32>
    %get3A_14 = arith.constant 0 : index
    %get3A_15 = arith.constant 0 : index
    %get3A_16 = vector.load %arg6[%get3A_14, %get3A_15] : memref<128x128xf32, #tpu.memory_space<vmem>>, vector<128x128xf32>
    %dot_general3A_17 = arith.constant dense<0.000000e+00> : vector<680x128xf32>
    %dot_general3A_18 = tpu.matmul %exp3A, %get3A_16, %dot_general3A_17 {dimension_numbers = #tpu.dot_dimension_numbers<[1], [0], [0], [1], [0, 0, 1, 1], [], []>, precision = #tpu.contract_precision<fp32>, transpose_lhs_hint = false} : vector<680x128xf32>, vector<128x128xf32>, vector<680x128xf32> -> vector<680x128xf32>
    %div3A = arith.divf %exp3A, %dot_general3A_18 : vector<680x128xf32>
    %swap3A = arith.constant 0 : index
    %swap3A_19 = arith.constant 0 : index
    %swap3A_20 = arith.constant 0 : index
    %swap3A_21 = vector.load %arg12[%swap3A, %swap3A_19, %swap3A_20] : memref<1x680x128xf32, #tpu.memory_space<vmem>>, vector<1x680x128xf32>
    %swap3A_22 = vector.shape_cast %swap3A_21 : vector<1x680x128xf32> to vector<680x128xf32>
    %swap3A_23 = vector.shape_cast %div3A : vector<680x128xf32> to vector<1x680x128xf32>
    tpu.vector_store %arg12[%swap3A, %swap3A_19, %swap3A_20], %swap3A_23 {strides = array<i32>} : memref<1x680x128xf32, #tpu.memory_space<vmem>>, vector<1x680x128xf32>,
    %get3A_24 = arith.constant 0 : index
    %get3A_25 = arith.constant 0 : index
    %get3A_26 = arith.constant 0 : index
    %get3A_27 = vector.load %arg3[%get3A_24, %get3A_25, %get3A_26] : memref<1x680x8xf32, #tpu.memory_space<vmem>>, vector<1x680x8xf32>
    %get3A_28 = vector.shape_cast %get3A_27 : vector<1x680x8xf32> to vector<680x8xf32>
    %get3A_29 = arith.constant 0 : index
    %get3A_30 = arith.constant 0 : index
    %get3A_31 = vector.load %arg7[%get3A_29, %get3A_30] : memref<8x128xf32, #tpu.memory_space<vmem>>, vector<8x128xf32>
    %dot_general3A_32 = arith.constant dense<0.000000e+00> : vector<680x128xf32>
    %dot_general3A_33 = tpu.matmul %get3A_28, %get3A_31, %dot_general3A_32 {dimension_numbers = #tpu.dot_dimension_numbers<[1], [0], [0], [1], [0, 0, 1, 1], [], []>, precision = #tpu.contract_precision<fp32>, transpose_lhs_hint = false} : vector<680x8xf32>, vector<8x128xf32>, vector<680x128xf32> -> vector<680x128xf32>
    %add3A_34 = arith.addf %dot_general3A_33, %slice3A : vector<680x128xf32>
    %sub3A = arith.constant 5.000000e-01 : f32
    %sub3A_35 = vector.broadcast %sub3A : f32 to vector<680x128xf32>
    %sub3A_36 = arith.subf %add3A_34, %sub3A_35 : vector<680x128xf32>
    %get3A_37 = arith.constant 0 : index
    %get3A_38 = arith.constant 0 : index
    %get3A_39 = vector.load %arg8[%get3A_37, %get3A_38] : memref<8x128xf32, #tpu.memory_space<vmem>>, vector<8x128xf32>
    %dot_general3A_40 = arith.constant dense<0.000000e+00> : vector<680x128xf32>
    %dot_general3A_41 = tpu.matmul %get3A_28, %get3A_39, %dot_general3A_40 {dimension_numbers = #tpu.dot_dimension_numbers<[1], [0], [0], [1], [0, 0, 1, 1], [], []>, precision = #tpu.contract_precision<fp32>, transpose_lhs_hint = false} : vector<680x8xf32>, vector<8x128xf32>, vector<680x128xf32> -> vector<680x128xf32>
    %add3A_42 = arith.addf %dot_general3A_41, %slice3A_12 : vector<680x128xf32>
    %sub3A_43 = arith.constant 5.000000e-01 : f32
    %sub3A_44 = vector.broadcast %sub3A_43 : f32 to vector<680x128xf32>
    %sub3A_45 = arith.subf %add3A_42, %sub3A_44 : vector<680x128xf32>
    %floor3A = math.floor %sub3A_36 : vector<680x128xf32>
    %floor3A_46 = math.floor %sub3A_45 : vector<680x128xf32>
    %sub3A_47 = arith.subf %sub3A_36, %floor3A : vector<680x128xf32>
    %sub3A_48 = arith.subf %sub3A_45, %floor3A_46 : vector<680x128xf32>
    %get3A_49 = arith.constant 0 : index
    %get3A_50 = arith.constant 0 : index
    %get3A_51 = vector.load %arg9[%get3A_49, %get3A_50] : memref<8x128xf32, #tpu.memory_space<vmem>>, vector<1x128xf32>
    %get3A_52 = arith.constant 1 : index
    %get3A_53 = arith.constant 0 : index
    %get3A_54 = vector.load %arg9[%get3A_52, %get3A_53] : memref<8x128xf32, #tpu.memory_space<vmem>>, vector<1x128xf32>
    %get3A_55 = arith.constant 2 : index
    %get3A_56 = arith.constant 0 : index
    %get3A_57 = vector.load %arg9[%get3A_55, %get3A_56] : memref<8x128xf32, #tpu.memory_space<vmem>>, vector<1x128xf32>
    %get3A_58 = arith.constant 3 : index
    %get3A_59 = arith.constant 0 : index
    %get3A_60 = vector.load %arg9[%get3A_58, %get3A_59] : memref<8x128xf32, #tpu.memory_space<vmem>>, vector<1x128xf32>
    %mul3A = arith.constant 5440 : i32
    %mul3A_61 = arith.muli %arg0, %mul3A : i32
    %convert_element_type3A = arith.sitofp %mul3A_61 : i32 to f32
    %add3A_62 = arith.constant 0.000000e+00 : f32
    %add3A_63 = vector.broadcast %add3A_62 : f32 to vector<680x128xf32>
    %add3A_64 = arith.addf %floor3A, %add3A_63 : vector<680x128xf32>
    %add3A_65 = arith.constant 0.000000e+00 : f32
    %add3A_66 = vector.broadcast %add3A_65 : f32 to vector<680x128xf32>
    %add3A_67 = arith.addf %floor3A_46, %add3A_66 : vector<680x128xf32>
    %sub3A_68 = arith.constant 1.000000e+00 : f32
    %sub3A_69 = vector.broadcast %sub3A_68 : f32 to vector<680x128xf32>
    %sub3A_70 = arith.subf %sub3A_69, %sub3A_47 : vector<680x128xf32>
    %sub3A_71 = arith.constant 1.000000e+00 : f32
    %sub3A_72 = vector.broadcast %sub3A_71 : f32 to vector<680x128xf32>
    %sub3A_73 = arith.subf %sub3A_72, %sub3A_48 : vector<680x128xf32>
    %ge3A = arith.constant 0.000000e+00 : f32
    %ge3A_74 = vector.broadcast %ge3A : f32 to vector<680x128xf32>
    %ge3A_75 = arith.cmpf oge, %add3A_64, %ge3A_74 : vector<680x128xf32>
    %sub3A_76 = arith.constant 1.000000e+00 : f32
    %sub3A_77 = vector.broadcast %sub3A_76 : f32 to vector<1x128xf32>
    %sub3A_78 = arith.subf %get3A_51, %sub3A_77 : vector<1x128xf32>
    %le3A = vector.broadcast %sub3A_78 : vector<1x128xf32> to vector<680x128xf32>
    %le3A_79 = arith.cmpf ole, %add3A_64, %le3A : vector<680x128xf32>
    %and3A = arith.andi %ge3A_75, %le3A_79 : vector<680x128xi1>
    %ge3A_80 = arith.constant 0.000000e+00 : f32
    %ge3A_81 = vector.broadcast %ge3A_80 : f32 to vector<680x128xf32>
    %ge3A_82 = arith.cmpf oge, %add3A_67, %ge3A_81 : vector<680x128xf32>
    %and3A_83 = arith.andi %and3A, %ge3A_82 : vector<680x128xi1>
    %sub3A_84 = arith.constant 1.000000e+00 : f32
    %sub3A_85 = vector.broadcast %sub3A_84 : f32 to vector<1x128xf32>
    %sub3A_86 = arith.subf %get3A_54, %sub3A_85 : vector<1x128xf32>
    %le3A_87 = vector.broadcast %sub3A_86 : vector<1x128xf32> to vector<680x128xf32>
    %le3A_88 = arith.cmpf ole, %add3A_67, %le3A_87 : vector<680x128xf32>
    %and3A_89 = arith.andi %and3A_83, %le3A_88 : vector<680x128xi1>
    %mul3A_90 = arith.mulf %sub3A_70, %sub3A_73 : vector<680x128xf32>
    %mul3A_91 = arith.mulf %mul3A_90, %div3A : vector<680x128xf32>
    %convert_element_type3A_92 = arith.extui %and3A_89 : vector<680x128xi1> to vector<680x128xi32>
    %convert_element_type3A_93 = arith.sitofp %convert_element_type3A_92 : vector<680x128xi32> to vector<680x128xf32>
    %mul3A_94 = arith.mulf %mul3A_91, %convert_element_type3A_93 : vector<680x128xf32>
    %sub3A_95 = arith.constant 1.000000e+00 : f32
    %sub3A_96 = vector.broadcast %sub3A_95 : f32 to vector<1x128xf32>
    %sub3A_97 = arith.subf %get3A_51, %sub3A_96 : vector<1x128xf32>
    %jit3A = arith.constant 0.000000e+00 : f32
    %max3A = vector.broadcast %jit3A : f32 to vector<680x128xf32>
    %max3A_98 = arith.maximumf %max3A, %add3A_64 : vector<680x128xf32>
    %min3A = vector.broadcast %sub3A_97 : vector<1x128xf32> to vector<680x128xf32>
    %min3A_99 = arith.minimumf %min3A, %max3A_98 : vector<680x128xf32>
    %sub3A_100 = arith.constant 1.000000e+00 : f32
    %sub3A_101 = vector.broadcast %sub3A_100 : f32 to vector<1x128xf32>
    %sub3A_102 = arith.subf %get3A_54, %sub3A_101 : vector<1x128xf32>
    %jit3A_103 = arith.constant 0.000000e+00 : f32
    %max3A_104 = vector.broadcast %jit3A_103 : f32 to vector<680x128xf32>
    %max3A_105 = arith.maximumf %max3A_104, %add3A_67 : vector<680x128xf32>
    %min3A_106 = vector.broadcast %sub3A_102 : vector<1x128xf32> to vector<680x128xf32>
    %min3A_107 = arith.minimumf %min3A_106, %max3A_105 : vector<680x128xf32>
    %add3A_108 = vector.broadcast %convert_element_type3A : f32 to vector<1x128xf32>
    %add3A_109 = arith.addf %add3A_108, %get3A_57 : vector<1x128xf32>
    %mul3A_110 = vector.broadcast %get3A_51 : vector<1x128xf32> to vector<680x128xf32>
    %mul3A_111 = arith.mulf %min3A_107, %mul3A_110 : vector<680x128xf32>
    %add3A_112 = vector.broadcast %add3A_109 : vector<1x128xf32> to vector<680x128xf32>
    %add3A_113 = arith.addf %add3A_112, %mul3A_111 : vector<680x128xf32>
    %add3A_114 = arith.addf %add3A_113, %min3A_99 : vector<680x128xf32>
    %mul3A_115 = arith.constant 8.000000e+00 : f32
    %mul3A_116 = vector.broadcast %mul3A_115 : f32 to vector<680x128xf32>
    %mul3A_117 = arith.mulf %add3A_114, %mul3A_116 : vector<680x128xf32>
    %add3A_118 = vector.broadcast %get3A_60 : vector<1x128xf32> to vector<680x128xf32>
    %add3A_119 = arith.addf %mul3A_117, %add3A_118 : vector<680x128xf32>
    %convert_element_type3A_120 = arith.fptosi %add3A_119 : vector<680x128xf32> to vector<680x128xi32>
    %swap3A_121 = arith.constant 0 : index
    %swap3A_122 = arith.constant 0 : index
    %swap3A_123 = arith.constant 0 : index
    %swap3A_124 = vector.load %arg10[%swap3A_121, %swap3A_122, %swap3A_123] : memref<1x680x512xi32, #tpu.memory_space<vmem>>, vector<1x680x128xi32>
    %swap3A_125 = vector.shape_cast %swap3A_124 : vector<1x680x128xi32> to vector<680x128xi32>
    %swap3A_126 = vector.shape_cast %convert_element_type3A_120 : vector<680x128xi32> to vector<1x680x128xi32>
    tpu.vector_store %arg10[%swap3A_121, %swap3A_122, %swap3A_123], %swap3A_126 {strides = array<i32>} : memref<1x680x512xi32, #tpu.memory_space<vmem>>, vector<1x680x128xi32>,
    %swap3A_127 = arith.constant 0 : index
    %swap3A_128 = arith.constant 0 : index
    %swap3A_129 = arith.constant 0 : index
    %swap3A_130 = vector.load %arg11[%swap3A_127, %swap3A_128, %swap3A_129] : memref<1x680x512xf32, #tpu.memory_space<vmem>>, vector<1x680x128xf32>
    %swap3A_131 = vector.shape_cast %swap3A_130 : vector<1x680x128xf32> to vector<680x128xf32>
    %swap3A_132 = vector.shape_cast %mul3A_94 : vector<680x128xf32> to vector<1x680x128xf32>
    tpu.vector_store %arg11[%swap3A_127, %swap3A_128, %swap3A_129], %swap3A_132 {strides = array<i32>} : memref<1x680x512xf32, #tpu.memory_space<vmem>>, vector<1x680x128xf32>,
    %add3A_133 = arith.constant 1.000000e+00 : f32
    %add3A_134 = vector.broadcast %add3A_133 : f32 to vector<680x128xf32>
    %add3A_135 = arith.addf %floor3A, %add3A_134 : vector<680x128xf32>
    %add3A_136 = arith.constant 0.000000e+00 : f32
    %add3A_137 = vector.broadcast %add3A_136 : f32 to vector<680x128xf32>
    %add3A_138 = arith.addf %floor3A_46, %add3A_137 : vector<680x128xf32>
    %sub3A_139 = arith.constant 1.000000e+00 : f32
    %sub3A_140 = vector.broadcast %sub3A_139 : f32 to vector<680x128xf32>
    %sub3A_141 = arith.subf %sub3A_140, %sub3A_48 : vector<680x128xf32>
    %ge3A_142 = arith.constant 0.000000e+00 : f32
    %ge3A_143 = vector.broadcast %ge3A_142 : f32 to vector<680x128xf32>
    %ge3A_144 = arith.cmpf oge, %add3A_135, %ge3A_143 : vector<680x128xf32>
    %sub3A_145 = arith.constant 1.000000e+00 : f32
    %sub3A_146 = vector.broadcast %sub3A_145 : f32 to vector<1x128xf32>
    %sub3A_147 = arith.subf %get3A_51, %sub3A_146 : vector<1x128xf32>
    %le3A_148 = vector.broadcast %sub3A_147 : vector<1x128xf32> to vector<680x128xf32>
    %le3A_149 = arith.cmpf ole, %add3A_135, %le3A_148 : vector<680x128xf32>
    %and3A_150 = arith.andi %ge3A_144, %le3A_149 : vector<680x128xi1>
    %ge3A_151 = arith.constant 0.000000e+00 : f32
    %ge3A_152 = vector.broadcast %ge3A_151 : f32 to vector<680x128xf32>
    %ge3A_153 = arith.cmpf oge, %add3A_138, %ge3A_152 : vector<680x128xf32>
    %and3A_154 = arith.andi %and3A_150, %ge3A_153 : vector<680x128xi1>
    %sub3A_155 = arith.constant 1.000000e+00 : f32
    %sub3A_156 = vector.broadcast %sub3A_155 : f32 to vector<1x128xf32>
    %sub3A_157 = arith.subf %get3A_54, %sub3A_156 : vector<1x128xf32>
    %le3A_158 = vector.broadcast %sub3A_157 : vector<1x128xf32> to vector<680x128xf32>
    %le3A_159 = arith.cmpf ole, %add3A_138, %le3A_158 : vector<680x128xf32>
    %and3A_160 = arith.andi %and3A_154, %le3A_159 : vector<680x128xi1>
    %mul3A_161 = arith.mulf %sub3A_47, %sub3A_141 : vector<680x128xf32>
    %mul3A_162 = arith.mulf %mul3A_161, %div3A : vector<680x128xf32>
    %convert_element_type3A_163 = arith.extui %and3A_160 : vector<680x128xi1> to vector<680x128xi32>
    %convert_element_type3A_164 = arith.sitofp %convert_element_type3A_163 : vector<680x128xi32> to vector<680x128xf32>
    %mul3A_165 = arith.mulf %mul3A_162, %convert_element_type3A_164 : vector<680x128xf32>
    %sub3A_166 = arith.constant 1.000000e+00 : f32
    %sub3A_167 = vector.broadcast %sub3A_166 : f32 to vector<1x128xf32>
    %sub3A_168 = arith.subf %get3A_51, %sub3A_167 : vector<1x128xf32>
    %jit3A_169 = arith.constant 0.000000e+00 : f32
    %max3A_170 = vector.broadcast %jit3A_169 : f32 to vector<680x128xf32>
    %max3A_171 = arith.maximumf %max3A_170, %add3A_135 : vector<680x128xf32>
    %min3A_172 = vector.broadcast %sub3A_168 : vector<1x128xf32> to vector<680x128xf32>
    %min3A_173 = arith.minimumf %min3A_172, %max3A_171 : vector<680x128xf32>
    %sub3A_174 = arith.constant 1.000000e+00 : f32
    %sub3A_175 = vector.broadcast %sub3A_174 : f32 to vector<1x128xf32>
    %sub3A_176 = arith.subf %get3A_54, %sub3A_175 : vector<1x128xf32>
    %jit3A_177 = arith.constant 0.000000e+00 : f32
    %max3A_178 = vector.broadcast %jit3A_177 : f32 to vector<680x128xf32>
    %max3A_179 = arith.maximumf %max3A_178, %add3A_138 : vector<680x128xf32>
    %min3A_180 = vector.broadcast %sub3A_176 : vector<1x128xf32> to vector<680x128xf32>
    %min3A_181 = arith.minimumf %min3A_180, %max3A_179 : vector<680x128xf32>
    %add3A_182 = vector.broadcast %convert_element_type3A : f32 to vector<1x128xf32>
    %add3A_183 = arith.addf %add3A_182, %get3A_57 : vector<1x128xf32>
    %mul3A_184 = vector.broadcast %get3A_51 : vector<1x128xf32> to vector<680x128xf32>
    %mul3A_185 = arith.mulf %min3A_181, %mul3A_184 : vector<680x128xf32>
    %add3A_186 = vector.broadcast %add3A_183 : vector<1x128xf32> to vector<680x128xf32>
    %add3A_187 = arith.addf %add3A_186, %mul3A_185 : vector<680x128xf32>
    %add3A_188 = arith.addf %add3A_187, %min3A_173 : vector<680x128xf32>
    %mul3A_189 = arith.constant 8.000000e+00 : f32
    %mul3A_190 = vector.broadcast %mul3A_189 : f32 to vector<680x128xf32>
    %mul3A_191 = arith.mulf %add3A_188, %mul3A_190 : vector<680x128xf32>
    %add3A_192 = vector.broadcast %get3A_60 : vector<1x128xf32> to vector<680x128xf32>
    %add3A_193 = arith.addf %mul3A_191, %add3A_192 : vector<680x128xf32>
    %convert_element_type3A_194 = arith.fptosi %add3A_193 : vector<680x128xf32> to vector<680x128xi32>
    %swap3A_195 = arith.constant 0 : index
    %swap3A_196 = arith.constant 0 : index
    %swap3A_197 = arith.constant 128 : index
    %swap3A_198 = vector.load %arg10[%swap3A_195, %swap3A_196, %swap3A_197] : memref<1x680x512xi32, #tpu.memory_space<vmem>>, vector<1x680x128xi32>
    %swap3A_199 = vector.shape_cast %swap3A_198 : vector<1x680x128xi32> to vector<680x128xi32>
    %swap3A_200 = vector.shape_cast %convert_element_type3A_194 : vector<680x128xi32> to vector<1x680x128xi32>
    tpu.vector_store %arg10[%swap3A_195, %swap3A_196, %swap3A_197], %swap3A_200 {strides = array<i32>} : memref<1x680x512xi32, #tpu.memory_space<vmem>>, vector<1x680x128xi32>,
    %swap3A_201 = arith.constant 0 : index
    %swap3A_202 = arith.constant 0 : index
    %swap3A_203 = arith.constant 128 : index
    %swap3A_204 = vector.load %arg11[%swap3A_201, %swap3A_202, %swap3A_203] : memref<1x680x512xf32, #tpu.memory_space<vmem>>, vector<1x680x128xf32>
    %swap3A_205 = vector.shape_cast %swap3A_204 : vector<1x680x128xf32> to vector<680x128xf32>
    %swap3A_206 = vector.shape_cast %mul3A_165 : vector<680x128xf32> to vector<1x680x128xf32>
    tpu.vector_store %arg11[%swap3A_201, %swap3A_202, %swap3A_203], %swap3A_206 {strides = array<i32>} : memref<1x680x512xf32, #tpu.memory_space<vmem>>, vector<1x680x128xf32>,
    %add3A_207 = arith.constant 0.000000e+00 : f32
    %add3A_208 = vector.broadcast %add3A_207 : f32 to vector<680x128xf32>
    %add3A_209 = arith.addf %floor3A, %add3A_208 : vector<680x128xf32>
    %add3A_210 = arith.constant 1.000000e+00 : f32
    %add3A_211 = vector.broadcast %add3A_210 : f32 to vector<680x128xf32>
    %add3A_212 = arith.addf %floor3A_46, %add3A_211 : vector<680x128xf32>
    %sub3A_213 = arith.constant 1.000000e+00 : f32
    %sub3A_214 = vector.broadcast %sub3A_213 : f32 to vector<680x128xf32>
    %sub3A_215 = arith.subf %sub3A_214, %sub3A_47 : vector<680x128xf32>
    %ge3A_216 = arith.constant 0.000000e+00 : f32
    %ge3A_217 = vector.broadcast %ge3A_216 : f32 to vector<680x128xf32>
    %ge3A_218 = arith.cmpf oge, %add3A_209, %ge3A_217 : vector<680x128xf32>
    %sub3A_219 = arith.constant 1.000000e+00 : f32
    %sub3A_220 = vector.broadcast %sub3A_219 : f32 to vector<1x128xf32>
    %sub3A_221 = arith.subf %get3A_51, %sub3A_220 : vector<1x128xf32>
    %le3A_222 = vector.broadcast %sub3A_221 : vector<1x128xf32> to vector<680x128xf32>
    %le3A_223 = arith.cmpf ole, %add3A_209, %le3A_222 : vector<680x128xf32>
    %and3A_224 = arith.andi %ge3A_218, %le3A_223 : vector<680x128xi1>
    %ge3A_225 = arith.constant 0.000000e+00 : f32
    %ge3A_226 = vector.broadcast %ge3A_225 : f32 to vector<680x128xf32>
    %ge3A_227 = arith.cmpf oge, %add3A_212, %ge3A_226 : vector<680x128xf32>
    %and3A_228 = arith.andi %and3A_224, %ge3A_227 : vector<680x128xi1>
    %sub3A_229 = arith.constant 1.000000e+00 : f32
    %sub3A_230 = vector.broadcast %sub3A_229 : f32 to vector<1x128xf32>
    %sub3A_231 = arith.subf %get3A_54, %sub3A_230 : vector<1x128xf32>
    %le3A_232 = vector.broadcast %sub3A_231 : vector<1x128xf32> to vector<680x128xf32>
    %le3A_233 = arith.cmpf ole, %add3A_212, %le3A_232 : vector<680x128xf32>
    %and3A_234 = arith.andi %and3A_228, %le3A_233 : vector<680x128xi1>
    %mul3A_235 = arith.mulf %sub3A_215, %sub3A_48 : vector<680x128xf32>
    %mul3A_236 = arith.mulf %mul3A_235, %div3A : vector<680x128xf32>
    %convert_element_type3A_237 = arith.extui %and3A_234 : vector<680x128xi1> to vector<680x128xi32>
    %convert_element_type3A_238 = arith.sitofp %convert_element_type3A_237 : vector<680x128xi32> to vector<680x128xf32>
    %mul3A_239 = arith.mulf %mul3A_236, %convert_element_type3A_238 : vector<680x128xf32>
    %sub3A_240 = arith.constant 1.000000e+00 : f32
    %sub3A_241 = vector.broadcast %sub3A_240 : f32 to vector<1x128xf32>
    %sub3A_242 = arith.subf %get3A_51, %sub3A_241 : vector<1x128xf32>
    %jit3A_243 = arith.constant 0.000000e+00 : f32
    %max3A_244 = vector.broadcast %jit3A_243 : f32 to vector<680x128xf32>
    %max3A_245 = arith.maximumf %max3A_244, %add3A_209 : vector<680x128xf32>
    %min3A_246 = vector.broadcast %sub3A_242 : vector<1x128xf32> to vector<680x128xf32>
    %min3A_247 = arith.minimumf %min3A_246, %max3A_245 : vector<680x128xf32>
    %sub3A_248 = arith.constant 1.000000e+00 : f32
    %sub3A_249 = vector.broadcast %sub3A_248 : f32 to vector<1x128xf32>
    %sub3A_250 = arith.subf %get3A_54, %sub3A_249 : vector<1x128xf32>
    %jit3A_251 = arith.constant 0.000000e+00 : f32
    %max3A_252 = vector.broadcast %jit3A_251 : f32 to vector<680x128xf32>
    %max3A_253 = arith.maximumf %max3A_252, %add3A_212 : vector<680x128xf32>
    %min3A_254 = vector.broadcast %sub3A_250 : vector<1x128xf32> to vector<680x128xf32>
    %min3A_255 = arith.minimumf %min3A_254, %max3A_253 : vector<680x128xf32>
    %add3A_256 = vector.broadcast %convert_element_type3A : f32 to vector<1x128xf32>
    %add3A_257 = arith.addf %add3A_256, %get3A_57 : vector<1x128xf32>
    %mul3A_258 = vector.broadcast %get3A_51 : vector<1x128xf32> to vector<680x128xf32>
    %mul3A_259 = arith.mulf %min3A_255, %mul3A_258 : vector<680x128xf32>
    %add3A_260 = vector.broadcast %add3A_257 : vector<1x128xf32> to vector<680x128xf32>
    %add3A_261 = arith.addf %add3A_260, %mul3A_259 : vector<680x128xf32>
    %add3A_262 = arith.addf %add3A_261, %min3A_247 : vector<680x128xf32>
    %mul3A_263 = arith.constant 8.000000e+00 : f32
    %mul3A_264 = vector.broadcast %mul3A_263 : f32 to vector<680x128xf32>
    %mul3A_265 = arith.mulf %add3A_262, %mul3A_264 : vector<680x128xf32>
    %add3A_266 = vector.broadcast %get3A_60 : vector<1x128xf32> to vector<680x128xf32>
    %add3A_267 = arith.addf %mul3A_265, %add3A_266 : vector<680x128xf32>
    %convert_element_type3A_268 = arith.fptosi %add3A_267 : vector<680x128xf32> to vector<680x128xi32>
    %swap3A_269 = arith.constant 0 : index
    %swap3A_270 = arith.constant 0 : index
    %swap3A_271 = arith.constant 256 : index
    %swap3A_272 = vector.load %arg10[%swap3A_269, %swap3A_270, %swap3A_271] : memref<1x680x512xi32, #tpu.memory_space<vmem>>, vector<1x680x128xi32>
    %swap3A_273 = vector.shape_cast %swap3A_272 : vector<1x680x128xi32> to vector<680x128xi32>
    %swap3A_274 = vector.shape_cast %convert_element_type3A_268 : vector<680x128xi32> to vector<1x680x128xi32>
    tpu.vector_store %arg10[%swap3A_269, %swap3A_270, %swap3A_271], %swap3A_274 {strides = array<i32>} : memref<1x680x512xi32, #tpu.memory_space<vmem>>, vector<1x680x128xi32>,
    %swap3A_275 = arith.constant 0 : index
    %swap3A_276 = arith.constant 0 : index
    %swap3A_277 = arith.constant 256 : index
    %swap3A_278 = vector.load %arg11[%swap3A_275, %swap3A_276, %swap3A_277] : memref<1x680x512xf32, #tpu.memory_space<vmem>>, vector<1x680x128xf32>
    %swap3A_279 = vector.shape_cast %swap3A_278 : vector<1x680x128xf32> to vector<680x128xf32>
    %swap3A_280 = vector.shape_cast %mul3A_239 : vector<680x128xf32> to vector<1x680x128xf32>
    tpu.vector_store %arg11[%swap3A_275, %swap3A_276, %swap3A_277], %swap3A_280 {strides = array<i32>} : memref<1x680x512xf32, #tpu.memory_space<vmem>>, vector<1x680x128xf32>,
    %add3A_281 = arith.constant 1.000000e+00 : f32
    %add3A_282 = vector.broadcast %add3A_281 : f32 to vector<680x128xf32>
    %add3A_283 = arith.addf %floor3A, %add3A_282 : vector<680x128xf32>
    %add3A_284 = arith.constant 1.000000e+00 : f32
    %add3A_285 = vector.broadcast %add3A_284 : f32 to vector<680x128xf32>
    %add3A_286 = arith.addf %floor3A_46, %add3A_285 : vector<680x128xf32>
    %ge3A_287 = arith.constant 0.000000e+00 : f32
    %ge3A_288 = vector.broadcast %ge3A_287 : f32 to vector<680x128xf32>
    %ge3A_289 = arith.cmpf oge, %add3A_283, %ge3A_288 : vector<680x128xf32>
    %sub3A_290 = arith.constant 1.000000e+00 : f32
    %sub3A_291 = vector.broadcast %sub3A_290 : f32 to vector<1x128xf32>
    %sub3A_292 = arith.subf %get3A_51, %sub3A_291 : vector<1x128xf32>
    %le3A_293 = vector.broadcast %sub3A_292 : vector<1x128xf32> to vector<680x128xf32>
    %le3A_294 = arith.cmpf ole, %add3A_283, %le3A_293 : vector<680x128xf32>
    %and3A_295 = arith.andi %ge3A_289, %le3A_294 : vector<680x128xi1>
    %ge3A_296 = arith.constant 0.000000e+00 : f32
    %ge3A_297 = vector.broadcast %ge3A_296 : f32 to vector<680x128xf32>
    %ge3A_298 = arith.cmpf oge, %add3A_286, %ge3A_297 : vector<680x128xf32>
    %and3A_299 = arith.andi %and3A_295, %ge3A_298 : vector<680x128xi1>
    %sub3A_300 = arith.constant 1.000000e+00 : f32
    %sub3A_301 = vector.broadcast %sub3A_300 : f32 to vector<1x128xf32>
    %sub3A_302 = arith.subf %get3A_54, %sub3A_301 : vector<1x128xf32>
    %le3A_303 = vector.broadcast %sub3A_302 : vector<1x128xf32> to vector<680x128xf32>
    %le3A_304 = arith.cmpf ole, %add3A_286, %le3A_303 : vector<680x128xf32>
    %and3A_305 = arith.andi %and3A_299, %le3A_304 : vector<680x128xi1>
    %mul3A_306 = arith.mulf %sub3A_47, %sub3A_48 : vector<680x128xf32>
    %mul3A_307 = arith.mulf %mul3A_306, %div3A : vector<680x128xf32>
    %convert_element_type3A_308 = arith.extui %and3A_305 : vector<680x128xi1> to vector<680x128xi32>
    %convert_element_type3A_309 = arith.sitofp %convert_element_type3A_308 : vector<680x128xi32> to vector<680x128xf32>
    %mul3A_310 = arith.mulf %mul3A_307, %convert_element_type3A_309 : vector<680x128xf32>
    %sub3A_311 = arith.constant 1.000000e+00 : f32
    %sub3A_312 = vector.broadcast %sub3A_311 : f32 to vector<1x128xf32>
    %sub3A_313 = arith.subf %get3A_51, %sub3A_312 : vector<1x128xf32>
    %jit3A_314 = arith.constant 0.000000e+00 : f32
    %max3A_315 = vector.broadcast %jit3A_314 : f32 to vector<680x128xf32>
    %max3A_316 = arith.maximumf %max3A_315, %add3A_283 : vector<680x128xf32>
    %min3A_317 = vector.broadcast %sub3A_313 : vector<1x128xf32> to vector<680x128xf32>
    %min3A_318 = arith.minimumf %min3A_317, %max3A_316 : vector<680x128xf32>
    %sub3A_319 = arith.constant 1.000000e+00 : f32
    %sub3A_320 = vector.broadcast %sub3A_319 : f32 to vector<1x128xf32>
    %sub3A_321 = arith.subf %get3A_54, %sub3A_320 : vector<1x128xf32>
    %jit3A_322 = arith.constant 0.000000e+00 : f32
    %max3A_323 = vector.broadcast %jit3A_322 : f32 to vector<680x128xf32>
    %max3A_324 = arith.maximumf %max3A_323, %add3A_286 : vector<680x128xf32>
    %min3A_325 = vector.broadcast %sub3A_321 : vector<1x128xf32> to vector<680x128xf32>
    %min3A_326 = arith.minimumf %min3A_325, %max3A_324 : vector<680x128xf32>
    %add3A_327 = vector.broadcast %convert_element_type3A : f32 to vector<1x128xf32>
    %add3A_328 = arith.addf %add3A_327, %get3A_57 : vector<1x128xf32>
    %mul3A_329 = vector.broadcast %get3A_51 : vector<1x128xf32> to vector<680x128xf32>
    %mul3A_330 = arith.mulf %min3A_326, %mul3A_329 : vector<680x128xf32>
    %add3A_331 = vector.broadcast %add3A_328 : vector<1x128xf32> to vector<680x128xf32>
    %add3A_332 = arith.addf %add3A_331, %mul3A_330 : vector<680x128xf32>
    %add3A_333 = arith.addf %add3A_332, %min3A_318 : vector<680x128xf32>
    %mul3A_334 = arith.constant 8.000000e+00 : f32
    %mul3A_335 = vector.broadcast %mul3A_334 : f32 to vector<680x128xf32>
    %mul3A_336 = arith.mulf %add3A_333, %mul3A_335 : vector<680x128xf32>
    %add3A_337 = vector.broadcast %get3A_60 : vector<1x128xf32> to vector<680x128xf32>
    %add3A_338 = arith.addf %mul3A_336, %add3A_337 : vector<680x128xf32>
    %convert_element_type3A_339 = arith.fptosi %add3A_338 : vector<680x128xf32> to vector<680x128xi32>
    %swap3A_340 = arith.constant 0 : index
    %swap3A_341 = arith.constant 0 : index
    %swap3A_342 = arith.constant 384 : index
    %swap3A_343 = vector.load %arg10[%swap3A_340, %swap3A_341, %swap3A_342] : memref<1x680x512xi32, #tpu.memory_space<vmem>>, vector<1x680x128xi32>
    %swap3A_344 = vector.shape_cast %swap3A_343 : vector<1x680x128xi32> to vector<680x128xi32>
    %swap3A_345 = vector.shape_cast %convert_element_type3A_339 : vector<680x128xi32> to vector<1x680x128xi32>
    tpu.vector_store %arg10[%swap3A_340, %swap3A_341, %swap3A_342], %swap3A_345 {strides = array<i32>} : memref<1x680x512xi32, #tpu.memory_space<vmem>>, vector<1x680x128xi32>,
    %swap3A_346 = arith.constant 0 : index
    %swap3A_347 = arith.constant 0 : index
    %swap3A_348 = arith.constant 384 : index
    %swap3A_349 = vector.load %arg11[%swap3A_346, %swap3A_347, %swap3A_348] : memref<1x680x512xf32, #tpu.memory_space<vmem>>, vector<1x680x128xf32>
    %swap3A_350 = vector.shape_cast %swap3A_349 : vector<1x680x128xf32> to vector<680x128xf32>
    %swap3A_351 = vector.shape_cast %mul3A_310 : vector<680x128xf32> to vector<1x680x128xf32>
    tpu.vector_store %arg11[%swap3A_346, %swap3A_347, %swap3A_348], %swap3A_351 {strides = array<i32>} : memref<1x680x512xf32, #tpu.memory_space<vmem>>, vector<1x680x128xf32>,
    return
  }
  func.func @transform_0(%arg0: i32, %arg1: i32) -> (i32, i32, i32) {
    %c0_i32 = arith.constant 0 : i32
    %c0_i32_0 = arith.constant 0 : i32
    return %arg0, %arg1, %c0_i32 : i32, i32, i32
  }
  func.func @transform_1(%arg0: i32, %arg1: i32) -> (i32, i32, i32) {
    %c0_i32 = arith.constant 0 : i32
    %c0_i32_0 = arith.constant 0 : i32
    return %arg0, %arg1, %c0_i32 : i32, i32, i32
  }
  func.func @transform_2(%arg0: i32, %arg1: i32) -> (i32, i32) {
    %c0_i32 = arith.constant 0 : i32
    %c0_i32_0 = arith.constant 0 : i32
    %c0_i32_1 = arith.constant 0 : i32
    return %c0_i32, %c0_i32_0 : i32, i32
  }
  func.func @transform_3(%arg0: i32, %arg1: i32) -> (i32, i32) {
    %c0_i32 = arith.constant 0 : i32
    %c0_i32_0 = arith.constant 0 : i32
    %c0_i32_1 = arith.constant 0 : i32
    return %c0_i32, %c0_i32_0 : i32, i32
  }
  func.func @transform_4(%arg0: i32, %arg1: i32) -> (i32, i32) {
    %c0_i32 = arith.constant 0 : i32
    %c0_i32_0 = arith.constant 0 : i32
    %c0_i32_1 = arith.constant 0 : i32
    return %c0_i32, %c0_i32_0 : i32, i32
  }
  func.func @transform_5(%arg0: i32, %arg1: i32) -> (i32, i32) {
    %c0_i32 = arith.constant 0 : i32
    %c0_i32_0 = arith.constant 0 : i32
    %c0_i32_1 = arith.constant 0 : i32
    return %c0_i32, %c0_i32_0 : i32, i32
  }
  func.func @transform_6(%arg0: i32, %arg1: i32) -> (i32, i32) {
    %c0_i32 = arith.constant 0 : i32
    %c0_i32_0 = arith.constant 0 : i32
    %c0_i32_1 = arith.constant 0 : i32
    return %c0_i32, %c0_i32_0 : i32, i32
  }
  func.func @transform_7(%arg0: i32, %arg1: i32) -> (i32, i32) {
    %c0_i32 = arith.constant 0 : i32
    %c0_i32_0 = arith.constant 0 : i32
    %c0_i32_1 = arith.constant 0 : i32
    return %c0_i32, %c0_i32_0 : i32, i32
  }
  func.func @transform_8(%arg0: i32, %arg1: i32) -> (i32, i32, i32) {
    %c0_i32 = arith.constant 0 : i32
    %c0_i32_0 = arith.constant 0 : i32
    return %arg0, %arg1, %c0_i32 : i32, i32, i32
  }
  func.func @transform_9(%arg0: i32, %arg1: i32) -> (i32, i32, i32) {
    %c0_i32 = arith.constant 0 : i32
    %c0_i32_0 = arith.constant 0 : i32
    return %arg0, %arg1, %c0_i32 : i32, i32, i32
  }
  func.func @transform_10(%arg0: i32, %arg1: i32) -> (i32, i32, i32) {
    %c0_i32 = arith.constant 0 : i32
    %c0_i32_0 = arith.constant 0 : i32
    return %arg0, %arg1, %c0_i32 : i32, i32, i32
  }
}

module attributes {stable_mosaic.version = 14 : i64} {
  func.func @_mm_body(%arg0: i32, %arg1: i32, %arg2: memref<1x544x256xf32, #tpu.memory_space<vmem>>, %arg3: memref<256x256xf32, #tpu.memory_space<vmem>>, %arg4: memref<1x256xf32, #tpu.memory_space<vmem>>, %arg5: memref<1x544x256xbf16, #tpu.memory_space<vmem>>) attributes {dimension_semantics = [#tpu.dimension_semantics<arbitrary>, #tpu.dimension_semantics<arbitrary>], iteration_bounds = array<i64: 4, 10>, scalar_prefetch = 0 : i64, scratch_operands = 0 : i64, tpu.core_type = #tpu.core_type<tc>, window_params = [{transform_indices = @transform_0, window_bounds = array<i64: 1, 544, 256>}, {pipeline_mode = #tpu.pipeline_mode<synchronous>, transform_indices = @transform_1, window_bounds = array<i64: 256, 256>}, {pipeline_mode = #tpu.pipeline_mode<synchronous>, transform_indices = @transform_2, window_bounds = array<i64: 1, 256>}, {transform_indices = @transform_3, window_bounds = array<i64: 1, 544, 256>}]} {
    %get3A = arith.constant 0 : index
    %get3A_0 = arith.constant 0 : index
    %get3A_1 = arith.constant 0 : index
    %get3A_2 = vector.load %arg2[%get3A, %get3A_0, %get3A_1] : memref<1x544x256xf32, #tpu.memory_space<vmem>>, vector<1x544x256xf32>
    %get3A_3 = vector.shape_cast %get3A_2 : vector<1x544x256xf32> to vector<544x256xf32>
    %get3A_4 = arith.constant 0 : index
    %get3A_5 = arith.constant 0 : index
    %get3A_6 = vector.load %arg3[%get3A_4, %get3A_5] : memref<256x256xf32, #tpu.memory_space<vmem>>, vector<256x256xf32>
    %dot_general3A = arith.constant dense<0.000000e+00> : vector<544x256xf32>
    %dot_general3A_7 = tpu.matmul %get3A_3, %get3A_6, %dot_general3A {dimension_numbers = #tpu.dot_dimension_numbers<[1], [0], [0], [1], [0, 0, 1, 1], [], []>, precision = #tpu.contract_precision<fp32>, transpose_lhs_hint = false} : vector<544x256xf32>, vector<256x256xf32>, vector<544x256xf32> -> vector<544x256xf32>
    %get3A_8 = arith.constant 0 : index
    %get3A_9 = arith.constant 0 : index
    %get3A_10 = vector.load %arg4[%get3A_8, %get3A_9] : memref<1x256xf32, #tpu.memory_space<vmem>>, vector<1x256xf32>
    %add3A = vector.broadcast %get3A_10 : vector<1x256xf32> to vector<544x256xf32>
    %add3A_11 = arith.addf %dot_general3A_7, %add3A : vector<544x256xf32>
    %convert_element_type3A = arith.truncf %add3A_11 : vector<544x256xf32> to vector<544x256xbf16>
    %swap3A = arith.constant 0 : index
    %swap3A_12 = arith.constant 0 : index
    %swap3A_13 = arith.constant 0 : index
    %swap3A_14 = vector.load %arg5[%swap3A, %swap3A_12, %swap3A_13] : memref<1x544x256xbf16, #tpu.memory_space<vmem>>, vector<1x544x256xbf16>
    %swap3A_15 = vector.shape_cast %swap3A_14 : vector<1x544x256xbf16> to vector<544x256xbf16>
    %swap3A_16 = vector.shape_cast %convert_element_type3A : vector<544x256xbf16> to vector<1x544x256xbf16>
    tpu.vector_store %arg5[%swap3A, %swap3A_12, %swap3A_13], %swap3A_16 {strides = array<i32>} : memref<1x544x256xbf16, #tpu.memory_space<vmem>>, vector<1x544x256xbf16>,
    return
  }
  func.func @transform_0(%arg0: i32, %arg1: i32) -> (i32, i32, i32) {
    %c0_i32 = arith.constant 0 : i32
    %c0_i32_0 = arith.constant 0 : i32
    return %arg0, %arg1, %c0_i32 : i32, i32, i32
  }
  func.func @transform_1(%arg0: i32, %arg1: i32) -> (i32, i32) {
    %c0_i32 = arith.constant 0 : i32
    %c0_i32_0 = arith.constant 0 : i32
    %c0_i32_1 = arith.constant 0 : i32
    return %c0_i32, %c0_i32_0 : i32, i32
  }
  func.func @transform_2(%arg0: i32, %arg1: i32) -> (i32, i32) {
    %c0_i32 = arith.constant 0 : i32
    %c0_i32_0 = arith.constant 0 : i32
    %c0_i32_1 = arith.constant 0 : i32
    return %c0_i32, %c0_i32_0 : i32, i32
  }
  func.func @transform_3(%arg0: i32, %arg1: i32) -> (i32, i32, i32) {
    %c0_i32 = arith.constant 0 : i32
    %c0_i32_0 = arith.constant 0 : i32
    return %arg0, %arg1, %c0_i32 : i32, i32, i32
  }
}

module attributes {stable_mosaic.version = 14 : i64} {
  func.func @_mm_body(%arg0: i32, %arg1: i32, %arg2: memref<1x680x256xf32, #tpu.memory_space<vmem>>, %arg3: memref<256x256xf32, #tpu.memory_space<vmem>>, %arg4: memref<1x256xf32, #tpu.memory_space<vmem>>, %arg5: memref<1x680x256xf32, #tpu.memory_space<vmem>>) attributes {dimension_semantics = [#tpu.dimension_semantics<arbitrary>, #tpu.dimension_semantics<arbitrary>], iteration_bounds = array<i64: 4, 8>, scalar_prefetch = 0 : i64, scratch_operands = 0 : i64, tpu.core_type = #tpu.core_type<tc>, window_params = [{transform_indices = @transform_0, window_bounds = array<i64: 1, 680, 256>}, {pipeline_mode = #tpu.pipeline_mode<synchronous>, transform_indices = @transform_1, window_bounds = array<i64: 256, 256>}, {pipeline_mode = #tpu.pipeline_mode<synchronous>, transform_indices = @transform_2, window_bounds = array<i64: 1, 256>}, {transform_indices = @transform_3, window_bounds = array<i64: 1, 680, 256>}]} {
    %get3A = arith.constant 0 : index
    %get3A_0 = arith.constant 0 : index
    %get3A_1 = arith.constant 0 : index
    %get3A_2 = vector.load %arg2[%get3A, %get3A_0, %get3A_1] : memref<1x680x256xf32, #tpu.memory_space<vmem>>, vector<1x680x256xf32>
    %get3A_3 = vector.shape_cast %get3A_2 : vector<1x680x256xf32> to vector<680x256xf32>
    %get3A_4 = arith.constant 0 : index
    %get3A_5 = arith.constant 0 : index
    %get3A_6 = vector.load %arg3[%get3A_4, %get3A_5] : memref<256x256xf32, #tpu.memory_space<vmem>>, vector<256x256xf32>
    %dot_general3A = arith.constant dense<0.000000e+00> : vector<680x256xf32>
    %dot_general3A_7 = tpu.matmul %get3A_3, %get3A_6, %dot_general3A {dimension_numbers = #tpu.dot_dimension_numbers<[1], [0], [0], [1], [0, 0, 1, 1], [], []>, precision = #tpu.contract_precision<fp32>, transpose_lhs_hint = false} : vector<680x256xf32>, vector<256x256xf32>, vector<680x256xf32> -> vector<680x256xf32>
    %get3A_8 = arith.constant 0 : index
    %get3A_9 = arith.constant 0 : index
    %get3A_10 = vector.load %arg4[%get3A_8, %get3A_9] : memref<1x256xf32, #tpu.memory_space<vmem>>, vector<1x256xf32>
    %add3A = vector.broadcast %get3A_10 : vector<1x256xf32> to vector<680x256xf32>
    %add3A_11 = arith.addf %dot_general3A_7, %add3A : vector<680x256xf32>
    %swap3A = arith.constant 0 : index
    %swap3A_12 = arith.constant 0 : index
    %swap3A_13 = arith.constant 0 : index
    %swap3A_14 = vector.load %arg5[%swap3A, %swap3A_12, %swap3A_13] : memref<1x680x256xf32, #tpu.memory_space<vmem>>, vector<1x680x256xf32>
    %swap3A_15 = vector.shape_cast %swap3A_14 : vector<1x680x256xf32> to vector<680x256xf32>
    %swap3A_16 = vector.shape_cast %add3A_11 : vector<680x256xf32> to vector<1x680x256xf32>
    tpu.vector_store %arg5[%swap3A, %swap3A_12, %swap3A_13], %swap3A_16 {strides = array<i32>} : memref<1x680x256xf32, #tpu.memory_space<vmem>>, vector<1x680x256xf32>,
    return
  }
  func.func @transform_0(%arg0: i32, %arg1: i32) -> (i32, i32, i32) {
    %c0_i32 = arith.constant 0 : i32
    %c0_i32_0 = arith.constant 0 : i32
    return %arg0, %arg1, %c0_i32 : i32, i32, i32
  }
  func.func @transform_1(%arg0: i32, %arg1: i32) -> (i32, i32) {
    %c0_i32 = arith.constant 0 : i32
    %c0_i32_0 = arith.constant 0 : i32
    %c0_i32_1 = arith.constant 0 : i32
    return %c0_i32, %c0_i32_0 : i32, i32
  }
  func.func @transform_2(%arg0: i32, %arg1: i32) -> (i32, i32) {
    %c0_i32 = arith.constant 0 : i32
    %c0_i32_0 = arith.constant 0 : i32
    %c0_i32_1 = arith.constant 0 : i32
    return %c0_i32, %c0_i32_0 : i32, i32
  }
  func.func @transform_3(%arg0: i32, %arg1: i32) -> (i32, i32, i32) {
    %c0_i32 = arith.constant 0 : i32
    %c0_i32_0 = arith.constant 0 : i32
    return %arg0, %arg1, %c0_i32 : i32, i32, i32
  }
}

</mosaic_0001>

<sc_bundles>
// kernel: kernel.6.cloned.1.call-start
scs
__scs_entry_jumppad:
0x0: {  	(pc) =	sbr.rel $0x88, $3  }
0x1: {  	(tag) =	ssettag $0x0;
	lr =	simm.s32 $0x1  }
0x2: {  	[smem:$0x3F96] =	sst lr;
	_ =	strace $0xD0000000  }
0x3: {  	_ = 	snop  }
0x4: {  	_ = 	snop  }
0x5: {  	_ = 	snop  }
0x6: {  	_ = 	snop  }
0x7: {  	_ = 	snop  }
__scs_overlays_trampoline_lowered:
0x8: {  	[smem:$0x3FA5] =	sst s0  }
0x9: {  	[smem:$0x3FA6] =	sst s1  }
0xa: {  	[smem:$0x3FA7] =	sst s2  }
0xb: {  	[smem:$0x3FA8] =	sst s3  }
0xc: {  	[smem:$0x3FA9] =	sst s4  }
0xd: {  	[smem:$0x3FAA] =	sst s5  }
0xe: {  	[smem:$0x3FAB] =	sst s6  }
0xf: {  	[smem:$0x3FAC] =	sst s7  }
0x10: {  	[smem:$0x3FAD] =	sst s8  }
0x11: {  	[smem:$0x3FAE] =	sst s9;
	s0 =	simm.s32 @!p0 $0x0  }
0x12: {  	s1 =	sld [smem:$0x3F94];
	s0 =	simm.s32 @p0 $0x1  }
0x13: {  	[smem:$0x3FAF] =	sst s0;
	s0 =	simm.s32 @!p1 $0x0  }
0x14: {  	s2 =	sld [smem:$0x3F93];
	s0 =	simm.s32 @p1 $0x1  }
0x15: {  	[smem:$0x3FB0] =	sst s0;
	s0 =	simm.s32 @!p2 $0x0  }
0x16: {  	s3 =	sld [smem:$0x3FDB];
	s0 =	simm.s32 @p2 $0x1  }
0x17: {  	s4 =	simm.s32 $0x1BF5;
	[smem:$0x3FB2] =	sst s0  }
0x18: {  	s0 =	sld [smem:$0x3F95];
	_ =	swait.ge [sflag:s4], $0x0  }
0x19: {  	s7 =	sld [smem:$0x3F96]  }
0x1a: {  	s8 =	sadd.s32 $0xFFFFE003, lr  }
0x1b: {  	s9 =	sadd.s32 $0xFFFFFEF7, lr;
	s5 =	simm.s32 $0xFFFFFFFF;
	p2 =	slt.u32 s8, $0xFFFFF086  }
0x1c: {  	p1 =	slt.u32 s9, $0xF7A;
	s5 =	simm.s32 @!p2 $0x0  }
0x1d: {  	s5 =	simm.s32 @p1 $0x1;
	p0 =	seq.s32 s7, s2  }
0x1e: {  	s7 =	smul.u32 @!p0 $0xF7A, s2;
	p2 =	seq.s32 @!p0 s5, $0x0  }
0x1f: {  	s9 =	smul.u32 $0xF7A, s1;
	s8 =	simm.s32 @!p0 $0x1BF5;
	p2 =	por !p2, p0  }
0x20: {  	[sflag:s8] =	ssyncset.s32 @!p0 $0xFFFFF086;
	s6 =	sadd.s32 @!p0 s3, s7;
	s7 =	simm.s32 @!p0 $0x108  }
0x21: {  	s3 =	sadd.s32 s3, s9;
	s6 =	sadd.s32 @!p0 $0x88, s6;
	s7 =	simm.s32 @p2 $0x1082  }
0x22: {  	[simem:s7], [sflag:s8] =	dma.local @!p0 [hbm:s6], $0xF7A  }
0x23: {  	s9 =	sor.u32 $0xD0000000, s2;
	s6 =	simm.s32 $0x108;
	_ =	swait.ge @!p0 [sflag:s8], $0x0  }
0x24: {  	s3 =	sadd.s32 $0x88, s3;
	s6 =	simm.s32 @!p1 $0x1082;
	[sflag:s4] =	ssyncset.s32 $0xFFFFF086  }
0x25: {  	[simem:s6], [sflag:s4] =	dma.local [hbm:s3], $0xF7A  }
0x26: {  	[smem:$0x3F96] =	sst s1;
	(tag) =	ssettag s2;
	_ =	strace s9  }
0x27: {  	s1 =	sld [smem:$0x3FA6]  }
0x28: {  	s2 =	sld [smem:$0x3FA7]  }
0x29: {  	s4 =	sld [smem:$0x3FA9]  }
0x2a: {  	p0 =	seq.s32 s5, $0x0;
	s5 =	sld [smem:$0x3FAA]  }
0x2b: {  	s6 =	sld [smem:$0x3FAB]  }
0x2c: {  	s7 =	sld [smem:$0x3FAC]  }
0x2d: {  	s3 =	simm.s32 $0x108;
	s8 =	sld [smem:$0x3FAD]  }
0x2e: {  	s3 =	simm.s32 @!p0 $0x1082;
	s9 =	sld [smem:$0x3FAE]  }
0x2f: {  	lr =	sadd.s32 s0, s3;
	s0 =	sld [smem:$0x3FA5]  }
0x30: {  	s3 =	sld [smem:$0x3FA8]  }
0x31: {  	[smem:$0x3FB1] =	sst s10  }
0x32: {  	s10 =	sld [smem:$0x3FAF];
	_ =	sdelay $0x3  }
0x33: {  	p0 =	seq.s32 s10, $0x1;
	s10 =	sld [smem:$0x3FB1];
	_ =	sdelay $0x3  }
0x34: {  	[smem:$0x3FB1] =	sst s10  }
0x35: {  	s10 =	sld [smem:$0x3FB0];
	_ =	sdelay $0x3  }
0x36: {  	p1 =	seq.s32 s10, $0x1;
	s10 =	sld [smem:$0x3FB1];
	_ =	sdelay $0x3  }
0x37: {  	[smem:$0x3FB1] =	sst s10  }
0x38: {  	s10 =	sld [smem:$0x3FB2]  }
0x39: {  	_ = 	snop;
	(pc) =	sbr.ind lr, $3  }
0x3a: {  	_ = 	snop  }
0x3b: {  	_ = 	snop  }
0x3c: {  	p2 =	seq.s32 s10, $0x1;
	s10 =	sld [smem:$0x3FB1]  }
0x3d: {  	_ =	shalt  }
0x3e: {  	_ =	shalt  }
0x3f: {  	_ =	shalt  }
0x40: {  	_ =	shalt  }
0x41: {  	_ =	shalt  }
0x42: {  	_ =	shalt  }
0x43: {  	_ =	shalt  }
0x44: {  	_ =	shalt  }
0x45: {  	_ =	shalt  }
0x46: {  	_ =	shalt  }
0x47: {  	_ =	shalt  }
0x48: {  	_ =	shalt  }
0x49: {  	_ =	shalt  }
0x4a: {  	_ =	shalt  }
0x4b: {  	_ =	shalt  }
0x4c: {  	_ =	shalt  }
0x4d: {  	_ =	shalt  }
0x4e: {  	_ =	shalt  }
0x4f: {  	_ =	shalt  }
0x50: {  	_ =	shalt  }
0x51: {  	_ =	shalt  }
0x52: {  	_ =	shalt  }
0x53: {  	_ =	shalt  }
0x54: {  	_ =	shalt  }
0x55: {  	_ =	shalt  }
0x56: {  	_ =	shalt  }
0x57: {  	_ =	shalt  }
0x58: {  	_ =	shalt  }
0x59: {  	_ =	shalt  }
0x5a: {  	_ =	shalt  }
0x5b: {  	_ =	shalt  }
0x5c: {  	_ =	shalt  }
0x5d: {  	_ =	shalt  }
0x5e: {  	_ =	shalt  }
0x5f: {  	_ =	shalt  }
0x60: {  	_ =	shalt  }
0x61: {  	_ =	shalt  }
0x62: {  	_ =	shalt  }
0x63: {  	_ =	shalt  }
0x64: {  	_ =	shalt  }
0x65: {  	_ =	shalt  }
0x66: {  	_ =	shalt  }
0x67: {  	_ =	shalt  }
0x68: {  	_ =	shalt  }
0x69: {  	_ =	shalt  }
0x6a: {  	_ =	shalt  }
0x6b: {  	_ =	shalt  }
0x6c: {  	_ =	shalt  }
0x6d: {  	_ =	shalt  }
0x6e: {  	_ =	shalt  }
0x6f: {  	_ =	shalt  }
0x70: {  	_ =	shalt  }
0x71: {  	_ =	shalt  }
0x72: {  	_ =	shalt  }
0x73: {  	_ =	shalt  }
0x74: {  	_ =	shalt  }
0x75: {  	_ =	shalt  }
0x76: {  	_ =	shalt  }
0x77: {  	_ =	shalt  }
0x78: {  	_ =	shalt  }
0x79: {  	_ =	shalt  }
0x7a: {  	_ =	shalt  }
0x7b: {  	_ =	shalt  }
0x7c: {  	_ =	shalt  }
0x7d: {  	_ =	shalt  }
0x7e: {  	_ =	shalt  }
0x7f: {  	_ =	shalt  }
0x80: {  	_ =	shalt  }
0x81: {  	_ =	shalt  }
0x82: {  	_ =	shalt  }
0x83: {  	_ =	shalt  }
0x84: {  	_ =	shalt  }
0x85: {  	_ =	shalt  }
0x86: {  	_ =	shalt  }
0x87: {  	_ =	shalt  }
.Lfunc_end0:
.L_simem_size_0:
called_computation.2_lowered:
.L_overlay_start_0:
0x88: {  	s2 =	sld [smem:$0x3FD9]  }
0x89: {  	s3 =	sld [smem:$0x3FFE];
	_ =	sdelay $0x1  }
0x8a: {  	s1 =	srdreg.scid  }
0x8b: {  	s0 =	sand.u32 $0x1, s1  }
0x8c: {  	s14 =	sshll.u32 s0, $0xA;
	s2 =	sadd.s32 s3, s2  }
0x8d: {  	s2 =	sadd.s32 s2, s14  }
0x8e: {  	[smem:$0x3FBD] =	sst s2  }
0x8f: {  	_ = 	snop  }
0x90: {  	s2 =	sld [smem:$0x3FD0];
	_ =	sdelay $0x2  }
0x91: {  	s15 =	simm.s32 $0xB;
	s4 =	simm.s32 $0x10  }
0x92: {  	[smem:s4], [sflag:s15] =	dma.local [hbm:s2], $0x1  }
0x93: {  	_ =	swait.eq [sflag:s15], $0x1  }
0x94: {  	[sflag:s15] =	ssyncset.done $0x0  }
0x95: {  	[sflag:s15] =	ssyncadd.s32 $0xFFFFFFFF  }
0x96: {  	s16 =	sld [smem:$0x10];
	(tm) =	ssettm $0x1  }
0x97: {  	s17 =	sld [smem:$0x3FFB];
	_ =	sdelay $0x3  }
0x98: {  	_ =	strace s17  }
0x99: {  	s3 =	sld [smem:$0x3FFC];
	_ =	sdelay $0x3  }
0x9a: {  	_ =	strace s3  }
0x9b: {  	s3 =	sld [smem:$0x3FFD];
	_ =	sdelay $0x3  }
0x9c: {  	_ =	strace s3  }
0x9d: {  	_ =	strace $0x8FFFFFFF  }
0x9e: {  	s18 =	sld [smem:$0x3FDB];
	_ =	sdelay $0x1  }
0x9f: {  	s19 =	simm.s32 $_scs_section_size  }
0xa0: {  	s5 =	simm.s32 $_size__tile_overlayer_lowered;
	s6 =	simm.s32 $_tile_overlayer_lowered  }
0xa1: {  	s22 =	simm.s32 $0x1BFF;
	s21 =	sshll.u32 s6, $0x1;
	s3 =	sadd.s32 s19, s18  }
0xa2: {  	s7 =	simm.s32 $0x0;
	s20 =	sshll.u32 s5, $0x1;
	s5 =	sadd.s32 s21, s3  }
0xa3: {  	[timem:s7], [sflag:s22] =	dma.local [hbm:s5], s20  }
0xa4: {  	_ =	swait.ge [sflag:s22], s20  }
0xa5: {  	s4 =	ssub.s32 $0x0, s20;
	[sflag:s22] =	ssyncset.done $0x0  }
0xa6: {  	[sflag:s22] =	ssyncadd.s32 s4;
	_ =	sdelay $0x1  }
0xa7: {  	s23 =	simm.s32 $0x1B8B  }
0xa8: {  	_ =	swait.ge [sflag:s23], $0x1  }
0xa9: {  	[sflag:s23] =	ssyncset.done $0x0  }
0xaa: {  	s25 =	simm.s32 $0x1B8E;
	s24 =	sld [smem:$0x3FFE];
	[sflag:s23] =	ssyncadd.s32 $0xFFFFFFFF  }
0xab: {  	s26 =	simm.s32 $execute0_lowered;
	[smem:$0x3FD2] =	sst s25  }
0xac: {  	s5 =	sshll.u32 s26, $0x1;
	_ =	strace $0x8000004C;
	[dreg:$0x1] =	wrdreg $0xFFFFFFFF  }
0xad: {  	s28 =	simm.s32 $_size_execute0_lowered;
	s3 =	sadd.s32 s3, s5;
	[dreg:$0x0] =	wrdreg $0x0  }
0xae: {  	s5 =	sshll.u32 s28, $0x1;
	[dreg:$0x2] =	wrdreg s3  }
0xaf: {  	[dreg:$0x3] =	wrdreg s5  }
0xb0: {  	[dreg:$0x4] =	wrdreg $0xC0  }
0xb1: {  	_ =	task [dreg:s7], $0x5FFFF  }
0xb2: {  	[dreg:$0x1] =	wrdreg $0xFFFFFFFF  }
0xb3: {  	[dreg:$0x0] =	wrdreg $0x60  }
0xb4: {  	[dreg:$0x2] =	wrdreg s24  }
0xb5: {  	[dreg:$0x3] =	wrdreg s16  }
0xb6: {  	[dreg:$0x4] =	wrdreg $0x9  }
0xb7: {  	_ =	task.clear_ibuf [dreg:s7], $0x5FFFF;
	_ =	strace $0x9000004C  }
0xb8: {  	s29 =	simm.s32 $0x9;
	_ =	strace $0x8000004E  }
0xb9: {  	_ =	swait.ge [sflag:s29], $0x1  }
0xba: {  	[sflag:s29] =	ssyncadd.s32 $0xFFFFFFFF  }
0xbb: {  	_ =	strace $0x9000004E  }
0xbc: {  	_ =	sfence  }
0xbd: {  	s30 =	sld [smem:$0x0];
	_ =	sdelay $0x2  }
0xbe: {  	s31 =	sshll.u32 s1, $0xD;
	s1 =	sshrl.u32 s1, $0x2  }
0xbf: {  	s3 =	sand.u32 $0x4000, s31;
	s1 =	sadd.s32 s1, s30  }
0xc0: {  	s0 =	sor.u32 s3, s0;
	s1 =	sshll.u32 s1, $0x11  }
0xc1: {  	s0 =	sor.u32 s1, s0  }
0xc2: {  	s0 =	sadd.s32 $0x8F2B, s0  }
0xc3: {  	[sflag:s0] =	ssyncadd.remote.s32 $0x1  }
0xc4: {  	_ =	sfence.sel $0xFFFF  }
0xc5: {  	[dreg:$0x0] =	wrdreg $0xFFFFFFFF;
	(pc) =	sbr.abs _section_cstart, $3  }
0xc6: {  	[dreg:$0x1] =	wrdreg $0xFFFFFFFF  }
0xc7: {  	_ =	task.clear_ibuf [dreg:s7], $0x2FFFF;
	_ =	strace $0x9FFFFFFF  }
0xc8: {  	(tm) =	ssettm $0x7FFFFFFF  }
0xc9: {  	_ =	shalt  }
tec
execute0_lowered:
.L_overlay_start_1:
0x0: {  	(tag) =	ssettag $0x1  }
0x1: {  	s0 =	rddreg [dreg:$0x0]  }
0x2: {  	s1 =	rddreg [dreg:$0x1]  }
0x3: {  	s2 =	simm.s32 $0x0;
	s3 =	srdreg.scid;
	s13 =	stileid.u32  }
0x4: {  	s17 =	simm.s32 $0x3000;
	s19 =	simm.s32 $0x280;
	s20 =	simm.s32 $0x3800  }
0x5: {  	s21 =	simm.s32 $0x300;
	s29 =	simm.s32 $0x800;
	s28 =	simm.s32 $0xA00  }
0x6: {  	s30 =	simm.s32 $0x2800;
	s31 =	simm.s32 $0x6;
	[smem:$0x7FF] =	sst s2  }
0x7: {  	s7 =	sand.u32 $0x1, s3;
	s6 =	smul.u32 $0x550, s13;
	s3 =	sadd.s32 $0x553400, s0  }
0x8: {  	s8 =	sshll.u32 s13, $0x1;
	_ =	strace $0x8000004D;
	[dreg:$0x5] =	wrdreg s17  }
0x9: {  	s4 =	sadd.s32 $0x3FF400, s0;
	s11 =	smul.u32 $0xAA00, s13;
	[dreg:$0x6] =	wrdreg s19  }
0xa: {  	s5 =	sadd.s32 $0x2AB400, s0;
	s9 =	smul.u32 $0x2A8, s7;
	[dreg:$0x7] =	wrdreg s20  }
0xb: {  	s23 =	sor.u32 s7, s8;
	[dreg:$0x8] =	wrdreg s21;
	s17 =	simm.s32 $0x580  }
0xc: {  	s24 =	ssub.s32 $0x2, s7;
	s19 =	simm.s32 $0x7000;
	[dreg:$0x12] =	wrdreg s17  }
0xd: {  	s26 =	smul.u32 $0x5500, s7;
	s20 =	simm.s32 $0x680;
	[dreg:$0x14] =	wrdreg s19  }
0xe: {  	s21 =	simm.s32 $0x7800;
	s0 =	smul.u32 $0xAA00, s23;
	[dreg:$0x15] =	wrdreg s20  }
0xf: {  	s25 =	sshrl.u32 s24, $0x1;
	s23 =	simm.s32 $0x4000;
	[dreg:$0x16] =	wrdreg s21  }
0x10: {  	s8 =	ssub.s32 s24, s25;
	[dreg:$0x9] =	wrdreg s23;
	s24 =	simm.s32 $0x380  }
0x11: {  	s7 =	smul.u32 $0xAA00, s7;
	s23 =	simm.s32 $0x8000;
	[dreg:$0xa] =	wrdreg s24  }
0x12: {  	s20 =	simm.s32 $0x400;
	s12 =	sadd.s32 s4, s0;
	[dreg:$0x18] =	wrdreg s23  }
0x13: {  	s17 =	simm.s32 $0x1000;
	s15 =	sadd.s32 s5, s0;
	[dreg:$0x1b] =	wrdreg s12  }
0x14: {  	s9 =	sadd.s32 s9, s6;
	s25 =	smax.u32 s8, $0x1;
	[dreg:$0x1c] =	wrdreg s15  }
0x15: {  	s19 =	simm.s32 $0x1800;
	s8 =	sor.u32 $0x6, s9;
	[smem:$0x7F9] =	sst s25  }
0x16: {  	s10 =	sshll.u32 s9, $0x5;
	s9 =	simm.s32 $0xE00;
	[smem:$0x7FA] =	sst s8  }
0x17: {  	s16 =	sor.u32 $0x40, s0;
	s24 =	simm.s32 $0x780;
	[dreg:$0xc] =	wrdreg s9  }
0x18: {  	s0 =	sor.u32 $0x80, s0;
	s18 =	sadd.s32 s4, s16;
	[dreg:$0x19] =	wrdreg s24  }
0x19: {  	s6 =	sadd.s32 s10, s1;
	s10 =	sadd.s32 s5, s16;
	[dreg:$0x1d] =	wrdreg s18  }
0x1a: {  	s21 =	simm.s32 $0x100;
	s22 =	sadd.s32 s4, s0;
	[dreg:$0x1e] =	wrdreg s10  }
0x1b: {  	s23 =	simm.s32 $0x80;
	s0 =	sadd.s32 s5, s0;
	[dreg:$0x1f] =	wrdreg s22  }
0x1c: {  	s1 =	sadd.s32 s11, s1;
	s11 =	simm.s32 $0x5000;
	[smem:$0x7F8] =	sst s0  }
0x1d: {  	s12 =	simm.s32 $0x480;
	s15 =	simm.s32 $0x500;
	[dreg:$0xd] =	wrdreg s11  }
0x1e: {  	s16 =	simm.s32 $0x6000;
	s25 =	simm.s32 $0xC00;
	[dreg:$0xe] =	wrdreg s12  }
0x1f: {  	s24 =	simm.s32 $0x2000;
	s9 =	simm.s32 $0x2;
	[dreg:$0x10] =	wrdreg s15  }
0x20: {  	s14 =	sadd.s32 $0x40, s6;
	s1 =	sadd.s32 s26, s1;
	[dreg:$0x11] =	wrdreg s16  }
0x21: {  	s26 =	simm.s32 $0x4800;
	s10 =	smul.u32 $0x15400, s13;
	[dreg:$0x3] =	wrdreg s14  }
0x22: {  	s18 =	simm.s32 $0x6800;
	s22 =	simm.s32 $0x700;
	[dreg:$0x4] =	wrdreg s1  }
0x23: {  	s0 =	simm.s32 $0x1;
	s11 =	simm.s32 $0x8;
	[dreg:$0xb] =	wrdreg s26  }
0x24: {  	s12 =	simm.s32 $0x3;
	s15 =	simm.s32 $0xA;
	[dreg:$0x13] =	wrdreg s18  }
0x25: {  	s16 =	simm.s32 $0x0;
	s14 =	simm.s32 $0x5800;
	[dreg:$0x17] =	wrdreg s22  }
0x26: {  	s18 =	simm.s32 $0x200;
	s22 =	simm.s32 $0x5;
	[smem:$0x7FD] =	sst s16  }
0x27: {  	s26 =	simm.s32 $0x8800;
	s13 =	sadd.s32 s10, s5;
	[dreg:$0xf] =	wrdreg s14  }
0x28: {  	s1 =	sadd.s32 s10, s4;
	[dreg:$0x1a] =	wrdreg s26;
	s26 =	simm.s32 $0x180  }
0x29: {  	s10 =	simm.s32 $0x9100;
	s14 =	simm.s32 $0x4;
	s8 =	sadd.s32 s7, s13  }
0x2a: {  	s1 =	sadd.s32 s7, s1;
	s7 =	simm.s32 $0x9000;
	s8 =	sadd.s32 $0xC0, s8  }
0x2b: {  	s13 =	simm.s32 $0x9;
	s1 =	sadd.s32 $0xC0, s1;
	[smem:$0x7FB] =	sst s8  }
0x2c: {  	[smem:$0x7FC] =	sst s1;
	s1 =	simm.s32 $0x600;
	s8 =	simm.s32 $0x7  }
.LBB2_1:
0x2d: {  	s16 =	rddreg [dreg:$0x1b]  }
0x2e: {  	[tilespmem:s2], [sflag:$0x5] =	stream.linear.gather [hbm4b:s16+s2], $0x200, $0x38;
	[tilespmem:$0x9200] =	vst v63  }
0x2f: {  	s16 =	rddreg [dreg:$0x1c]  }
0x30: {  	[tilespmem:s29], [sflag:$0x5] =	stream.linear.gather [hbm4b:s16+s2], $0x200, $0x38;
	[tilespmem:$0x9200] =	vst v63  }
0x31: {  	s16 =	rddreg [dreg:$0x1d]  }
0x32: {  	[tilespmem:s18], [sflag:$0x6] =	stream.linear.gather [hbm4b:s16+s2], $0x200, $0x38;
	[tilespmem:$0x9200] =	vst v63  }
0x33: {  	s16 =	rddreg [dreg:$0x1e]  }
0x34: {  	[tilespmem:s28], [sflag:$0x6] =	stream.linear.gather [hbm4b:s16+s2], $0x200, $0x38;
	[tilespmem:$0x9200] =	vst v63  }
0x35: {  	s28 =	rddreg [dreg:$0x1f]  }
0x36: {  	[tilespmem:s20], [sflag:$0x7] =	stream.linear.gather [hbm4b:s28+s2], $0x200, $0x38;
	[tilespmem:$0x9200] =	vst v63  }
0x37: {  	s28 =	sld [smem:$0x7F8];
	_ =	sdelay $0x2  }
0x38: {  	[tilespmem:s25], [sflag:$0x7] =	stream.linear.gather [hbm4b:s28+s2], $0x200, $0x38;
	[tilespmem:$0x9200] =	vst v63  }
0x39: {  	_ =	swait.ge [sflag:s22], $0x200  }
0x3a: {  	[sflag:s22] =	ssyncset.done $0x0  }
0x3b: {  	[sflag:s22] =	ssyncadd.s32 $0xFFFFFE00  }
0x3c: {  	_ =	swait.ge [sflag:s22], $0x200  }
0x3d: {  	[sflag:s22] =	ssyncset.done $0x0  }
0x3e: {  	[sflag:s22] =	ssyncadd.s32 $0xFFFFFE00  }
0x3f: {  	[tilespmem:s17], [sflag:$0x1] =	stream.indirect.gather [hbm4b:s3+s23], $0x10, s2, s23, $0xb8;
	[tilespmem:$0x9200] =	vst v63  }
0x40: {  	s16 =	sld [smem:$0x7FC]  }
0x41: {  	[tilespmem:s19], [sflag:$0x1] =	stream.indirect.gather [hbm4b:s3+s23], $0x10, s23, s23, $0xb8;
	[tilespmem:$0x9200] =	vst v63  }
0x42: {  	s17 =	sld [smem:$0x7FB]  }
0x43: {  	[tilespmem:s24], [sflag:$0x1] =	stream.indirect.gather [hbm4b:s3+s23], $0x10, s21, s23, $0xb8;
	[tilespmem:$0x9200] =	vst v63  }
0x44: {  	s19 =	sld [smem:$0x7FA];
	s21 =	simm.s32 $0x0  }
0x45: {  	[tilespmem:s30], [sflag:$0x1] =	stream.indirect.gather [hbm4b:s3+s23], $0x10, s26, s23, $0xb8;
	[tilespmem:$0x9200] =	vst v63  }
.LBB2_2:
0x46: {  	_ =	swait.ge [sflag:s31], $0x200  }
0x47: {  	[sflag:s31] =	ssyncset.done $0x0  }
0x48: {  	[sflag:s31] =	ssyncadd.s32 $0xFFFFFE00  }
0x49: {  	_ =	swait.ge [sflag:s31], $0x200  }
0x4a: {  	s24 =	rddreg [dreg:$0x5]  }
0x4b: {  	s25 =	rddreg [dreg:$0x6]  }
0x4c: {  	[sflag:s31] =	ssyncset.done $0x0;
	s26 =	rddreg [dreg:$0x7]  }
0x4d: {  	s28 =	rddreg [dreg:$0xb];
	[sflag:s31] =	ssyncadd.s32 $0xFFFFFE00  }
0x4e: {  	[tilespmem:s24], [sflag:$0x2] =	stream.indirect.gather [hbm4b:s3+s23], $0x10, s18, s23, $0xb8;
	[tilespmem:$0x9200] =	vst v63  }
0x4f: {  	s24 =	rddreg [dreg:$0x8]  }
0x50: {  	[tilespmem:s26], [sflag:$0x2] =	stream.indirect.gather [hbm4b:s3+s23], $0x10, s25, s23, $0xb8;
	[tilespmem:$0x9200] =	vst v63  }
0x51: {  	s25 =	rddreg [dreg:$0x9]  }
0x52: {  	[tilespmem:s25], [sflag:$0x2] =	stream.indirect.gather [hbm4b:s3+s23], $0x10, s24, s23, $0xb8;
	[tilespmem:$0x9200] =	vst v63  }
0x53: {  	s26 =	rddreg [dreg:$0xa]  }
0x54: {  	[tilespmem:s28], [sflag:$0x2] =	stream.indirect.gather [hbm4b:s3+s23], $0x10, s26, s23, $0xb8;
	[tilespmem:$0x9200] =	vst v63  }
0x55: {  	_ =	swait.ge [sflag:s0], $0x800  }
0x56: {  	[sflag:s0] =	ssyncset.done $0x0  }
0x57: {  	[sflag:s0] =	ssyncadd.s32 $0xFFFFF800  }
0x58: {  	_ =	swait.ge [sflag:s0], $0x800  }
0x59: {  	[sflag:s0] =	ssyncset.done $0x0  }
0x5a: {  	[sflag:s0] =	ssyncadd.s32 $0xFFFFF800  }
0x5b: {  	_ =	swait.ge [sflag:s0], $0x800  }
0x5c: {  	[sflag:s0] =	ssyncset.done $0x0  }
0x5d: {  	[sflag:s0] =	ssyncadd.s32 $0xFFFFF800  }
0x5e: {  	_ =	swait.ge [sflag:s0], $0x800  }
0x5f: {  	[sflag:s0] =	ssyncset.done $0x0  }
0x60: {  	p0 =	seq.s32 s21, $0x0;
	[sflag:s0] =	ssyncadd.s32 $0xFFFFF800  }
0x61: {  	[tilespmem:s1], [sflag:$0x8] =	stream.linear.gather [hbm4b:s16+s2], $0x200, $0x38;
	[tilespmem:$0x9200] =	vst v63  }
0x62: {  	s24 =	simm.s32 @!p0 $0x9;
	s26 =	rddreg [dreg:$0xc]  }
0x63: {  	[tilespmem:s26], [sflag:$0x8] =	stream.linear.gather [hbm4b:s17+s2], $0x200, $0x38;
	[tilespmem:$0x9200] =	vst v63  }
0x64: {  	_ =	swait.ge @!p0 [sflag:s24], $0x100  }
0x65: {  	[sflag:s24] =	ssyncset.done @!p0 $0x0  }
0x66: {  	[sflag:s24] =	ssyncadd.s32 @!p0 $0xFFFFFF00  }
0x67: {  	v0 =	vld [tilespmem:$0x1000];
	_ =	sdelay $0x1  }
0x68: {  	v1 =	vld [tilespmem:$0x1010];
	_ =	sdelay $0x1  }
0x69: {  	v2 =	vld [tilespmem:$0x1020]  }
0x6a: {  	v3 =	vunpack.i.l.bf16.f32 v0  }
0x6b: {  	v55 =	vld [tilespmem:$0x1030];
	v0 =	vunpack.i.u.bf16.f32 v0;
	[tilespmem:$0x9000] =	vst v3  }
0x6c: {  	v57 =	vld [tilespmem:$0x1040];
	v56 =	vunpack.i.l.bf16.f32 v1;
	[tilespmem:$0x9010] =	vst v0  }
0x6d: {  	v59 =	vld [tilespmem:$0x1050];
	v1 =	vunpack.i.u.bf16.f32 v1;
	[tilespmem:$0x9020] =	vst v56  }
0x6e: {  	v61 =	vld [tilespmem:$0x1060];
	v58 =	vunpack.i.l.bf16.f32 v2;
	[tilespmem:$0x9030] =	vst v1  }
0x6f: {  	v2 =	vunpack.i.u.bf16.f32 v2;
	[tilespmem:$0x9040] =	vst v58  }
0x70: {  	v63 =	vld [tilespmem:$0x1070];
	v60 =	vunpack.i.l.bf16.f32 v55;
	[tilespmem:$0x9050] =	vst v2  }
0x71: {  	v62 =	vunpack.i.l.bf16.f32 v57;
	[tilespmem:$0x9060] =	vst v60  }
0x72: {  	v4 =	vunpack.i.l.bf16.f32 v59;
	[tilespmem:$0x9080] =	vst v62  }
0x73: {  	v5 =	vunpack.i.l.bf16.f32 v61;
	[tilespmem:$0x90A0] =	vst v4  }
0x74: {  	v6 =	vunpack.i.u.bf16.f32 v61;
	[tilespmem:$0x90C0] =	vst v5  }
0x75: {  	v7 =	vunpack.i.l.bf16.f32 v63;
	[tilespmem:$0x90D0] =	vst v6  }
0x76: {  	v8 =	vunpack.i.u.bf16.f32 v63;
	[tilespmem:$0x90E0] =	vst v7  }
0x77: {  	v3 =	vunpack.i.u.bf16.f32 v55;
	[tilespmem:$0x90F0] =	vst v8  }
0x78: {  	v0 =	vunpack.i.u.bf16.f32 v57;
	[tilespmem:$0x9070] =	vst v3  }
0x79: {  	s25 =	rddreg [dreg:$0x4];
	v1 =	vunpack.i.u.bf16.f32 v59;
	[tilespmem:$0x9090] =	vst v0  }
0x7a: {  	s24 =	sadd.s32 s21, s25;
	[tilespmem:$0x90B0] =	vst v1  }
0x7b: {  	[hbm4b:s24+s2] =	stream.linear.scatter [tilespmem:s7], [sflag:$0x9], $0x100, $0x38;
	[tilespmem:$0x9200] =	vst v63  }
0x7c: {  	_ =	swait.ge [sflag:s8], $0x200  }
0x7d: {  	[sflag:s8] =	ssyncset.done $0x0  }
0x7e: {  	[sflag:s8] =	ssyncadd.s32 $0xFFFFFE00  }
0x7f: {  	_ =	swait.ge [sflag:s8], $0x200  }
0x80: {  	s24 =	rddreg [dreg:$0xd]  }
0x81: {  	s25 =	rddreg [dreg:$0xe]  }
0x82: {  	[sflag:s8] =	ssyncset.done $0x0;
	s26 =	rddreg [dreg:$0xf]  }
0x83: {  	s28 =	rddreg [dreg:$0x13];
	[sflag:s8] =	ssyncadd.s32 $0xFFFFFE00  }
0x84: {  	[tilespmem:s24], [sflag:$0x3] =	stream.indirect.gather [hbm4b:s3+s23], $0x10, s20, s23, $0xb8;
	[tilespmem:$0x9200] =	vst v63  }
0x85: {  	s24 =	rddreg [dreg:$0x10]  }
0x86: {  	[tilespmem:s26], [sflag:$0x3] =	stream.indirect.gather [hbm4b:s3+s23], $0x10, s25, s23, $0xb8;
	[tilespmem:$0x9200] =	vst v63  }
0x87: {  	s25 =	rddreg [dreg:$0x11]  }
0x88: {  	[tilespmem:s25], [sflag:$0x3] =	stream.indirect.gather [hbm4b:s3+s23], $0x10, s24, s23, $0xb8;
	[tilespmem:$0x9200] =	vst v63  }
0x89: {  	s26 =	rddreg [dreg:$0x12]  }
0x8a: {  	[tilespmem:s28], [sflag:$0x3] =	stream.indirect.gather [hbm4b:s3+s23], $0x10, s26, s23, $0xb8;
	[tilespmem:$0x9200] =	vst v63  }
0x8b: {  	_ =	swait.ge [sflag:s9], $0x800  }
0x8c: {  	[sflag:s9] =	ssyncset.done $0x0  }
0x8d: {  	[sflag:s9] =	ssyncadd.s32 $0xFFFFF800  }
0x8e: {  	_ =	swait.ge [sflag:s9], $0x800  }
0x8f: {  	[sflag:s9] =	ssyncset.done $0x0  }
0x90: {  	[sflag:s9] =	ssyncadd.s32 $0xFFFFF800  }
0x91: {  	_ =	swait.ge [sflag:s9], $0x800  }
0x92: {  	s24 =	sadd.s32 $0xFFFFFFFE, s19;
	[sflag:s9] =	ssyncset.done $0x0  }
0x93: {  	p1 =	slt.s32 s24, $0x54FF;
	[sflag:s9] =	ssyncadd.s32 $0xFFFFF800  }
0x94: {  	s24 =	simm.s32 @!p1 $0x54FF;
	_ =	swait.ge [sflag:s9], $0x800  }
0x95: {  	s24 =	sshll.u32 s24, $0x6;
	[sflag:s9] =	ssyncset.done $0x0  }
0x96: {  	s26 =	sadd.s32 s4, s24;
	[sflag:s9] =	ssyncadd.s32 $0xFFFFF800  }
0x97: {  	[tilespmem:s2], [sflag:$0x5] =	stream.linear.gather [hbm4b:s26+s2], $0x200, $0x38;
	[tilespmem:$0x9200] =	vst v63  }
0x98: {  	s24 =	sadd.s32 s5, s24  }
0x99: {  	[tilespmem:s29], [sflag:$0x5] =	stream.linear.gather [hbm4b:s24+s2], $0x200, $0x38;
	[tilespmem:$0x9200] =	vst v63  }
0x9a: {  	s24 =	simm.s32 @!p0 $0xA  }
0x9b: {  	_ =	swait.ge @!p0 [sflag:s24], $0x100  }
0x9c: {  	[sflag:s24] =	ssyncset.done @!p0 $0x0  }
0x9d: {  	[sflag:s24] =	ssyncadd.s32 @!p0 $0xFFFFFF00  }
0x9e: {  	v9 =	vld [tilespmem:$0x3000];
	_ =	sdelay $0x1  }
0x9f: {  	v10 =	vld [tilespmem:$0x3010];
	_ =	sdelay $0x1  }
0xa0: {  	v11 =	vld [tilespmem:$0x3020]  }
0xa1: {  	v12 =	vunpack.i.l.bf16.f32 v9  }
0xa2: {  	v13 =	vld [tilespmem:$0x3030];
	v0 =	vunpack.i.u.bf16.f32 v9;
	[tilespmem:$0x9100] =	vst v12  }
0xa3: {  	v14 =	vunpack.i.l.bf16.f32 v10;
	[tilespmem:$0x9110] =	vst v0  }
0xa4: {  	v15 =	vld [tilespmem:$0x3040];
	v1 =	vunpack.i.u.bf16.f32 v10;
	[tilespmem:$0x9120] =	vst v14  }
0xa5: {  	v17 =	vld [tilespmem:$0x3050];
	v16 =	vunpack.i.l.bf16.f32 v11;
	[tilespmem:$0x9130] =	vst v1  }
0xa6: {  	v19 =	vld [tilespmem:$0x3060];
	v2 =	vunpack.i.u.bf16.f32 v11;
	[tilespmem:$0x9140] =	vst v16  }
0xa7: {  	v18 =	vunpack.i.l.bf16.f32 v13;
	[tilespmem:$0x9150] =	vst v2  }
0xa8: {  	v21 =	vld [tilespmem:$0x3070];
	v3 =	vunpack.i.u.bf16.f32 v13;
	[tilespmem:$0x9160] =	vst v18  }
0xa9: {  	v20 =	vunpack.i.l.bf16.f32 v15;
	[tilespmem:$0x9170] =	vst v3  }
0xaa: {  	v22 =	vunpack.i.l.bf16.f32 v17;
	[tilespmem:$0x9180] =	vst v20  }
0xab: {  	v23 =	vunpack.i.l.bf16.f32 v19;
	[tilespmem:$0x91A0] =	vst v22  }
0xac: {  	v24 =	vunpack.i.u.bf16.f32 v19;
	[tilespmem:$0x91C0] =	vst v23  }
0xad: {  	v25 =	vunpack.i.l.bf16.f32 v21;
	[tilespmem:$0x91D0] =	vst v24  }
0xae: {  	v26 =	vunpack.i.u.bf16.f32 v21;
	[tilespmem:$0x91E0] =	vst v25  }
0xaf: {  	v0 =	vunpack.i.u.bf16.f32 v15;
	[tilespmem:$0x91F0] =	vst v26  }
0xb0: {  	s24 =	sadd.s32 s21, s6;
	v1 =	vunpack.i.u.bf16.f32 v17;
	[tilespmem:$0x9190] =	vst v0  }
0xb1: {  	s26 =	sadd.s32 $0x20, s24;
	[tilespmem:$0x91B0] =	vst v1  }
0xb2: {  	[hbm4b:s26+s2] =	stream.linear.scatter [tilespmem:s10], [sflag:$0xA], $0x100, $0x38;
	[tilespmem:$0x9200] =	vst v63  }
0xb3: {  	_ =	swait.ge [sflag:s11], $0x200  }
0xb4: {  	[sflag:s11] =	ssyncset.done $0x0  }
0xb5: {  	[sflag:s11] =	ssyncadd.s32 $0xFFFFFE00  }
0xb6: {  	_ =	swait.ge [sflag:s11], $0x200  }
0xb7: {  	s25 =	rddreg [dreg:$0x14]  }
0xb8: {  	s26 =	rddreg [dreg:$0x15]  }
0xb9: {  	[sflag:s11] =	ssyncset.done $0x0;
	s28 =	rddreg [dreg:$0x16]  }
0xba: {  	s29 =	rddreg [dreg:$0x1a];
	[sflag:s11] =	ssyncadd.s32 $0xFFFFFE00  }
0xbb: {  	[tilespmem:s25], [sflag:$0x4] =	stream.indirect.gather [hbm4b:s3+s23], $0x10, s1, s23, $0xb8;
	[tilespmem:$0x9200] =	vst v63  }
0xbc: {  	s25 =	rddreg [dreg:$0x17]  }
0xbd: {  	[tilespmem:s28], [sflag:$0x4] =	stream.indirect.gather [hbm4b:s3+s23], $0x10, s26, s23, $0xb8;
	[tilespmem:$0x9200] =	vst v63  }
0xbe: {  	s26 =	rddreg [dreg:$0x18]  }
0xbf: {  	[tilespmem:s26], [sflag:$0x4] =	stream.indirect.gather [hbm4b:s3+s23], $0x10, s25, s23, $0xb8;
	[tilespmem:$0x9200] =	vst v63  }
0xc0: {  	s28 =	rddreg [dreg:$0x19]  }
0xc1: {  	[tilespmem:s29], [sflag:$0x4] =	stream.indirect.gather [hbm4b:s3+s23], $0x10, s28, s23, $0xb8;
	[tilespmem:$0x9200] =	vst v63  }
0xc2: {  	_ =	swait.ge [sflag:s12], $0x800  }
0xc3: {  	[sflag:s12] =	ssyncset.done $0x0  }
0xc4: {  	[sflag:s12] =	ssyncadd.s32 $0xFFFFF800  }
0xc5: {  	_ =	swait.ge [sflag:s12], $0x800  }
0xc6: {  	[sflag:s12] =	ssyncset.done $0x0  }
0xc7: {  	[sflag:s12] =	ssyncadd.s32 $0xFFFFF800  }
0xc8: {  	_ =	swait.ge [sflag:s12], $0x800  }
0xc9: {  	s25 =	sadd.s32 $0xFFFFFFFF, s19;
	[sflag:s12] =	ssyncset.done $0x0  }
0xca: {  	p0 =	slt.s32 s25, $0x54FF;
	[sflag:s12] =	ssyncadd.s32 $0xFFFFF800  }
0xcb: {  	s25 =	simm.s32 @!p0 $0x54FF;
	_ =	swait.ge [sflag:s12], $0x800  }
0xcc: {  	s25 =	sshll.u32 s25, $0x6;
	[sflag:s12] =	ssyncset.done $0x0  }
0xcd: {  	s26 =	sadd.s32 s4, s25;
	[sflag:s12] =	ssyncadd.s32 $0xFFFFF800  }
0xce: {  	[tilespmem:s18], [sflag:$0x6] =	stream.linear.gather [hbm4b:s26+s2], $0x200, $0x38;
	[tilespmem:$0x9200] =	vst v63  }
0xcf: {  	s28 =	simm.s32 $0xA00;
	s25 =	sadd.s32 s5, s25  }
0xd0: {  	[tilespmem:s28], [sflag:$0x6] =	stream.linear.gather [hbm4b:s25+s2], $0x200, $0x38;
	[tilespmem:$0x9200] =	vst v63  }
0xd1: {  	_ =	swait.ge [sflag:s13], $0x100  }
0xd2: {  	[sflag:s13] =	ssyncset.done $0x0  }
0xd3: {  	[sflag:s13] =	ssyncadd.s32 $0xFFFFFF00  }
0xd4: {  	v27 =	vld [tilespmem:$0x5000];
	_ =	sdelay $0x1  }
0xd5: {  	v28 =	vld [tilespmem:$0x5010];
	_ =	sdelay $0x1  }
0xd6: {  	v29 =	vld [tilespmem:$0x5020]  }
0xd7: {  	v30 =	vunpack.i.l.bf16.f32 v27  }
0xd8: {  	v31 =	vld [tilespmem:$0x5030];
	v0 =	vunpack.i.u.bf16.f32 v27;
	[tilespmem:$0x9000] =	vst v30  }
0xd9: {  	v32 =	vunpack.i.l.bf16.f32 v28;
	[tilespmem:$0x9010] =	vst v0  }
0xda: {  	v33 =	vld [tilespmem:$0x5040];
	v1 =	vunpack.i.u.bf16.f32 v28;
	[tilespmem:$0x9020] =	vst v32  }
0xdb: {  	v35 =	vld [tilespmem:$0x5050];
	v34 =	vunpack.i.l.bf16.f32 v29;
	[tilespmem:$0x9030] =	vst v1  }
0xdc: {  	v37 =	vld [tilespmem:$0x5060];
	v2 =	vunpack.i.u.bf16.f32 v29;
	[tilespmem:$0x9040] =	vst v34  }
0xdd: {  	v36 =	vunpack.i.l.bf16.f32 v31;
	[tilespmem:$0x9050] =	vst v2  }
0xde: {  	v39 =	vld [tilespmem:$0x5070];
	v3 =	vunpack.i.u.bf16.f32 v31;
	[tilespmem:$0x9060] =	vst v36  }
0xdf: {  	v38 =	vunpack.i.l.bf16.f32 v33;
	[tilespmem:$0x9070] =	vst v3  }
0xe0: {  	v40 =	vunpack.i.l.bf16.f32 v35;
	[tilespmem:$0x9080] =	vst v38  }
0xe1: {  	v41 =	vunpack.i.l.bf16.f32 v37;
	[tilespmem:$0x90A0] =	vst v40  }
0xe2: {  	v42 =	vunpack.i.u.bf16.f32 v37;
	[tilespmem:$0x90C0] =	vst v41  }
0xe3: {  	v43 =	vunpack.i.l.bf16.f32 v39;
	[tilespmem:$0x90D0] =	vst v42  }
0xe4: {  	v44 =	vunpack.i.u.bf16.f32 v39;
	[tilespmem:$0x90E0] =	vst v43  }
0xe5: {  	v0 =	vunpack.i.u.bf16.f32 v33;
	[tilespmem:$0x90F0] =	vst v44  }
0xe6: {  	s26 =	rddreg [dreg:$0x3];
	v1 =	vunpack.i.u.bf16.f32 v35;
	[tilespmem:$0x9090] =	vst v0  }
0xe7: {  	s25 =	sadd.s32 s21, s26;
	[tilespmem:$0x90B0] =	vst v1  }
0xe8: {  	[hbm4b:s25+s2] =	stream.linear.scatter [tilespmem:s7], [sflag:$0x9], $0x100, $0x38;
	[tilespmem:$0x9200] =	vst v63  }
0xe9: {  	_ =	swait.ge [sflag:s22], $0x200  }
0xea: {  	[sflag:s22] =	ssyncset.done $0x0  }
0xeb: {  	[sflag:s22] =	ssyncadd.s32 $0xFFFFFE00  }
0xec: {  	_ =	swait.ge [sflag:s22], $0x200  }
0xed: {  	[sflag:s22] =	ssyncset.done $0x0  }
0xee: {  	s26 =	simm.s32 $0x1000;
	[sflag:s22] =	ssyncadd.s32 $0xFFFFFE00  }
0xef: {  	[tilespmem:s26], [sflag:$0x1] =	stream.indirect.gather [hbm4b:s3+s23], $0x10, s2, s23, $0xb8;
	[tilespmem:$0x9200] =	vst v63  }
0xf0: {  	s26 =	simm.s32 $0x1800  }
0xf1: {  	[tilespmem:s26], [sflag:$0x1] =	stream.indirect.gather [hbm4b:s3+s23], $0x10, s23, s23, $0xb8;
	[tilespmem:$0x9200] =	vst v63  }
0xf2: {  	s25 =	simm.s32 $0x100;
	s26 =	simm.s32 $0x2000  }
0xf3: {  	[tilespmem:s26], [sflag:$0x1] =	stream.indirect.gather [hbm4b:s3+s23], $0x10, s25, s23, $0xb8;
	[tilespmem:$0x9200] =	vst v63  }
0xf4: {  	s25 =	simm.s32 $0x180;
	s26 =	simm.s32 $0x2800  }
0xf5: {  	[tilespmem:s26], [sflag:$0x1] =	stream.indirect.gather [hbm4b:s3+s23], $0x10, s25, s23, $0xb8;
	[tilespmem:$0x9200] =	vst v63  }
0xf6: {  	_ =	swait.ge [sflag:s14], $0x800  }
0xf7: {  	[sflag:s14] =	ssyncset.done $0x0  }
0xf8: {  	[sflag:s14] =	ssyncadd.s32 $0xFFFFF800  }
0xf9: {  	_ =	swait.ge [sflag:s14], $0x800  }
0xfa: {  	[sflag:s14] =	ssyncset.done $0x0  }
0xfb: {  	[sflag:s14] =	ssyncadd.s32 $0xFFFFF800  }
0xfc: {  	_ =	swait.ge [sflag:s14], $0x800  }
0xfd: {  	[sflag:s14] =	ssyncset.done $0x0  }
0xfe: {  	p0 =	slt.s32 s19, $0x54FF;
	s25 =	smov.u32 s19;
	[sflag:s14] =	ssyncadd.s32 $0xFFFFF800  }
0xff: {  	s25 =	simm.s32 @!p0 $0x54FF;
	_ =	swait.ge [sflag:s14], $0x800  }
0x100: {  	s25 =	sshll.u32 s25, $0x6;
	[sflag:s14] =	ssyncset.done $0x0  }
0x101: {  	s26 =	sadd.s32 s4, s25;
	[sflag:s14] =	ssyncadd.s32 $0xFFFFF800  }
0x102: {  	[tilespmem:s20], [sflag:$0x7] =	stream.linear.gather [hbm4b:s26+s2], $0x200, $0x38;
	[tilespmem:$0x9200] =	vst v63  }
0x103: {  	s30 =	simm.s32 $0xC00;
	s25 =	sadd.s32 s5, s25  }
0x104: {  	[tilespmem:s30], [sflag:$0x7] =	stream.linear.gather [hbm4b:s25+s2], $0x200, $0x38;
	[tilespmem:$0x9200] =	vst v63  }
0x105: {  	_ =	swait.ge [sflag:s15], $0x100  }
0x106: {  	[sflag:s15] =	ssyncset.done $0x0  }
0x107: {  	[sflag:s15] =	ssyncadd.s32 $0xFFFFFF00  }
0x108: {  	v45 =	vld [tilespmem:$0x7000];
	_ =	sdelay $0x1  }
0x109: {  	v46 =	vld [tilespmem:$0x7010];
	_ =	sdelay $0x1  }
0x10a: {  	v47 =	vld [tilespmem:$0x7020]  }
0x10b: {  	v48 =	vunpack.i.l.bf16.f32 v45  }
0x10c: {  	v49 =	vld [tilespmem:$0x7030];
	v0 =	vunpack.i.u.bf16.f32 v45;
	[tilespmem:$0x9100] =	vst v48  }
0x10d: {  	v50 =	vunpack.i.l.bf16.f32 v46;
	[tilespmem:$0x9110] =	vst v0  }
0x10e: {  	v51 =	vld [tilespmem:$0x7040];
	v1 =	vunpack.i.u.bf16.f32 v46;
	[tilespmem:$0x9120] =	vst v50  }
0x10f: {  	v53 =	vld [tilespmem:$0x7050];
	v52 =	vunpack.i.l.bf16.f32 v47;
	[tilespmem:$0x9130] =	vst v1  }
0x110: {  	v2 =	vunpack.i.u.bf16.f32 v47;
	[tilespmem:$0x9140] =	vst v52  }
0x111: {  	v55 =	vld [tilespmem:$0x7060];
	v54 =	vunpack.i.l.bf16.f32 v49;
	[tilespmem:$0x9150] =	vst v2  }
0x112: {  	v3 =	vunpack.i.u.bf16.f32 v49;
	[tilespmem:$0x9160] =	vst v54  }
0x113: {  	v57 =	vld [tilespmem:$0x7070];
	v56 =	vunpack.i.l.bf16.f32 v51;
	[tilespmem:$0x9170] =	vst v3  }
0x114: {  	v58 =	vunpack.i.l.bf16.f32 v53;
	[tilespmem:$0x9180] =	vst v56  }
0x115: {  	v59 =	vunpack.i.u.bf16.f32 v53;
	[tilespmem:$0x91A0] =	vst v58  }
0x116: {  	s21 =	sadd.s32 $0x80, s21;
	v60 =	vunpack.i.l.bf16.f32 v55;
	[tilespmem:$0x91B0] =	vst v59  }
0x117: {  	p0 =	sne.s32 s21, $0x5500;
	v61 =	vunpack.i.u.bf16.f32 v55;
	[tilespmem:$0x91C0] =	vst v60  }
.Ltmp0:
0x118: {  	v62 =	vunpack.i.l.bf16.f32 v57;
	[tilespmem:$0x91D0] =	vst v61;
	(pc) =	sbr.rel @p0 .LBB2_2-.Ltmp0, $4  }
0x119: {  	v63 =	vunpack.i.u.bf16.f32 v57;
	[tilespmem:$0x91E0] =	vst v62  }
0x11a: {  	s16 =	sadd.s32 $0x100, s16;
	s17 =	sadd.s32 $0x100, s17;
	s24 =	sadd.s32 $0x60, s24;
	v0 =	vunpack.i.u.bf16.f32 v51;
	[tilespmem:$0x91F0] =	vst v63  }
0x11b: {  	s29 =	simm.s32 $0x800;
	s19 =	sadd.s32 $0x4, s19;
	s25 =	simm.s32 $0xC00;
	[tilespmem:$0x9190] =	vst v0  }
0x11c: {  	[hbm4b:s24+s2] =	stream.linear.scatter [tilespmem:s10], [sflag:$0xA], $0x100, $0x38;
	[tilespmem:$0x9200] =	vst v63  }
0x11d: {  	_ =	swait.ge [sflag:s0], $0x800  }
0x11e: {  	[sflag:s0] =	ssyncset.done $0x0  }
0x11f: {  	[sflag:s0] =	ssyncadd.s32 $0xFFFFF800  }
0x120: {  	_ =	swait.ge [sflag:s0], $0x800  }
0x121: {  	[sflag:s0] =	ssyncset.done $0x0  }
0x122: {  	[sflag:s0] =	ssyncadd.s32 $0xFFFFF800  }
0x123: {  	_ =	swait.ge [sflag:s0], $0x800  }
0x124: {  	[sflag:s0] =	ssyncset.done $0x0  }
0x125: {  	[sflag:s0] =	ssyncadd.s32 $0xFFFFF800  }
0x126: {  	_ =	swait.ge [sflag:s0], $0x800  }
0x127: {  	[sflag:s0] =	ssyncset.done $0x0  }
0x128: {  	[sflag:s0] =	ssyncadd.s32 $0xFFFFF800  }
0x129: {  	_ =	swait.ge [sflag:s31], $0x200  }
0x12a: {  	[sflag:s31] =	ssyncset.done $0x0  }
0x12b: {  	[sflag:s31] =	ssyncadd.s32 $0xFFFFFE00  }
0x12c: {  	_ =	swait.ge [sflag:s31], $0x200  }
0x12d: {  	[sflag:s31] =	ssyncset.done $0x0  }
0x12e: {  	[sflag:s31] =	ssyncadd.s32 $0xFFFFFE00  }
0x12f: {  	_ =	swait.ge [sflag:s8], $0x200  }
0x130: {  	[sflag:s8] =	ssyncset.done $0x0  }
0x131: {  	[sflag:s8] =	ssyncadd.s32 $0xFFFFFE00  }
0x132: {  	_ =	swait.ge [sflag:s8], $0x200  }
0x133: {  	[sflag:s8] =	ssyncset.done $0x0  }
0x134: {  	[sflag:s8] =	ssyncadd.s32 $0xFFFFFE00  }
0x135: {  	_ =	swait.ge [sflag:s13], $0x100  }
0x136: {  	[sflag:s13] =	ssyncset.done $0x0  }
0x137: {  	[sflag:s13] =	ssyncadd.s32 $0xFFFFFF00  }
0x138: {  	_ =	swait.ge [sflag:s15], $0x100  }
0x139: {  	s17 =	sld [smem:$0x7FD]  }
0x13a: {  	s16 =	sld [smem:$0x7F9];
	_ =	sdelay $0x1  }
0x13b: {  	s17 =	sadd.s32 $0x1, s17  }
0x13c: {  	p0 =	sne.s32 s17, s16  }
.Ltmp1:
0x13d: {  	_ = 	snop;
	(pc) =	sbr.rel @p0 .LBB2_1-.Ltmp1, $4  }
0x13e: {  	_ = 	snop  }
0x13f: {  	s19 =	simm.s32 $0x1800;
	s21 =	simm.s32 $0x100;
	s24 =	simm.s32 $0x2000  }
0x140: {  	s26 =	simm.s32 $0x180;
	s30 =	simm.s32 $0x2800;
	[sflag:s15] =	ssyncset.done $0x0  }
0x141: {  	[sflag:s15] =	ssyncadd.s32 $0xFFFFFF00;
	[smem:$0x7FD] =	sst s17;
	s17 =	simm.s32 $0x1000  }
0x142: {  	_ =	sfence.sel $0x180000  }
0x143: {  	[bflag:$0x0] =	sbarrier.arrive $0xFFFF  }
0x144: {  	_ =	strace $0x9000004D  }
0x145: {  	s0 =	stileid.u32;
	[bflag:$0x2] =	sbarrier.arrive $0xFFFF  }
0x146: {  	p0 =	sne.s32 s0, $0x0;
	s0 =	rddreg [dreg:$0x2]  }
0x147: {  	s0 =	sadd.s32 @!p0 $0x100000, s0  }
0x148: {  	[sflag:s0] =	ssyncadd.tile.s32 @!p0 $0x1;
	_ =	shalt  }
.Lfunc_end2:
_tile_overlayer_lowered:
.L_overlay_start_2:
0x149: {  	(tag) =	ssettag $0x2  }
0x14a: {  	s0 =	rddreg [dreg:$0x0];
	s2 =	stileid.u32  }
0x14b: {  	s1 =	rddreg [dreg:$0x1];
	p0 =	sne.s32 s2, $0x0  }
0x14c: {  	s3 =	rddreg [dreg:$0x2];
	[bflag:$0x3] =	sbarrier.arrive $0xFFFF;
	s2 =	simm.s32 @!p0 $0x1C0B  }
0x14d: {  	[timem:s3], [sflag:s2] =	dma.local @!p0 [hbm:s0], s1  }
0x14e: {  	s0 =	simm.s32 @!p0 $0xB  }
0x14f: {  	_ =	swait.ge @!p0 [sflag:s0], s1  }
0x150: {  	s1 =	ssub.s32 @!p0 $0x0, s1;
	[sflag:s0] =	ssyncset.done @!p0 $0x0  }
0x151: {  	[sflag:s0] =	ssyncadd.s32 @!p0 s1  }
0x152: {  	[bflag:$0x3] =	sbarrier.arrive $0xFFFF  }
0x153: {  	_ =	shalt  }

// kernel: sparse-core-data-format-call.1.cloned.1.call-start
scs
called_computation.1_lowered:
.L_overlay_start_0:
0x0: {  	s2 =	sld [smem:$0x3FD9]  }
0x1: {  	s3 =	sld [smem:$0x3FFE];
	_ =	sdelay $0x1  }
0x2: {  	s1 =	srdreg.scid  }
0x3: {  	s0 =	sand.u32 $0x1, s1  }
0x4: {  	s18 =	sshll.u32 s0, $0xA;
	s2 =	sadd.s32 s3, s2  }
0x5: {  	s2 =	sadd.s32 s2, s18  }
0x6: {  	[smem:$0x3FBD] =	sst s2  }
0x7: {  	_ = 	snop  }
0x8: {  	(tm) =	ssettm $0x1  }
0x9: {  	s19 =	sld [smem:$0x3FFB];
	_ =	sdelay $0x3  }
0xa: {  	_ =	strace s19  }
0xb: {  	s2 =	sld [smem:$0x3FFC];
	_ =	sdelay $0x3  }
0xc: {  	_ =	strace s2  }
0xd: {  	s2 =	sld [smem:$0x3FFD];
	_ =	sdelay $0x3  }
0xe: {  	_ =	strace s2  }
0xf: {  	_ =	strace $0x8FFFFFFF  }
0x10: {  	s20 =	sld [smem:$0x3FDB];
	_ =	sdelay $0x1  }
0x11: {  	s21 =	simm.s32 $_scs_section_size  }
0x12: {  	s4 =	simm.s32 $_size__tile_overlayer_lowered;
	s5 =	simm.s32 $_tile_overlayer_lowered  }
0x13: {  	s6 =	simm.s32 $0x1BFF;
	s22 =	sshll.u32 s5, $0x1;
	s3 =	sadd.s32 s21, s20  }
0x14: {  	s23 =	simm.s32 $0x0;
	s4 =	sshll.u32 s4, $0x1;
	s5 =	sadd.s32 s22, s3  }
0x15: {  	[timem:s23], [sflag:s6] =	dma.local [hbm:s5], s4  }
0x16: {  	_ =	swait.ge [sflag:s6], s4  }
0x17: {  	s4 =	ssub.s32 $0x0, s4;
	[sflag:s6] =	ssyncset.done $0x0  }
0x18: {  	[sflag:s6] =	ssyncadd.s32 s4;
	_ =	sdelay $0x1  }
0x19: {  	s24 =	simm.s32 $0x1B8B  }
0x1a: {  	_ =	swait.ge [sflag:s24], $0x1  }
0x1b: {  	[sflag:s24] =	ssyncset.done $0x0  }
0x1c: {  	[sflag:s24] =	ssyncadd.s32 $0xFFFFFFFF  }
0x1d: {  	s4 =	sld [smem:$0x0]  }
0x1e: {  	s5 =	sand.u32 $0xFFFFFFFE, s1  }
0x1f: {  	p0 =	sne.s32 s1, s5  }
0x20: {  	s5 =	sshll.u32 @p0 s5, $0xE  }
0x21: {  	s5 =	sadd.s32 @p0 $0x11B8D, s5;
	s6 =	sshll.u32 @p0 s4, $0x11  }
0x22: {  	s5 =	sor.u32 @p0 s6, s5  }
0x23: {  	[sflag:s5] =	ssyncadd.remote.s32 @p0 $0x1;
	_ =	sdelay $0x1  }
0x24: {  	s5 =	simm.s32 @p0 $0x1B8D  }
0x25: {  	_ =	swait.eq @p0 [sflag:s5], $0x1  }
0x26: {  	[sflag:s5] =	ssyncadd.s32 @p0 $0xFFFFFFFF  }
0x27: {  	s6 =	sshll.u32 @!p0 s1, $0xE  }
0x28: {  	s6 =	sor.u32 @!p0 $0x4000, s6;
	s5 =	simm.s32 @!p0 $0x1B8D  }
0x29: {  	s4 =	sshll.u32 @!p0 s4, $0x11;
	s6 =	sadd.s32 @!p0 $0x11B8D, s6;
	_ =	swait.eq @!p0 [sflag:s5], $0x1  }
0x2a: {  	s4 =	sor.u32 @!p0 s4, s6;
	[sflag:s5] =	ssyncadd.s32 @!p0 $0xFFFFFFFF  }
0x2b: {  	s26 =	simm.s32 $0x1B8E;
	s25 =	sld [smem:$0x3FFE];
	[sflag:s4] =	ssyncadd.remote.s32 @!p0 $0x1  }
0x2c: {  	s27 =	simm.s32 $execute0_lowered;
	[smem:$0x3FD2] =	sst s26  }
0x2d: {  	s5 =	sshll.u32 s27, $0x1;
	_ =	strace $0x80000049;
	[dreg:$0x1] =	wrdreg $0xFFFFFFFF  }
0x2e: {  	s28 =	simm.s32 $_size_execute0_lowered;
	s3 =	sadd.s32 s3, s5;
	[dreg:$0x0] =	wrdreg $0x0  }
0x2f: {  	s5 =	sshll.u32 s28, $0x1;
	[dreg:$0x2] =	wrdreg s3  }
0x30: {  	[dreg:$0x3] =	wrdreg s5  }
0x31: {  	[dreg:$0x4] =	wrdreg $0xC0  }
0x32: {  	_ =	task [dreg:s23], $0x5FFFF  }
0x33: {  	[dreg:$0x1] =	wrdreg $0xFFFFFFFF  }
0x34: {  	[dreg:$0x0] =	wrdreg $0x60  }
0x35: {  	[dreg:$0x2] =	wrdreg s25  }
0x36: {  	[dreg:$0x3] =	wrdreg $0xA  }
0x37: {  	_ =	task.clear_ibuf [dreg:s23], $0x4FFFF;
	_ =	strace $0x90000049  }
0x38: {  	s29 =	simm.s32 $0xA;
	_ =	strace $0x8000004B  }
0x39: {  	_ =	swait.ge [sflag:s29], $0x1  }
0x3a: {  	[sflag:s29] =	ssyncadd.s32 $0xFFFFFFFF  }
0x3b: {  	_ =	strace $0x9000004B  }
0x3c: {  	_ =	sfence  }
0x3d: {  	s30 =	sld [smem:$0x0];
	_ =	sdelay $0x2  }
0x3e: {  	s31 =	sshll.u32 s1, $0xD;
	s1 =	sshrl.u32 s1, $0x2  }
0x3f: {  	s4 =	sand.u32 $0x4000, s31;
	s1 =	sadd.s32 s1, s30  }
0x40: {  	s0 =	sor.u32 s4, s0;
	s1 =	sshll.u32 s1, $0x11  }
0x41: {  	s0 =	sor.u32 s1, s0  }
0x42: {  	s0 =	sadd.s32 $0x8F2B, s0  }
0x43: {  	[sflag:s0] =	ssyncadd.remote.s32 $0x1  }
0x44: {  	_ =	sfence.sel $0xFFFF  }
0x45: {  	[dreg:$0x0] =	wrdreg $0xFFFFFFFF;
	(pc) =	sbr.abs _section_cstart, $3  }
0x46: {  	[dreg:$0x1] =	wrdreg $0xFFFFFFFF  }
0x47: {  	_ =	task.clear_ibuf [dreg:s23], $0x2FFFF;
	_ =	strace $0x9FFFFFFF  }
0x48: {  	(tm) =	ssettm $0x7FFFFFFF  }
0x49: {  	_ =	shalt  }
tec
execute0_lowered:
.L_overlay_start_1:
0x0: {  	(tag) =	ssettag $0x1  }
0x1: {  	s0 =	srdreg.scid  }
0x2: {  	s1 =	sshll.u32 s0, $0x4  }
0x3: {  	s4 =	rddreg [dreg:$0x0];
	s0 =	stileid.u32;
	s1 =	sand.u32 $0x10, s1  }
0x4: {  	s7 =	simm.s32 $0x1;
	s8 =	simm.s32 $0x2;
	s2 =	sor.u32 s0, s1  }
0x5: {  	s9 =	simm.s32 $0x0;
	s12 =	simm.s32 $0x0;
	s2 =	sshll.u32 s2, $0x2  }
0x6: {  	s11 =	simm.s32 $0x0;
	s3 =	sadd.s32 $0x157400, s4;
	s6 =	ssub.s32 $0xAA0, s2  }
.Ltmp0:
0x7: {  	s4 =	sadd.s32 $0x3FF400, s4;
	s5 =	sand.u32 $0x7C, s6;
	(pc) =	sbr.rel .LBB1_1-.Ltmp0, $4  }
0x8: {  	s1 =	rddreg [dreg:$0x1];
	_ =	strace $0x8000004A;
	p0 =	sne.s32 s5, $0x0  }
0x9: {  	s6 =	sshrl.u32 s6, $0x7;
	s5 =	simm.s32 $0x1;
	s7 =	simm.s32 @!p0 $0x0  }
0xa: {  	s10 =	smov.u32 s2;
	[sflag:s5] =	ssyncpa.u1 $0x0;
	s6 =	sadd.s32 s7, s6  }
0xb: {  	[sflag:s8] =	ssyncpa.u1 $0x0;
	s8 =	simm.s32 $0x0;
	s7 =	sadd.s32 $0x1, s6  }
.LBB1_9:
0xc: {  	s14 =	sadd.s32 $0x80, s10  }
0xd: {  	p1 =	sgt.s32 s14, $0xA9F  }
0xe: {  	s14 =	smov.u32 @p1 s2;
	p1 =	sne.s32 s11, s7  }
.Ltmp1:
0xf: {  	p0 =	slt.u32 s11, $0x2;
	(pc) =	sbr.rel @!p1 .LBB1_10-.Ltmp1, $4  }
0x10: {  	s13 =	simm.s32 @!p0 $0x2  }
0x11: {  	s15 =	sadd.s32 $0x1, s11;
	_ =	swait.ge @!p0 [sflag:s13], $0x4000  }
0x12: {  	s12 =	smov.u32 s10;
	s9 =	sadd.s32 $0x4000, s9;
	[sflag:s13] =	ssyncset.done @!p0 $0x0  }
0x13: {  	s11 =	smov.u32 s15;
	s10 =	smov.u32 s14;
	[sflag:s13] =	ssyncadd.s32 @!p0 $0xFFFFC000  }
.LBB1_1:
0x14: {  	p0 =	sge.u32 s11, s6  }
0x15: {  	s13 =	sxor.u32 @!p0 $0xFFFFFFFF, s11  }
0x16: {  	s31 =	sadd.s32 $0xFFFFFFFF, s11;
	s14 =	sshll.u32 @!p0 s10, $0x9;
	s13 =	sshll.u32 @!p0 s13, $0xE  }
0x17: {  	s15 =	simm.s32 @!p0 $0x0;
	s14 =	sadd.s32 @!p0 s3, s14;
	s13 =	sand.u32 @!p0 $0x4000, s13  }
0x18: {  	[tilespmem:s13], [sflag:$0x1] =	stream.linear.gather @!p0 [hbm4b:s14+s15], $0x4000, $0x38;
	[tilespmem:$0x10000] =	vst v63  }
0x19: {  	p0 =	sge.u32 s31, s6  }
.Ltmp2:
0x1a: {  	_ = 	snop;
	(pc) =	sbr.rel @p0 .LBB1_9-.Ltmp2, $1  }
0x1b: {  	_ =	sdelay $0x3  }
0x1c: {  	s14 =	sand.u32 $0x4000, s9  }
0x1d: {  	_ =	swait.ge [sflag:s5], $0x4000;
	s15 =	sshll.u32 s11, $0xE;
	s16 =	simm.s32 $0x0  }
0x1e: {  	s13 =	sor.u32 $0x40, s14;
	[sflag:s5] =	ssyncset.done $0x0;
	s15 =	sand.u32 $0x4000, s15  }
0x1f: {  	s14 =	sor.u32 $0x8040, s14;
	[sflag:s5] =	ssyncadd.s32 $0xFFFFC000;
	s15 =	sor.u32 $0x8000, s15  }
.LBB1_3:
0x20: {  	s17 =	smov.u32 s14;
	s18 =	smov.u32 s13;
	s19 =	simm.s32 $0x0  }
.LBB1_4:
0x21: {  	v0 =	vmov s17;
	v2 =	vld [tilespmem:s18+$0x30]  }
0x22: {  	v4 =	vld [tilespmem:s18+$0xFFFFFFD0]  }
0x23: {  	v6 =	vld [tilespmem:s18+$0xFFFFFFE0]  }
0x24: {  	v7 =	vld [tilespmem:s18+$0xFFFFFFF0]  }
0x25: {  	s20 =	simm.s32 $0x0;
	v1 =	vld [tilespmem:s18+$0x0]  }
0x26: {  	v3 =	vld [tilespmem:s18+$0x10];
	[tilespmem:v0+s20+$0x30 ss:$0x1] =	vst.idx.msk $0xffff, v2  }
0x27: {  	v5 =	vld [tilespmem:s18+$0x20];
	[tilespmem:v0+s20+$0xFFFFFFD0 ss:$0x1] =	vst.idx.msk $0xffff, v4  }
0x28: {  	s21 =	sadd.s32 $0x80, s18;
	v2 =	vld [tilespmem:s18+$0xFFFFFFC0];
	[tilespmem:v0+s20+$0xFFFFFFE0 ss:$0x1] =	vst.idx.msk $0xffff, v6  }
0x29: {  	s22 =	simm.s32 $0x800;
	s23 =	simm.s32 $0x1000;
	v4 =	vld [tilespmem:s21+$0x30];
	[tilespmem:v0+s20+$0xFFFFFFF0 ss:$0x1] =	vst.idx.msk $0xffff, v7  }
.LBB1_5:
0x2a: {  	p0 =	sne.s32 s23, $0x3800;
	v6 =	vld [tilespmem:s21+$0xFFFFFFD0];
	[tilespmem:v0+s20+$0x0 ss:$0x1] =	vst.idx.msk $0xffff, v1  }
0x2b: {  	v7 =	vld [tilespmem:s21+$0xFFFFFFE0];
	[tilespmem:v0+s20+$0x10 ss:$0x1] =	vst.idx.msk $0xffff, v3  }
0x2c: {  	v8 =	vld [tilespmem:s21+$0xFFFFFFF0];
	[tilespmem:v0+s20+$0x20 ss:$0x1] =	vst.idx.msk $0xffff, v5  }
.Ltmp3:
0x2d: {  	v1 =	vld [tilespmem:s21+$0x0];
	[tilespmem:v0+s20+$0xFFFFFFC0 ss:$0x1] =	vst.idx.msk $0xffff, v2;
	s20 =	sshra.s32 s22, $0x2;
	s22 =	smov.u32 s23;
	(pc) =	sbr.rel @p0 .LBB1_5-.Ltmp3, $4  }
0x2e: {  	v3 =	vld [tilespmem:s21+$0x10];
	[tilespmem:v0+s20+$0x30 ss:$0x1] =	vst.idx.msk $0xffff, v4  }
0x2f: {  	[tilespmem:v0+s20+$0xFFFFFFD0 ss:$0x1] =	vst.idx.msk $0xffff, v6;
	v5 =	vld [tilespmem:s21+$0x20]  }
0x30: {  	v2 =	vld [tilespmem:s21+$0xFFFFFFC0];
	[tilespmem:v0+s20+$0xFFFFFFE0 ss:$0x1] =	vst.idx.msk $0xffff, v7;
	s21 =	sadd.s32 $0x80, s21  }
0x31: {  	s23 =	sadd.s32 $0x800, s23;
	v4 =	vld [tilespmem:s21+$0x30];
	[tilespmem:v0+s20+$0xFFFFFFF0 ss:$0x1] =	vst.idx.msk $0xffff, v8  }
0x32: {  	_ =	sdelay $0x3  }
0x33: {  	v6 =	vld [tilespmem:s21+$0xFFFFFFD0];
	[tilespmem:v0+s20+$0x0 ss:$0x1] =	vst.idx.msk $0xffff, v1  }
0x34: {  	v58 =	vld [tilespmem:s21+$0xFFFFFFE0];
	[tilespmem:v0+s20+$0x10 ss:$0x1] =	vst.idx.msk $0xffff, v3  }
0x35: {  	v59 =	vld [tilespmem:s21+$0xFFFFFFF0];
	[tilespmem:v0+s20+$0x20 ss:$0x1] =	vst.idx.msk $0xffff, v5  }
0x36: {  	s22 =	sshra.s32 s22, $0x2;
	v60 =	vld [tilespmem:s21+$0x0];
	[tilespmem:v0+s20+$0xFFFFFFC0 ss:$0x1] =	vst.idx.msk $0xffff, v2  }
0x37: {  	v61 =	vld [tilespmem:s21+$0x10];
	[tilespmem:v0+s22+$0x30 ss:$0x1] =	vst.idx.msk $0xffff, v4  }
0x38: {  	v62 =	vld [tilespmem:s21+$0x20];
	s19 =	sadd.s32 $0x1, s19;
	[tilespmem:v0+s22+$0xFFFFFFD0 ss:$0x1] =	vst.idx.msk $0xffff, v6  }
0x39: {  	v63 =	vld [tilespmem:s21+$0xFFFFFFC0];
	p0 =	sne.s32 s19, $0x4;
	[tilespmem:v0+s22+$0xFFFFFFE0 ss:$0x1] =	vst.idx.msk $0xffff, v58  }
.Ltmp4:
0x3a: {  	[tilespmem:v0+s22+$0xFFFFFFF0 ss:$0x1] =	vst.idx.msk $0xffff, v59;
	(pc) =	sbr.rel @p0 .LBB1_4-.Ltmp4, $4  }
0x3b: {  	[tilespmem:v0+s22+$0x0 ss:$0x1] =	vst.idx.msk $0xffff, v60  }
0x3c: {  	[tilespmem:v0+s22+$0x10 ss:$0x1] =	vst.idx.msk $0xffff, v61  }
0x3d: {  	[tilespmem:v0+s22+$0x20 ss:$0x1] =	vst.idx.msk $0xffff, v62  }
0x3e: {  	s18 =	sadd.s32 $0x400, s18;
	s17 =	sadd.s32 $0x80, s17;
	[tilespmem:v0+s22+$0xFFFFFFC0 ss:$0x1] =	vst.idx.msk $0xffff, v63  }
0x3f: {  	s16 =	sadd.s32 $0x1, s16  }
0x40: {  	p0 =	sne.s32 s16, $0x4  }
.Ltmp5:
0x41: {  	_ = 	snop;
	(pc) =	sbr.rel @p0 .LBB1_3-.Ltmp5, $2  }
0x42: {  	_ =	sdelay $0x2  }
0x43: {  	s13 =	sadd.s32 $0x1000, s13;
	s14 =	sadd.s32 $0x1000, s14  }
.Ltmp6:
0x44: {  	(pc) =	sbr.rel .LBB1_9-.Ltmp6, $4  }
0x45: {  	_ = 	snop  }
0x46: {  	s12 =	sshll.u32 s12, $0x9  }
0x47: {  	s12 =	sadd.s32 s4, s12  }
0x48: {  	[hbm4b:s12+s8] =	stream.linear.scatter [tilespmem:s15], [sflag:$0x2], $0x4000, $0x38;
	[tilespmem:$0x10000] =	vst v63  }
.LBB1_10:
0x49: {  	_ =	sfence.sel $0x180000  }
0x4a: {  	s2 =	simm.s32 $0x1;
	[bflag:$0x0] =	sbarrier.arrive $0xFFFF  }
0x4b: {  	s31 =	simm.s32 $0x2;
	[sflag:s2] =	ssyncpa.u1 $0x1  }
0x4c: {  	[sflag:s31] =	ssyncpa.u1 $0x1  }
0x4d: {  	p0 =	sne.s32 s0, $0x0;
	_ =	strace $0x9000004A  }
0x4e: {  	s0 =	sadd.s32 @!p0 $0x100000, s1;
	[bflag:$0x2] =	sbarrier.arrive $0xFFFF  }
0x4f: {  	[sflag:s0] =	ssyncadd.tile.s32 @!p0 $0x1;
	_ =	shalt  }
.Lfunc_end1:
_tile_overlayer_lowered:
.L_overlay_start_2:
0x50: {  	(tag) =	ssettag $0x2  }
0x51: {  	s0 =	rddreg [dreg:$0x0];
	s2 =	stileid.u32  }
0x52: {  	s1 =	rddreg [dreg:$0x1];
	p0 =	sne.s32 s2, $0x0  }
0x53: {  	s3 =	rddreg [dreg:$0x2];
	[bflag:$0x3] =	sbarrier.arrive $0xFFFF;
	s2 =	simm.s32 @!p0 $0x1C01  }
0x54: {  	[timem:s3], [sflag:s2] =	dma.local @!p0 [hbm:s0], s1  }
0x55: {  	s0 =	simm.s32 @!p0 $0x1  }
0x56: {  	_ =	swait.ge @!p0 [sflag:s0], s1  }
0x57: {  	s1 =	ssub.s32 @!p0 $0x0, s1;
	[sflag:s0] =	ssyncset.done @!p0 $0x0  }
0x58: {  	[sflag:s0] =	ssyncadd.s32 @!p0 s1  }
0x59: {  	[bflag:$0x3] =	sbarrier.arrive $0xFFFF  }
0x5a: {  	_ =	shalt  }

// kernel: sparse-core-data-format-call.cloned.1.call-start
scs
called_computation_lowered:
.L_overlay_start_0:
0x0: {  	s1 =	sld [smem:$0x3FD9]  }
0x1: {  	s2 =	sld [smem:$0x3FFE];
	_ =	sdelay $0x1  }
0x2: {  	s3 =	srdreg.scid  }
0x3: {  	s0 =	sand.u32 $0x1, s3  }
0x4: {  	s17 =	sshll.u32 s0, $0xA;
	s1 =	sadd.s32 s2, s1  }
0x5: {  	s1 =	sadd.s32 s1, s17  }
0x6: {  	[smem:$0x3FBD] =	sst s1  }
0x7: {  	_ = 	snop  }
0x8: {  	(tm) =	ssettm $0x1  }
0x9: {  	s18 =	sld [smem:$0x3FFB];
	_ =	sdelay $0x3  }
0xa: {  	_ =	strace s18  }
0xb: {  	s1 =	sld [smem:$0x3FFC];
	_ =	sdelay $0x3  }
0xc: {  	_ =	strace s1  }
0xd: {  	s1 =	sld [smem:$0x3FFD];
	_ =	sdelay $0x3  }
0xe: {  	_ =	strace s1  }
0xf: {  	_ =	strace $0x8FFFFFFF  }
0x10: {  	s19 =	sld [smem:$0x3FDB];
	_ =	sdelay $0x1  }
0x11: {  	s20 =	simm.s32 $_scs_section_size  }
0x12: {  	s4 =	simm.s32 $_size__tile_overlayer_lowered;
	s5 =	simm.s32 $_tile_overlayer_lowered  }
0x13: {  	s23 =	simm.s32 $0x1BFF;
	s22 =	sshll.u32 s5, $0x1;
	s1 =	sadd.s32 s20, s19  }
0x14: {  	s6 =	simm.s32 $0x0;
	s21 =	sshll.u32 s4, $0x1;
	s4 =	sadd.s32 s22, s1  }
0x15: {  	[timem:s6], [sflag:s23] =	dma.local [hbm:s4], s21  }
0x16: {  	_ =	swait.ge [sflag:s23], s21  }
0x17: {  	s2 =	ssub.s32 $0x0, s21;
	[sflag:s23] =	ssyncset.done $0x0  }
0x18: {  	[sflag:s23] =	ssyncadd.s32 s2;
	_ =	sdelay $0x1  }
0x19: {  	s24 =	simm.s32 $0x1B8B  }
0x1a: {  	_ =	swait.ge [sflag:s24], $0x1  }
0x1b: {  	[sflag:s24] =	ssyncset.done $0x0  }
0x1c: {  	s26 =	simm.s32 $0x1B8E;
	s25 =	sld [smem:$0x3FFE];
	[sflag:s24] =	ssyncadd.s32 $0xFFFFFFFF  }
0x1d: {  	s27 =	simm.s32 $execute0_lowered;
	[smem:$0x3FD2] =	sst s26  }
0x1e: {  	s4 =	sshll.u32 s27, $0x1;
	_ =	strace $0x80000046;
	[dreg:$0x1] =	wrdreg $0xFFFFFFFF  }
0x1f: {  	s28 =	simm.s32 $_size_execute0_lowered;
	s1 =	sadd.s32 s1, s4;
	[dreg:$0x0] =	wrdreg $0x0  }
0x20: {  	s4 =	sshll.u32 s28, $0x1;
	[dreg:$0x2] =	wrdreg s1  }
0x21: {  	[dreg:$0x3] =	wrdreg s4  }
0x22: {  	[dreg:$0x4] =	wrdreg $0xC0  }
0x23: {  	_ =	task [dreg:s6], $0x5FFFF  }
0x24: {  	[dreg:$0x1] =	wrdreg $0xFFFFFFFF  }
0x25: {  	[dreg:$0x0] =	wrdreg $0x60  }
0x26: {  	[dreg:$0x2] =	wrdreg s25  }
0x27: {  	[dreg:$0x3] =	wrdreg $0x9  }
0x28: {  	_ =	task.clear_ibuf [dreg:s6], $0x4FFFF;
	_ =	strace $0x90000046  }
0x29: {  	s29 =	simm.s32 $0x9;
	_ =	strace $0x80000048  }
0x2a: {  	_ =	swait.ge [sflag:s29], $0x1  }
0x2b: {  	[sflag:s29] =	ssyncadd.s32 $0xFFFFFFFF  }
0x2c: {  	_ =	strace $0x90000048  }
0x2d: {  	_ =	sfence  }
0x2e: {  	s30 =	sld [smem:$0x0];
	_ =	sdelay $0x2  }
0x2f: {  	s31 =	sshll.u32 s3, $0xD;
	s3 =	sshrl.u32 s3, $0x2  }
0x30: {  	s2 =	sand.u32 $0x4000, s31;
	s1 =	sadd.s32 s3, s30  }
0x31: {  	s0 =	sor.u32 s2, s0;
	s1 =	sshll.u32 s1, $0x11  }
0x32: {  	s0 =	sor.u32 s1, s0  }
0x33: {  	s0 =	sadd.s32 $0x8F2B, s0  }
0x34: {  	[sflag:s0] =	ssyncadd.remote.s32 $0x1  }
0x35: {  	_ =	sfence.sel $0xFFFF  }
0x36: {  	[dreg:$0x0] =	wrdreg $0xFFFFFFFF;
	(pc) =	sbr.abs _section_cstart, $3  }
0x37: {  	[dreg:$0x1] =	wrdreg $0xFFFFFFFF  }
0x38: {  	_ =	task.clear_ibuf [dreg:s6], $0x2FFFF;
	_ =	strace $0x9FFFFFFF  }
0x39: {  	(tm) =	ssettm $0x7FFFFFFF  }
tec
execute0_lowered:
.L_overlay_start_1:
0x0: {  	(tag) =	ssettag $0x1  }
0x1: {  	s0 =	srdreg.scid  }
0x2: {  	s1 =	sshll.u32 s0, $0x4  }
0x3: {  	s4 =	rddreg [dreg:$0x0];
	s0 =	stileid.u32;
	s1 =	sand.u32 $0x10, s1  }
0x4: {  	s7 =	simm.s32 $0x1;
	s8 =	simm.s32 $0x2;
	s1 =	sor.u32 s0, s1  }
0x5: {  	s9 =	simm.s32 $0x0;
	s12 =	simm.s32 $0x0;
	s2 =	sshll.u32 s1, $0x2  }
0x6: {  	s11 =	simm.s32 $0x0;
	s3 =	sadd.s32 $0x3400, s4;
	s6 =	ssub.s32 $0xAA0, s2  }
.Ltmp0:
0x7: {  	s4 =	sadd.s32 $0x2AB400, s4;
	s5 =	sand.u32 $0x7C, s6;
	(pc) =	sbr.rel .LBB1_1-.Ltmp0, $4  }
0x8: {  	s1 =	rddreg [dreg:$0x1];
	_ =	strace $0x80000047;
	p0 =	sne.s32 s5, $0x0  }
0x9: {  	s6 =	sshrl.u32 s6, $0x7;
	s5 =	simm.s32 $0x1;
	s7 =	simm.s32 @!p0 $0x0  }
0xa: {  	s10 =	smov.u32 s2;
	[sflag:s5] =	ssyncpa.u1 $0x0;
	s6 =	sadd.s32 s7, s6  }
0xb: {  	[sflag:s8] =	ssyncpa.u1 $0x0;
	s8 =	simm.s32 $0x0;
	s7 =	sadd.s32 $0x1, s6  }
.LBB1_9:
0xc: {  	s14 =	sadd.s32 $0x80, s10  }
0xd: {  	p1 =	sgt.s32 s14, $0xA9F  }
0xe: {  	s14 =	smov.u32 @p1 s2;
	p1 =	sne.s32 s11, s7  }
.Ltmp1:
0xf: {  	p0 =	slt.u32 s11, $0x2;
	(pc) =	sbr.rel @!p1 .LBB1_10-.Ltmp1, $4  }
0x10: {  	s13 =	simm.s32 @!p0 $0x2  }
0x11: {  	s15 =	sadd.s32 $0x1, s11;
	_ =	swait.ge @!p0 [sflag:s13], $0x4000  }
0x12: {  	s12 =	smov.u32 s10;
	s9 =	sadd.s32 $0x4000, s9;
	[sflag:s13] =	ssyncset.done @!p0 $0x0  }
0x13: {  	s11 =	smov.u32 s15;
	s10 =	smov.u32 s14;
	[sflag:s13] =	ssyncadd.s32 @!p0 $0xFFFFC000  }
.LBB1_1:
0x14: {  	p0 =	sge.u32 s11, s6  }
0x15: {  	s13 =	sxor.u32 @!p0 $0xFFFFFFFF, s11  }
0x16: {  	s31 =	sadd.s32 $0xFFFFFFFF, s11;
	s14 =	sshll.u32 @!p0 s10, $0x9;
	s13 =	sshll.u32 @!p0 s13, $0xE  }
0x17: {  	s15 =	simm.s32 @!p0 $0x0;
	s14 =	sadd.s32 @!p0 s3, s14;
	s13 =	sand.u32 @!p0 $0x4000, s13  }
0x18: {  	[tilespmem:s13], [sflag:$0x1] =	stream.linear.gather @!p0 [hbm4b:s14+s15], $0x4000, $0x38;
	[tilespmem:$0x10000] =	vst v63  }
0x19: {  	p0 =	sge.u32 s31, s6  }
.Ltmp2:
0x1a: {  	_ = 	snop;
	(pc) =	sbr.rel @p0 .LBB1_9-.Ltmp2, $1  }
0x1b: {  	_ =	sdelay $0x3  }
0x1c: {  	s14 =	sand.u32 $0x4000, s9  }
0x1d: {  	_ =	swait.ge [sflag:s5], $0x4000;
	s15 =	sshll.u32 s11, $0xE;
	s16 =	simm.s32 $0x0  }
0x1e: {  	s13 =	sor.u32 $0x40, s14;
	[sflag:s5] =	ssyncset.done $0x0;
	s15 =	sand.u32 $0x4000, s15  }
0x1f: {  	s14 =	sor.u32 $0x8040, s14;
	[sflag:s5] =	ssyncadd.s32 $0xFFFFC000;
	s15 =	sor.u32 $0x8000, s15  }
.LBB1_3:
0x20: {  	s17 =	smov.u32 s14;
	s18 =	smov.u32 s13;
	s19 =	simm.s32 $0x0  }
.LBB1_4:
0x21: {  	v0 =	vmov s17;
	v2 =	vld [tilespmem:s18+$0x30]  }
0x22: {  	v4 =	vld [tilespmem:s18+$0xFFFFFFD0]  }
0x23: {  	v6 =	vld [tilespmem:s18+$0xFFFFFFE0]  }
0x24: {  	v7 =	vld [tilespmem:s18+$0xFFFFFFF0]  }
0x25: {  	s20 =	simm.s32 $0x0;
	v1 =	vld [tilespmem:s18+$0x0]  }
0x26: {  	v3 =	vld [tilespmem:s18+$0x10];
	[tilespmem:v0+s20+$0x30 ss:$0x1] =	vst.idx.msk $0xffff, v2  }
0x27: {  	v5 =	vld [tilespmem:s18+$0x20];
	[tilespmem:v0+s20+$0xFFFFFFD0 ss:$0x1] =	vst.idx.msk $0xffff, v4  }
0x28: {  	s21 =	sadd.s32 $0x80, s18;
	v2 =	vld [tilespmem:s18+$0xFFFFFFC0];
	[tilespmem:v0+s20+$0xFFFFFFE0 ss:$0x1] =	vst.idx.msk $0xffff, v6  }
0x29: {  	s22 =	simm.s32 $0x800;
	s23 =	simm.s32 $0x1000;
	v4 =	vld [tilespmem:s21+$0x30];
	[tilespmem:v0+s20+$0xFFFFFFF0 ss:$0x1] =	vst.idx.msk $0xffff, v7  }
.LBB1_5:
0x2a: {  	p0 =	sne.s32 s23, $0x3800;
	v6 =	vld [tilespmem:s21+$0xFFFFFFD0];
	[tilespmem:v0+s20+$0x0 ss:$0x1] =	vst.idx.msk $0xffff, v1  }
0x2b: {  	v7 =	vld [tilespmem:s21+$0xFFFFFFE0];
	[tilespmem:v0+s20+$0x10 ss:$0x1] =	vst.idx.msk $0xffff, v3  }
0x2c: {  	v8 =	vld [tilespmem:s21+$0xFFFFFFF0];
	[tilespmem:v0+s20+$0x20 ss:$0x1] =	vst.idx.msk $0xffff, v5  }
.Ltmp3:
0x2d: {  	v1 =	vld [tilespmem:s21+$0x0];
	[tilespmem:v0+s20+$0xFFFFFFC0 ss:$0x1] =	vst.idx.msk $0xffff, v2;
	s20 =	sshra.s32 s22, $0x2;
	s22 =	smov.u32 s23;
	(pc) =	sbr.rel @p0 .LBB1_5-.Ltmp3, $4  }
0x2e: {  	v3 =	vld [tilespmem:s21+$0x10];
	[tilespmem:v0+s20+$0x30 ss:$0x1] =	vst.idx.msk $0xffff, v4  }
0x2f: {  	[tilespmem:v0+s20+$0xFFFFFFD0 ss:$0x1] =	vst.idx.msk $0xffff, v6;
	v5 =	vld [tilespmem:s21+$0x20]  }
0x30: {  	v2 =	vld [tilespmem:s21+$0xFFFFFFC0];
	[tilespmem:v0+s20+$0xFFFFFFE0 ss:$0x1] =	vst.idx.msk $0xffff, v7;
	s21 =	sadd.s32 $0x80, s21  }
0x31: {  	s23 =	sadd.s32 $0x800, s23;
	v4 =	vld [tilespmem:s21+$0x30];
	[tilespmem:v0+s20+$0xFFFFFFF0 ss:$0x1] =	vst.idx.msk $0xffff, v8  }
0x32: {  	_ =	sdelay $0x3  }
0x33: {  	v6 =	vld [tilespmem:s21+$0xFFFFFFD0];
	[tilespmem:v0+s20+$0x0 ss:$0x1] =	vst.idx.msk $0xffff, v1  }
0x34: {  	v58 =	vld [tilespmem:s21+$0xFFFFFFE0];
	[tilespmem:v0+s20+$0x10 ss:$0x1] =	vst.idx.msk $0xffff, v3  }
0x35: {  	v59 =	vld [tilespmem:s21+$0xFFFFFFF0];
	[tilespmem:v0+s20+$0x20 ss:$0x1] =	vst.idx.msk $0xffff, v5  }
0x36: {  	s22 =	sshra.s32 s22, $0x2;
	v60 =	vld [tilespmem:s21+$0x0];
	[tilespmem:v0+s20+$0xFFFFFFC0 ss:$0x1] =	vst.idx.msk $0xffff, v2  }
0x37: {  	v61 =	vld [tilespmem:s21+$0x10];
	[tilespmem:v0+s22+$0x30 ss:$0x1] =	vst.idx.msk $0xffff, v4  }
0x38: {  	v62 =	vld [tilespmem:s21+$0x20];
	s19 =	sadd.s32 $0x1, s19;
	[tilespmem:v0+s22+$0xFFFFFFD0 ss:$0x1] =	vst.idx.msk $0xffff, v6  }
0x39: {  	v63 =	vld [tilespmem:s21+$0xFFFFFFC0];
	p0 =	sne.s32 s19, $0x4;
	[tilespmem:v0+s22+$0xFFFFFFE0 ss:$0x1] =	vst.idx.msk $0xffff, v58  }
.Ltmp4:
0x3a: {  	[tilespmem:v0+s22+$0xFFFFFFF0 ss:$0x1] =	vst.idx.msk $0xffff, v59;
	(pc) =	sbr.rel @p0 .LBB1_4-.Ltmp4, $4  }
0x3b: {  	[tilespmem:v0+s22+$0x0 ss:$0x1] =	vst.idx.msk $0xffff, v60  }
0x3c: {  	[tilespmem:v0+s22+$0x10 ss:$0x1] =	vst.idx.msk $0xffff, v61  }
0x3d: {  	[tilespmem:v0+s22+$0x20 ss:$0x1] =	vst.idx.msk $0xffff, v62  }
0x3e: {  	s18 =	sadd.s32 $0x400, s18;
	s17 =	sadd.s32 $0x80, s17;
	[tilespmem:v0+s22+$0xFFFFFFC0 ss:$0x1] =	vst.idx.msk $0xffff, v63  }
0x3f: {  	s16 =	sadd.s32 $0x1, s16  }
0x40: {  	p0 =	sne.s32 s16, $0x4  }
.Ltmp5:
0x41: {  	_ = 	snop;
	(pc) =	sbr.rel @p0 .LBB1_3-.Ltmp5, $2  }
0x42: {  	_ =	sdelay $0x2  }
0x43: {  	s13 =	sadd.s32 $0x1000, s13;
	s14 =	sadd.s32 $0x1000, s14  }
.Ltmp6:
0x44: {  	(pc) =	sbr.rel .LBB1_9-.Ltmp6, $4  }
0x45: {  	_ = 	snop  }
0x46: {  	s12 =	sshll.u32 s12, $0x9  }
0x47: {  	s12 =	sadd.s32 s4, s12  }
0x48: {  	[hbm4b:s12+s8] =	stream.linear.scatter [tilespmem:s15], [sflag:$0x2], $0x4000, $0x38;
	[tilespmem:$0x10000] =	vst v63  }
.LBB1_10:
0x49: {  	_ =	sfence.sel $0x180000  }
0x4a: {  	s2 =	simm.s32 $0x1;
	[bflag:$0x0] =	sbarrier.arrive $0xFFFF  }
0x4b: {  	s31 =	simm.s32 $0x2;
	[sflag:s2] =	ssyncpa.u1 $0x1  }
0x4c: {  	[sflag:s31] =	ssyncpa.u1 $0x1  }
0x4d: {  	p0 =	sne.s32 s0, $0x0;
	_ =	strace $0x90000047  }
0x4e: {  	s0 =	sadd.s32 @!p0 $0x100000, s1;
	[bflag:$0x2] =	sbarrier.arrive $0xFFFF  }
0x4f: {  	[sflag:s0] =	ssyncadd.tile.s32 @!p0 $0x1;
	_ =	shalt  }
.Lfunc_end1:
_tile_overlayer_lowered:
.L_overlay_start_2:
0x50: {  	(tag) =	ssettag $0x2  }
0x51: {  	s0 =	rddreg [dreg:$0x0];
	s2 =	stileid.u32  }
0x52: {  	s1 =	rddreg [dreg:$0x1];
	p0 =	sne.s32 s2, $0x0  }
0x53: {  	s3 =	rddreg [dreg:$0x2];
	[bflag:$0x3] =	sbarrier.arrive $0xFFFF;
	s2 =	simm.s32 @!p0 $0x1C01  }
0x54: {  	[timem:s3], [sflag:s2] =	dma.local @!p0 [hbm:s0], s1  }
0x55: {  	s0 =	simm.s32 @!p0 $0x1  }
0x56: {  	_ =	swait.ge @!p0 [sflag:s0], s1  }
0x57: {  	s1 =	ssub.s32 @!p0 $0x0, s1;
	[sflag:s0] =	ssyncset.done @!p0 $0x0  }
0x58: {  	[sflag:s0] =	ssyncadd.s32 @!p0 s1  }
0x59: {  	[bflag:$0x3] =	sbarrier.arrive $0xFFFF  }
0x5a: {  	_ =	shalt  }

</sc_bundles>
